<compile_context>
chip_gen: v7x
topology: tpu7x:2x2x1
jax: 0.10.2.dev20260603
libtpu: 0.0.44.dev20260713+nightly
codegen_flags: <defaults>
</compile_context>

<pallas_src>
import functools
import math

import jax
import jax.numpy as jnp
from jax import lax
from jax.experimental import pallas as pl
from jax.experimental.pallas import tpu as pltpu
from jax.experimental.pallas import tpu_sc as plsc

H = 128
NBF = 16384
SPBF = 4
NBC = 2048
SPBC = 32
B = 64
S = 32
N_TOK = B * S

NC = 2
NS = 16
L = 16
NW = NC * NS
TPW = N_TOK // NW
CH = 4
NCHUNK = TPW // CH
NH = H // L

AF = 0.5 / math.sqrt(float(H))
AC = 1.0 / math.sqrt(float(H))
NEG = -1e30
STRD = 17


def _rsqrt_vec(x):
    i = plsc.bitcast(x, jnp.int32)
    y = plsc.bitcast(jnp.int32(0x5F3759DF) - (i >> 1), jnp.float32)
    for _ in range(3):
        y = y * (1.5 - 0.5 * x * y * y)
    return y


HALF = TPW // 2
HROWS = HALF * SPBF


def _sc_cam_body(q_hbm, tids_hbm, fk_hbm, fv_hbm, ck_hbm, cv_hbm,
                 vf_hbm, vc_hbm, sim_hbm,
                 q_v, tids_v, fidx_v, cidx_v,
                 fk0, fv0, ck0, cv0, fk1, fv1, ck1, cv1,
                 attn_v, vf_v, vc_v, sim_v,
                 sem0, sem1):
    wid = lax.axis_index("s") * NC + lax.axis_index("c")
    base = wid * TPW

    pltpu.sync_copy(q_hbm.at[pl.ds(base, TPW)], q_v)
    pltpu.sync_copy(tids_hbm.at[pl.ds(base, TPW)], tids_v)

    iota = lax.broadcasted_iota(jnp.int32, (L,), 0)

    def build_f(g, carry):
        p = g * L + iota
        tid = plsc.load_gather(tids_v, [p >> 2])
        fidx_v[g] = (tid & (NBF - 1)) * SPBF + (p & (SPBF - 1))
        return carry
    lax.fori_loop(0, NCHUNK, build_f, 0)

    def build_c(g, carry):
        p = g * L + iota
        tid = plsc.load_gather(tids_v, [p >> 5])
        cidx_v[g >> 3, pl.ds((g & 7) * L, L)] = (
            (tid & (NBC - 1)) * SPBC + (p & (SPBC - 1)))
        return carry
    lax.fori_loop(0, NCHUNK * 8, build_c, 0)

    bufs = ((fk0, fv0, ck0, cv0, sem0), (fk1, fv1, ck1, cv1, sem1))

    def issue(c, b):
        fk, fv, ck, cv, sem = bufs[b]
        pltpu.async_copy(fk_hbm.at[fidx_v.at[c]], fk, sem)
        pltpu.async_copy(fv_hbm.at[fidx_v.at[c]], fv, sem)
        pltpu.async_copy(ck_hbm.at[cidx_v.at[c]], ck, sem)
        pltpu.async_copy(cv_hbm.at[cidx_v.at[c]], cv, sem)

    def drain(b):
        fk, fv, ck, cv, sem = bufs[b]
        pltpu.make_async_copy(fk_hbm.at[pl.ds(0, CH * SPBF)], fk, sem).wait()
        pltpu.make_async_copy(fv_hbm.at[pl.ds(0, CH * SPBF)], fv, sem).wait()
        pltpu.make_async_copy(ck_hbm.at[pl.ds(0, CH * SPBC)], ck, sem).wait()
        pltpu.make_async_copy(cv_hbm.at[pl.ds(0, CH * SPBC)], cv, sem).wait()

    def _tree(parts):
        while len(parts) > 1:
            parts = [parts[i] + parts[i + 1]
                     for i in range(0, len(parts) - 1, 2)] + (
                         [parts[-1]] if len(parts) & 1 else [])
        return parts[0]

    def _shuf(x, perm):
        return x.at[perm].get(mode="promise_in_bounds")

    def _hsum(x):
        for sh in (8, 4, 2, 1):
            x = x + _shuf(x, iota ^ sh)
        return x

    def _hmax(x):
        for sh in (8, 4, 2, 1):
            x = jnp.maximum(x, _shuf(x, iota ^ sh))
        return x

    def compute(c, b, sims):
        fk, fv, ck, cv, _sem = bufs[b]

        def token_body(tt, sims):
            tok = c * CH + tt
            qv = [q_v[tok, pl.ds(i * L, L)] for i in range(NH)]

            ssq = _hsum(_tree([q * q for q in qv]))
            norm = jnp.where(ssq > 0.0, ssq * _rsqrt_vec(ssq), 0.0)
            sinv = 1.0 / (norm + 1e-6)

            def dot(tab, row):
                return _hsum(_tree(
                    [tab[row, pl.ds(i * L, L)] * qv[i] for i in range(NH)]))

            zv = jnp.zeros((L,), jnp.float32)

            def fdots(j, sf):
                d = dot(fk, tt * SPBF + j)
                return jnp.where(iota == j, d, sf)
            sf = lax.fori_loop(0, SPBF, fdots,
                               jnp.full((L,), NEG, dtype=jnp.float32))
            sf = sf * sinv
            simf = _hmax(sf)
            ef = jnp.exp((sf - simf) * AF)
            af = ef / _hsum(ef)

            def fws(j, acc):
                aj = _shuf(af, jnp.full((L,), 0, jnp.int32) + j)
                row = tt * SPBF + j
                return tuple(acc[i] + aj * fv[row, pl.ds(i * L, L)]
                             for i in range(NH))
            acc = lax.fori_loop(0, SPBF, fws, (zv,) * NH)
            for i in range(NH):
                vf_v[tok, pl.ds(i * L, L)] = acc[i]

            def cdots0(j, s0):
                d = dot(ck, tt * SPBC + j)
                return jnp.where(iota == j, d, s0)
            s0 = lax.fori_loop(0, L, cdots0, zv)

            def cdots1(j, s1):
                d = dot(ck, tt * SPBC + L + j)
                return jnp.where(iota == j, d, s1)
            s1 = lax.fori_loop(0, L, cdots1, zv)
            s0 = s0 * sinv
            s1 = s1 * sinv
            simc = _hmax(jnp.maximum(s0, s1))
            e0 = jnp.exp((s0 - simc) * AC)
            e1 = jnp.exp((s1 - simc) * AC)
            z = _hsum(e0 + e1)
            a0 = e0 / z
            a1 = e1 / z

            def cws0(j, acc):
                aj = _shuf(a0, jnp.full((L,), 0, jnp.int32) + j)
                row = tt * SPBC + j
                return tuple(acc[i] + aj * cv[row, pl.ds(i * L, L)]
                             for i in range(NH))
            acc = lax.fori_loop(0, L, cws0, (zv,) * NH)

            def cws1(j, acc):
                aj = _shuf(a1, jnp.full((L,), 0, jnp.int32) + j)
                row = tt * SPBC + L + j
                return tuple(acc[i] + aj * cv[row, pl.ds(i * L, L)]
                             for i in range(NH))
            acc = lax.fori_loop(0, L, cws1, acc)
            for i in range(NH):
                vc_v[tok, pl.ds(i * L, L)] = acc[i]

            sval = (simf + simc) * 0.5
            lane = tok & (L - 1)
            grp = tok >> 4
            return tuple(
                jnp.where((iota == lane) & (grp == g), sval, sims[g])
                for g in range(TPW // L))

        return lax.fori_loop(0, CH, token_body, sims)

    issue(0, 0)

    sims = tuple(jnp.zeros((L,), jnp.float32) for _ in range(TPW // L))

    def pair_body(it, sims):
        cc = it * 2
        for b in range(2):
            c = cc + b
            drain(b)

            @pl.when(c + 1 < NCHUNK)
            def _():
                issue(c + 1, 1 - b)

            sims = compute(c, b, sims)
        return sims
    sims = lax.fori_loop(0, NCHUNK // 2, pair_body, sims)
    for g in range(TPW // L):
        sim_v[pl.ds(g * L, L)] = sims[g]

    pltpu.sync_copy(vf_v, vf_hbm.at[pl.ds(base, TPW)])
    pltpu.sync_copy(vc_v, vc_hbm.at[pl.ds(base, TPW)])
    pltpu.sync_copy(sim_v, sim_hbm.at[pl.ds(base, TPW)])


@functools.cache
def _sc_cam():
    return pl.kernel(
        _sc_cam_body,
        out_type=(
            jax.ShapeDtypeStruct((N_TOK, H), jnp.float32),
            jax.ShapeDtypeStruct((N_TOK, H), jnp.float32),
            jax.ShapeDtypeStruct((N_TOK,), jnp.float32),
        ),
        mesh=plsc.VectorSubcoreMesh(core_axis_name="c", subcore_axis_name="s"),
        compiler_params=pltpu.CompilerParams(needs_layout_passes=False),
        scratch_types=[
            pltpu.VMEM((TPW, H), jnp.float32),
            pltpu.VMEM((TPW,), jnp.int32),
            pltpu.VMEM((NCHUNK, CH * SPBF), jnp.int32),
            pltpu.VMEM((NCHUNK, CH * SPBC), jnp.int32),
            pltpu.VMEM((CH * SPBF, H), jnp.float32),
            pltpu.VMEM((CH * SPBF, H), jnp.float32),
            pltpu.VMEM((CH * SPBC, H), jnp.float32),
            pltpu.VMEM((CH * SPBC, H), jnp.float32),
            pltpu.VMEM((CH * SPBF, H), jnp.float32),
            pltpu.VMEM((CH * SPBF, H), jnp.float32),
            pltpu.VMEM((CH * SPBC, H), jnp.float32),
            pltpu.VMEM((CH * SPBC, H), jnp.float32),
            pltpu.VMEM((SPBC + L,), jnp.float32),
            pltpu.VMEM((TPW, H), jnp.float32),
            pltpu.VMEM((TPW, H), jnp.float32),
            pltpu.VMEM((TPW,), jnp.float32),
            pltpu.SemaphoreType.DMA,
            pltpu.SemaphoreType.DMA,
        ],
    )


def _gate_body(vf_ref, vc_ref, w_ref, b_ref, out_ref):
    vf = vf_ref[...]
    vc = vc_ref[...]
    z = (jnp.dot(vf, w_ref[0:H, :], preferred_element_type=jnp.float32)
         + jnp.dot(vc, w_ref[H:2 * H, :], preferred_element_type=jnp.float32)
         + b_ref[...])
    g = 1.0 / (1.0 + jnp.exp(-z))
    out_ref[...] = vc + g * (vf - vc)


def _gate(vf, vc, w, b2):
    return pl.pallas_call(
        _gate_body,
        out_shape=jax.ShapeDtypeStruct((N_TOK, H), jnp.float32),
    )(vf, vc, w, b2)


def kernel(query, tids, fine_keys, fine_values, coarse_keys, coarse_values,
           W_gate, b_gate):
    q2 = query.reshape(N_TOK, H)
    tflat = tids.reshape(N_TOK)
    vf, vc, sim = _sc_cam()(q2, tflat, fine_keys, fine_values,
                            coarse_keys, coarse_values)
    v_out = _gate(vf, vc, W_gate, b_gate.reshape(1, H))
    return v_out.reshape(B, S, H), sim.reshape(B, S)

# --- scband reference (transcript-rebuilt; emitter-appended) ---
"""Pipeline reference for scband-multi-scale-cam-8366596292762 (READ-ONLY COPY).

The authoritative reference and input builder live on the scoring server;
editing this copy changes nothing except your own understanding.
"""

import jax, jax.numpy as jnp
import numpy as np

H = 128
V = 100000
NBF = 16384
SPBF = 4
NBC = 2048
SPBC = 32
B = 64
S = 32


def setup_inputs(seed: int = 0) -> dict:
    key = jax.random.key(seed)
    ks = jax.random.split(key, 8)
    query = jax.random.normal(ks[0], (B, S, H), dtype=jnp.float32)
    tids = jax.random.randint(ks[1], (B, S), 0, V, dtype=jnp.int32)
    fine_keys = jax.random.normal(ks[2], (NBF * SPBF, H), dtype=jnp.float32)
    fine_keys = fine_keys / (jnp.linalg.norm(fine_keys, axis=-1, keepdims=True) + 1e-6)
    fine_values = jax.random.normal(ks[3], (NBF * SPBF, H), dtype=jnp.float32) * 0.02
    coarse_keys = jax.random.normal(ks[4], (NBC * SPBC, H), dtype=jnp.float32)
    coarse_keys = coarse_keys / (jnp.linalg.norm(coarse_keys, axis=-1, keepdims=True) + 1e-6)
    coarse_values = jax.random.normal(ks[5], (NBC * SPBC, H), dtype=jnp.float32) * 0.02
    W_gate = jax.random.normal(ks[6], (2 * H, H), dtype=jnp.float32) * 0.02
    b_gate = jnp.zeros((H,), dtype=jnp.float32)
    return {"query": query, "tids": tids, "fine_keys": fine_keys, "fine_values": fine_values, "coarse_keys": coarse_keys, "coarse_values": coarse_values, "W_gate": W_gate, "b_gate": b_gate}


def _cam_read(q, tids, keys, values, n_buckets, spb, alpha):
    D = q.shape[-1]
    qn = q / (jnp.linalg.norm(q, axis=-1, keepdims=True) + 1e-6)
    buckets = jnp.mod(tids, n_buckets)  # [B, S] bucket hash of token id
    slot_idx = buckets[..., None] * spb + jnp.arange(spb)  # [B, S, spb]
    k_sel = jnp.take(keys, slot_idx, axis=0)    # gather: [B, S, spb, D]
    v_sel = jnp.take(values, slot_idx, axis=0)  # gather: [B, S, spb, D]
    scores = jnp.einsum('bsd,bspd->bsp', qn, k_sel)
    attn = jax.nn.softmax(alpha * scores / jnp.sqrt(jnp.float32(D)), axis=-1)
    v = jnp.einsum('bsp,bspd->bsd', attn, v_sel)
    sim = jnp.max(scores, axis=-1)
    return v, sim, buckets


def reference(query, tids, fine_keys, fine_values, coarse_keys, coarse_values, W_gate, b_gate):
    v_fine, sim_fine, _ = _cam_read(query, tids, fine_keys, fine_values, NBF, SPBF, 0.5)
    v_coarse, sim_coarse, _ = _cam_read(query, tids, coarse_keys, coarse_values, NBC, SPBC, 1.0)
    gate_in = jnp.concatenate([jax.lax.stop_gradient(v_fine), jax.lax.stop_gradient(v_coarse)], axis=-1)
    fusion_gate = jax.nn.sigmoid(gate_in @ W_gate + b_gate)
    v_out = (1.0 - fusion_gate) * v_coarse + fusion_gate * v_fine
    return v_out, (sim_fine + sim_coarse) / 2.0

if __name__ == "__main__":
    import jax
    _d = setup_inputs()
    print(jax.jit(kernel)(*tuple(_d.values())))

</pallas_src>

<mosaic_0001>
#map = affine_map<(d0, d1) -> (0, 0)>
#map1 = affine_map<(d0, d1) -> (0)>
module attributes {stable_mosaic.version = 14 : i64} {
  func.func @_sc_cam_body(%arg0: i32, %arg1: i32, %arg2: memref<2048x128xf32, #tpu.memory_space<hbm>>, %arg3: memref<2048xi32, #tpu.memory_space<hbm>>, %arg4: memref<65536x128xf32, #tpu.memory_space<hbm>>, %arg5: memref<65536x128xf32, #tpu.memory_space<hbm>>, %arg6: memref<65536x128xf32, #tpu.memory_space<hbm>>, %arg7: memref<65536x128xf32, #tpu.memory_space<hbm>>, %arg8: memref<2048x128xf32, #tpu.memory_space<hbm>>, %arg9: memref<2048x128xf32, #tpu.memory_space<hbm>>, %arg10: memref<2048xf32, #tpu.memory_space<hbm>>, %arg11: memref<64x128xf32, #tpu.memory_space<vmem>>, %arg12: memref<64xi32, #tpu.memory_space<vmem>>, %arg13: memref<16x16xi32, #tpu.memory_space<vmem>>, %arg14: memref<16x128xi32, #tpu.memory_space<vmem>>, %arg15: memref<16x128xf32, #tpu.memory_space<vmem>>, %arg16: memref<16x128xf32, #tpu.memory_space<vmem>>, %arg17: memref<128x128xf32, #tpu.memory_space<vmem>>, %arg18: memref<128x128xf32, #tpu.memory_space<vmem>>, %arg19: memref<16x128xf32, #tpu.memory_space<vmem>>, %arg20: memref<16x128xf32, #tpu.memory_space<vmem>>, %arg21: memref<128x128xf32, #tpu.memory_space<vmem>>, %arg22: memref<128x128xf32, #tpu.memory_space<vmem>>, %arg23: memref<48xf32, #tpu.memory_space<vmem>>, %arg24: memref<64x128xf32, #tpu.memory_space<vmem>>, %arg25: memref<64x128xf32, #tpu.memory_space<vmem>>, %arg26: memref<64xf32, #tpu.memory_space<vmem>>, %arg27: memref<!tpu.dma_semaphore, #tpu.memory_space<semaphore_mem>>, %arg28: memref<!tpu.dma_semaphore, #tpu.memory_space<semaphore_mem>>) attributes {dimension_semantics = [#tpu.dimension_semantics<core_parallel>, #tpu.dimension_semantics<subcore_parallel>], iteration_bounds = array<i64: 2, 16>, scalar_prefetch = 0 : i64, scratch_operands = 18 : i64, tpu.core_type = #tpu.core_type<sc_vector_subcore>, window_params = [{transform_indices = #map}, {transform_indices = #map1}, {transform_indices = #map}, {transform_indices = #map}, {transform_indices = #map}, {transform_indices = #map}, {transform_indices = #map}, {transform_indices = #map}, {transform_indices = #map1}]} {
    %mul3A = arith.constant 2 : i32
    %mul3A_0 = arith.muli %arg1, %mul3A : i32
    %add3A = arith.addi %mul3A_0, %arg0 : i32
    %mul3A_1 = arith.constant 64 : i32
    %mul3A_2 = arith.muli %add3A, %mul3A_1 : i32
    "tpu.region"() ({
      %run_scoped3A = tpu.sem_alloc : memref<!tpu.dma_semaphore, #tpu.memory_space<semaphore_mem>>
      %dma_start3A_61 = arith.constant 0 : i32
      %dma_start3A_62 = tpu.memref_slice %arg2[%mul3A_2, %dma_start3A_61] : memref<2048x128xf32, #tpu.memory_space<hbm>> -> memref<64x128xf32, #tpu.memory_space<hbm>>
      %dma_start3A_63 = arith.constant 0 : i32
      %dma_start3A_64 = tpu.memref_slice %arg2[%mul3A_2, %dma_start3A_63] : memref<2048x128xf32, #tpu.memory_space<hbm>> -> memref<64x128xf32, #tpu.memory_space<hbm>>
      tpu.enqueue_dma source(%dma_start3A_64 : memref<64x128xf32, #tpu.memory_space<hbm>>) target(%arg11 : memref<64x128xf32, #tpu.memory_space<vmem>>) target_semaphore(%run_scoped3A : memref<!tpu.dma_semaphore, #tpu.memory_space<semaphore_mem>>)
      %dma_wait3A = arith.constant 0 : i32
      %dma_wait3A_65 = tpu.memref_slice %arg2[%mul3A_2, %dma_wait3A] : memref<2048x128xf32, #tpu.memory_space<hbm>> -> memref<64x128xf32, #tpu.memory_space<hbm>>
      %dma_wait3A_66 = arith.constant 0 : i32
      %dma_wait3A_67 = tpu.memref_slice %arg2[%mul3A_2, %dma_wait3A_66] : memref<2048x128xf32, #tpu.memory_space<hbm>> -> memref<64x128xf32, #tpu.memory_space<hbm>>
      tpu.wait_dma2 semaphore(%run_scoped3A : memref<!tpu.dma_semaphore, #tpu.memory_space<semaphore_mem>>) src(%dma_wait3A_67 : memref<64x128xf32, #tpu.memory_space<hbm>>) dst(%arg11 : memref<64x128xf32, #tpu.memory_space<vmem>>)
      tpu.yield
    }) : () -> ()
    "tpu.region"() ({
      %run_scoped3A = tpu.sem_alloc : memref<!tpu.dma_semaphore, #tpu.memory_space<semaphore_mem>>
      %dma_start3A_61 = tpu.memref_slice %arg3[%mul3A_2] : memref<2048xi32, #tpu.memory_space<hbm>> -> memref<64xi32, #tpu.memory_space<hbm>>
      %dma_start3A_62 = tpu.memref_slice %arg3[%mul3A_2] : memref<2048xi32, #tpu.memory_space<hbm>> -> memref<64xi32, #tpu.memory_space<hbm>>
      tpu.enqueue_dma source(%dma_start3A_62 : memref<64xi32, #tpu.memory_space<hbm>>) target(%arg12 : memref<64xi32, #tpu.memory_space<vmem>>) target_semaphore(%run_scoped3A : memref<!tpu.dma_semaphore, #tpu.memory_space<semaphore_mem>>)
      %dma_wait3A = tpu.memref_slice %arg3[%mul3A_2] : memref<2048xi32, #tpu.memory_space<hbm>> -> memref<64xi32, #tpu.memory_space<hbm>>
      %dma_wait3A_63 = tpu.memref_slice %arg3[%mul3A_2] : memref<2048xi32, #tpu.memory_space<hbm>> -> memref<64xi32, #tpu.memory_space<hbm>>
      tpu.wait_dma2 semaphore(%run_scoped3A : memref<!tpu.dma_semaphore, #tpu.memory_space<semaphore_mem>>) src(%dma_wait3A_63 : memref<64xi32, #tpu.memory_space<hbm>>) dst(%arg12 : memref<64xi32, #tpu.memory_space<vmem>>)
      tpu.yield
    }) : () -> ()
    %iota3A = tpu.iota {dimensions = array<i32: 0>} : vector<16xi32>
    %scan3A = arith.constant 0 : i32
    %scan3A_3 = arith.constant 0 : i32
    %scan3A_4 = arith.constant 16 : i32
    %scan3A_5 = arith.addi %scan3A_3, %scan3A_4 : i32
    %scan3A_6 = arith.constant 1 : i32
    scf.for %scan3A_61 = %scan3A_3 to %scan3A_5 step %scan3A_6  : i32 {
      %mul3A_62 = arith.constant 16 : i32
      %mul3A_63 = arith.muli %scan3A_61, %mul3A_62 : i32
      %add3A_64 = vector.broadcast %mul3A_63 : i32 to vector<16xi32>
      %add3A_65 = arith.addi %add3A_64, %iota3A : vector<16xi32>
      %shift_right_arithmetic3A = arith.constant 2 : i32
      %shift_right_arithmetic3A_66 = vector.broadcast %shift_right_arithmetic3A : i32 to vector<16xi32>
      %shift_right_arithmetic3A_67 = arith.shrsi %add3A_65, %shift_right_arithmetic3A_66 : vector<16xi32>
      %gather3A = tpu.vector_load_idx %arg12[%shift_right_arithmetic3A_67] : memref<64xi32, #tpu.memory_space<vmem>>[vector<16xi32>], vector<16xi32>,
      %and3A = arith.constant 16383 : i32
      %and3A_68 = vector.broadcast %and3A : i32 to vector<16xi32>
      %and3A_69 = arith.andi %gather3A, %and3A_68 : vector<16xi32>
      %mul3A_70 = arith.constant 4 : i32
      %mul3A_71 = vector.broadcast %mul3A_70 : i32 to vector<16xi32>
      %mul3A_72 = arith.muli %and3A_69, %mul3A_71 : vector<16xi32>
      %and3A_73 = arith.constant 3 : i32
      %and3A_74 = vector.broadcast %and3A_73 : i32 to vector<16xi32>
      %and3A_75 = arith.andi %add3A_65, %and3A_74 : vector<16xi32>
      %add3A_76 = arith.addi %mul3A_72, %and3A_75 : vector<16xi32>
      %swap3A_77 = arith.index_cast %scan3A_61 : i32 to index
      %swap3A_78 = arith.constant 0 : index
      %swap3A_79 = tpu.vector_load %arg13[%swap3A_77, %swap3A_78] {strides = array<i32>} : memref<16x16xi32, #tpu.memory_space<vmem>>, vector<16xi32>,
      tpu.vector_store %arg13[%swap3A_77, %swap3A_78], %add3A_76 {strides = array<i32>} : memref<16x16xi32, #tpu.memory_space<vmem>>, vector<16xi32>,
    }
    %scan3A_7 = arith.constant 16 : i32
    %scan3A_8 = arith.constant 0 : i32
    %scan3A_9 = arith.constant 0 : i32
    %scan3A_10 = arith.constant 128 : i32
    %scan3A_11 = arith.addi %scan3A_9, %scan3A_10 : i32
    %scan3A_12 = arith.constant 1 : i32
    scf.for %scan3A_61 = %scan3A_9 to %scan3A_11 step %scan3A_12  : i32 {
      %mul3A_62 = arith.constant 16 : i32
      %mul3A_63 = arith.muli %scan3A_61, %mul3A_62 : i32
      %add3A_64 = vector.broadcast %mul3A_63 : i32 to vector<16xi32>
      %add3A_65 = arith.addi %add3A_64, %iota3A : vector<16xi32>
      %shift_right_arithmetic3A = arith.constant 5 : i32
      %shift_right_arithmetic3A_66 = vector.broadcast %shift_right_arithmetic3A : i32 to vector<16xi32>
      %shift_right_arithmetic3A_67 = arith.shrsi %add3A_65, %shift_right_arithmetic3A_66 : vector<16xi32>
      %gather3A = tpu.vector_load_idx %arg12[%shift_right_arithmetic3A_67] : memref<64xi32, #tpu.memory_space<vmem>>[vector<16xi32>], vector<16xi32>,
      %and3A = arith.constant 2047 : i32
      %and3A_68 = vector.broadcast %and3A : i32 to vector<16xi32>
      %and3A_69 = arith.andi %gather3A, %and3A_68 : vector<16xi32>
      %mul3A_70 = arith.constant 32 : i32
      %mul3A_71 = vector.broadcast %mul3A_70 : i32 to vector<16xi32>
      %mul3A_72 = arith.muli %and3A_69, %mul3A_71 : vector<16xi32>
      %and3A_73 = arith.constant 31 : i32
      %and3A_74 = vector.broadcast %and3A_73 : i32 to vector<16xi32>
      %and3A_75 = arith.andi %add3A_65, %and3A_74 : vector<16xi32>
      %add3A_76 = arith.addi %mul3A_72, %and3A_75 : vector<16xi32>
      %shift_right_arithmetic3A_77 = arith.constant 3 : i32
      %shift_right_arithmetic3A_78 = arith.shrsi %scan3A_61, %shift_right_arithmetic3A_77 : i32
      %and3A_79 = arith.constant 7 : i32
      %and3A_80 = arith.andi %scan3A_61, %and3A_79 : i32
      %mul3A_81 = arith.constant 16 : i32
      %mul3A_82 = arith.muli %and3A_80, %mul3A_81 : i32
      %swap3A_83 = arith.index_cast %shift_right_arithmetic3A_78 : i32 to index
      %swap3A_84 = arith.index_cast %mul3A_82 : i32 to index
      %swap3A_85 = tpu.vector_load %arg14[%swap3A_83, %swap3A_84] {strides = array<i32>} : memref<16x128xi32, #tpu.memory_space<vmem>>, vector<16xi32>,
      tpu.vector_store %arg14[%swap3A_83, %swap3A_84], %add3A_76 {strides = array<i32>} : memref<16x128xi32, #tpu.memory_space<vmem>>, vector<16xi32>,
    }
    %scan3A_13 = arith.constant 128 : i32
    %dma_start3A = arith.constant 0 : i32
    %dma_start3A_14 = arith.constant 0 : i32
    %dma_start3A_15 = tpu.memref_slice %arg13[%dma_start3A, %dma_start3A_14] : memref<16x16xi32, #tpu.memory_space<vmem>> -> memref<1x16xi32, #tpu.memory_space<vmem>>
    %dma_start3A_16 = tpu.memref_squeeze %dma_start3A_15 : memref<1x16xi32, #tpu.memory_space<vmem>> -> memref<16xi32, #tpu.memory_space<vmem>>
    %dma_start3A_17 = arith.constant 0 : i32
    %dma_start3A_18 = arith.constant 0 : i32
    %dma_start3A_19 = tpu.memref_slice %arg4[%dma_start3A_17, %dma_start3A_18] : memref<65536x128xf32, #tpu.memory_space<hbm>> -> memref<65536x128xf32, #tpu.memory_space<hbm>>
    tpu.enqueue_indirect_dma source(%dma_start3A_19 : memref<65536x128xf32, #tpu.memory_space<hbm>>) target(%arg15 : memref<16x128xf32, #tpu.memory_space<vmem>>) offsets(%dma_start3A_16 : memref<16xi32, #tpu.memory_space<vmem>>) semaphore(%arg27 : memref<!tpu.dma_semaphore, #tpu.memory_space<semaphore_mem>>)
    %dma_start3A_20 = arith.constant 0 : i32
    %dma_start3A_21 = arith.constant 0 : i32
    %dma_start3A_22 = tpu.memref_slice %arg13[%dma_start3A_20, %dma_start3A_21] : memref<16x16xi32, #tpu.memory_space<vmem>> -> memref<1x16xi32, #tpu.memory_space<vmem>>
    %dma_start3A_23 = tpu.memref_squeeze %dma_start3A_22 : memref<1x16xi32, #tpu.memory_space<vmem>> -> memref<16xi32, #tpu.memory_space<vmem>>
    %dma_start3A_24 = arith.constant 0 : i32
    %dma_start3A_25 = arith.constant 0 : i32
    %dma_start3A_26 = tpu.memref_slice %arg5[%dma_start3A_24, %dma_start3A_25] : memref<65536x128xf32, #tpu.memory_space<hbm>> -> memref<65536x128xf32, #tpu.memory_space<hbm>>
    tpu.enqueue_indirect_dma source(%dma_start3A_26 : memref<65536x128xf32, #tpu.memory_space<hbm>>) target(%arg16 : memref<16x128xf32, #tpu.memory_space<vmem>>) offsets(%dma_start3A_23 : memref<16xi32, #tpu.memory_space<vmem>>) semaphore(%arg27 : memref<!tpu.dma_semaphore, #tpu.memory_space<semaphore_mem>>)
    %dma_start3A_27 = arith.constant 0 : i32
    %dma_start3A_28 = arith.constant 0 : i32
    %dma_start3A_29 = tpu.memref_slice %arg14[%dma_start3A_27, %dma_start3A_28] : memref<16x128xi32, #tpu.memory_space<vmem>> -> memref<1x128xi32, #tpu.memory_space<vmem>>
    %dma_start3A_30 = tpu.memref_squeeze %dma_start3A_29 : memref<1x128xi32, #tpu.memory_space<vmem>> -> memref<128xi32, #tpu.memory_space<vmem>>
    %dma_start3A_31 = arith.constant 0 : i32
    %dma_start3A_32 = arith.constant 0 : i32
    %dma_start3A_33 = tpu.memref_slice %arg6[%dma_start3A_31, %dma_start3A_32] : memref<65536x128xf32, #tpu.memory_space<hbm>> -> memref<65536x128xf32, #tpu.memory_space<hbm>>
    tpu.enqueue_indirect_dma source(%dma_start3A_33 : memref<65536x128xf32, #tpu.memory_space<hbm>>) target(%arg17 : memref<128x128xf32, #tpu.memory_space<vmem>>) offsets(%dma_start3A_30 : memref<128xi32, #tpu.memory_space<vmem>>) semaphore(%arg27 : memref<!tpu.dma_semaphore, #tpu.memory_space<semaphore_mem>>)
    %dma_start3A_34 = arith.constant 0 : i32
    %dma_start3A_35 = arith.constant 0 : i32
    %dma_start3A_36 = tpu.memref_slice %arg14[%dma_start3A_34, %dma_start3A_35] : memref<16x128xi32, #tpu.memory_space<vmem>> -> memref<1x128xi32, #tpu.memory_space<vmem>>
    %dma_start3A_37 = tpu.memref_squeeze %dma_start3A_36 : memref<1x128xi32, #tpu.memory_space<vmem>> -> memref<128xi32, #tpu.memory_space<vmem>>
    %dma_start3A_38 = arith.constant 0 : i32
    %dma_start3A_39 = arith.constant 0 : i32
    %dma_start3A_40 = tpu.memref_slice %arg7[%dma_start3A_38, %dma_start3A_39] : memref<65536x128xf32, #tpu.memory_space<hbm>> -> memref<65536x128xf32, #tpu.memory_space<hbm>>
    tpu.enqueue_indirect_dma source(%dma_start3A_40 : memref<65536x128xf32, #tpu.memory_space<hbm>>) target(%arg18 : memref<128x128xf32, #tpu.memory_space<vmem>>) offsets(%dma_start3A_37 : memref<128xi32, #tpu.memory_space<vmem>>) semaphore(%arg27 : memref<!tpu.dma_semaphore, #tpu.memory_space<semaphore_mem>>)
    %broadcast_in_dim3A = arith.constant 0.000000e+00 : f32
    %broadcast_in_dim3A_41 = vector.broadcast %broadcast_in_dim3A : f32 to vector<16xf32>
    %broadcast_in_dim3A_42 = arith.constant 0.000000e+00 : f32
    %broadcast_in_dim3A_43 = vector.broadcast %broadcast_in_dim3A_42 : f32 to vector<16xf32>
    %broadcast_in_dim3A_44 = arith.constant 0.000000e+00 : f32
    %broadcast_in_dim3A_45 = vector.broadcast %broadcast_in_dim3A_44 : f32 to vector<16xf32>
    %broadcast_in_dim3A_46 = arith.constant 0.000000e+00 : f32
    %broadcast_in_dim3A_47 = vector.broadcast %broadcast_in_dim3A_46 : f32 to vector<16xf32>
    %scan3A_48 = arith.constant 0 : i32
    %scan3A_49 = arith.constant 8 : i32
    %scan3A_50 = arith.addi %scan3A_48, %scan3A_49 : i32
    %scan3A_51 = arith.constant 1 : i32
    %scan3A_52:4 = scf.for %scan3A_61 = %scan3A_48 to %scan3A_50 step %scan3A_51 iter_args(%scan3A_62 = %broadcast_in_dim3A_41, %scan3A_63 = %broadcast_in_dim3A_43, %scan3A_64 = %broadcast_in_dim3A_45, %scan3A_65 = %broadcast_in_dim3A_47) -> (vector<16xf32>, vector<16xf32>, vector<16xf32>, vector<16xf32>)  : i32 {
      %mul3A_66 = arith.constant 2 : i32
      %mul3A_67 = arith.muli %scan3A_61, %mul3A_66 : i32
      %add3A_68 = arith.constant 0 : i32
      %add3A_69 = arith.addi %mul3A_67, %add3A_68 : i32
      %dma_wait3A = arith.constant 0 : i32
      %dma_wait3A_70 = arith.constant 0 : i32
      %dma_wait3A_71 = tpu.memref_slice %arg4[%dma_wait3A, %dma_wait3A_70] : memref<65536x128xf32, #tpu.memory_space<hbm>> -> memref<16x128xf32, #tpu.memory_space<hbm>>
      %dma_wait3A_72 = arith.constant 0 : i32
      %dma_wait3A_73 = arith.constant 0 : i32
      %dma_wait3A_74 = tpu.memref_slice %arg4[%dma_wait3A_72, %dma_wait3A_73] : memref<65536x128xf32, #tpu.memory_space<hbm>> -> memref<16x128xf32, #tpu.memory_space<hbm>>
      tpu.wait_dma2 semaphore(%arg27 : memref<!tpu.dma_semaphore, #tpu.memory_space<semaphore_mem>>) src(%dma_wait3A_74 : memref<16x128xf32, #tpu.memory_space<hbm>>) dst(%arg15 : memref<16x128xf32, #tpu.memory_space<vmem>>)
      %dma_wait3A_75 = arith.constant 0 : i32
      %dma_wait3A_76 = arith.constant 0 : i32
      %dma_wait3A_77 = tpu.memref_slice %arg5[%dma_wait3A_75, %dma_wait3A_76] : memref<65536x128xf32, #tpu.memory_space<hbm>> -> memref<16x128xf32, #tpu.memory_space<hbm>>
      %dma_wait3A_78 = arith.constant 0 : i32
      %dma_wait3A_79 = arith.constant 0 : i32
      %dma_wait3A_80 = tpu.memref_slice %arg5[%dma_wait3A_78, %dma_wait3A_79] : memref<65536x128xf32, #tpu.memory_space<hbm>> -> memref<16x128xf32, #tpu.memory_space<hbm>>
      tpu.wait_dma2 semaphore(%arg27 : memref<!tpu.dma_semaphore, #tpu.memory_space<semaphore_mem>>) src(%dma_wait3A_80 : memref<16x128xf32, #tpu.memory_space<hbm>>) dst(%arg16 : memref<16x128xf32, #tpu.memory_space<vmem>>)
      %dma_wait3A_81 = arith.constant 0 : i32
      %dma_wait3A_82 = arith.constant 0 : i32
      %dma_wait3A_83 = tpu.memref_slice %arg6[%dma_wait3A_81, %dma_wait3A_82] : memref<65536x128xf32, #tpu.memory_space<hbm>> -> memref<128x128xf32, #tpu.memory_space<hbm>>
      %dma_wait3A_84 = arith.constant 0 : i32
      %dma_wait3A_85 = arith.constant 0 : i32
      %dma_wait3A_86 = tpu.memref_slice %arg6[%dma_wait3A_84, %dma_wait3A_85] : memref<65536x128xf32, #tpu.memory_space<hbm>> -> memref<128x128xf32, #tpu.memory_space<hbm>>
      tpu.wait_dma2 semaphore(%arg27 : memref<!tpu.dma_semaphore, #tpu.memory_space<semaphore_mem>>) src(%dma_wait3A_86 : memref<128x128xf32, #tpu.memory_space<hbm>>) dst(%arg17 : memref<128x128xf32, #tpu.memory_space<vmem>>)
      %dma_wait3A_87 = arith.constant 0 : i32
      %dma_wait3A_88 = arith.constant 0 : i32
      %dma_wait3A_89 = tpu.memref_slice %arg7[%dma_wait3A_87, %dma_wait3A_88] : memref<65536x128xf32, #tpu.memory_space<hbm>> -> memref<128x128xf32, #tpu.memory_space<hbm>>
      %dma_wait3A_90 = arith.constant 0 : i32
      %dma_wait3A_91 = arith.constant 0 : i32
      %dma_wait3A_92 = tpu.memref_slice %arg7[%dma_wait3A_90, %dma_wait3A_91] : memref<65536x128xf32, #tpu.memory_space<hbm>> -> memref<128x128xf32, #tpu.memory_space<hbm>>
      tpu.wait_dma2 semaphore(%arg27 : memref<!tpu.dma_semaphore, #tpu.memory_space<semaphore_mem>>) src(%dma_wait3A_92 : memref<128x128xf32, #tpu.memory_space<hbm>>) dst(%arg18 : memref<128x128xf32, #tpu.memory_space<vmem>>)
      %add3A_93 = arith.constant 1 : i32
      %add3A_94 = arith.addi %add3A_69, %add3A_93 : i32
      %lt3A = arith.constant 16 : i32
      %lt3A_95 = arith.cmpi slt, %add3A_94, %lt3A : i32
      %convert_element_type3A = arith.extui %lt3A_95 : i1 to i32
      %cond3A = arith.constant 0 : i32
      %cond3A_96 = arith.cmpi ne, %convert_element_type3A, %cond3A : i32
      scf.if %cond3A_96 {
        %add3A_142 = arith.constant 1 : i32
        %add3A_143 = arith.addi %add3A_69, %add3A_142 : i32
        %dma_start3A_144 = arith.constant 0 : i32
        %dma_start3A_145 = tpu.memref_slice %arg13[%add3A_143, %dma_start3A_144] : memref<16x16xi32, #tpu.memory_space<vmem>> -> memref<1x16xi32, #tpu.memory_space<vmem>>
        %dma_start3A_146 = tpu.memref_squeeze %dma_start3A_145 : memref<1x16xi32, #tpu.memory_space<vmem>> -> memref<16xi32, #tpu.memory_space<vmem>>
        %dma_start3A_147 = arith.constant 0 : i32
        %dma_start3A_148 = arith.constant 0 : i32
        %dma_start3A_149 = tpu.memref_slice %arg4[%dma_start3A_147, %dma_start3A_148] : memref<65536x128xf32, #tpu.memory_space<hbm>> -> memref<65536x128xf32, #tpu.memory_space<hbm>>
        tpu.enqueue_indirect_dma source(%dma_start3A_149 : memref<65536x128xf32, #tpu.memory_space<hbm>>) target(%arg19 : memref<16x128xf32, #tpu.memory_space<vmem>>) offsets(%dma_start3A_146 : memref<16xi32, #tpu.memory_space<vmem>>) semaphore(%arg28 : memref<!tpu.dma_semaphore, #tpu.memory_space<semaphore_mem>>)
        %dma_start3A_150 = arith.constant 0 : i32
        %dma_start3A_151 = tpu.memref_slice %arg13[%add3A_143, %dma_start3A_150] : memref<16x16xi32, #tpu.memory_space<vmem>> -> memref<1x16xi32, #tpu.memory_space<vmem>>
        %dma_start3A_152 = tpu.memref_squeeze %dma_start3A_151 : memref<1x16xi32, #tpu.memory_space<vmem>> -> memref<16xi32, #tpu.memory_space<vmem>>
        %dma_start3A_153 = arith.constant 0 : i32
        %dma_start3A_154 = arith.constant 0 : i32
        %dma_start3A_155 = tpu.memref_slice %arg5[%dma_start3A_153, %dma_start3A_154] : memref<65536x128xf32, #tpu.memory_space<hbm>> -> memref<65536x128xf32, #tpu.memory_space<hbm>>
        tpu.enqueue_indirect_dma source(%dma_start3A_155 : memref<65536x128xf32, #tpu.memory_space<hbm>>) target(%arg20 : memref<16x128xf32, #tpu.memory_space<vmem>>) offsets(%dma_start3A_152 : memref<16xi32, #tpu.memory_space<vmem>>) semaphore(%arg28 : memref<!tpu.dma_semaphore, #tpu.memory_space<semaphore_mem>>)
        %dma_start3A_156 = arith.constant 0 : i32
        %dma_start3A_157 = tpu.memref_slice %arg14[%add3A_143, %dma_start3A_156] : memref<16x128xi32, #tpu.memory_space<vmem>> -> memref<1x128xi32, #tpu.memory_space<vmem>>
        %dma_start3A_158 = tpu.memref_squeeze %dma_start3A_157 : memref<1x128xi32, #tpu.memory_space<vmem>> -> memref<128xi32, #tpu.memory_space<vmem>>
        %dma_start3A_159 = arith.constant 0 : i32
        %dma_start3A_160 = arith.constant 0 : i32
        %dma_start3A_161 = tpu.memref_slice %arg6[%dma_start3A_159, %dma_start3A_160] : memref<65536x128xf32, #tpu.memory_space<hbm>> -> memref<65536x128xf32, #tpu.memory_space<hbm>>
        tpu.enqueue_indirect_dma source(%dma_start3A_161 : memref<65536x128xf32, #tpu.memory_space<hbm>>) target(%arg21 : memref<128x128xf32, #tpu.memory_space<vmem>>) offsets(%dma_start3A_158 : memref<128xi32, #tpu.memory_space<vmem>>) semaphore(%arg28 : memref<!tpu.dma_semaphore, #tpu.memory_space<semaphore_mem>>)
        %dma_start3A_162 = arith.constant 0 : i32
        %dma_start3A_163 = tpu.memref_slice %arg14[%add3A_143, %dma_start3A_162] : memref<16x128xi32, #tpu.memory_space<vmem>> -> memref<1x128xi32, #tpu.memory_space<vmem>>
        %dma_start3A_164 = tpu.memref_squeeze %dma_start3A_163 : memref<1x128xi32, #tpu.memory_space<vmem>> -> memref<128xi32, #tpu.memory_space<vmem>>
        %dma_start3A_165 = arith.constant 0 : i32
        %dma_start3A_166 = arith.constant 0 : i32
        %dma_start3A_167 = tpu.memref_slice %arg7[%dma_start3A_165, %dma_start3A_166] : memref<65536x128xf32, #tpu.memory_space<hbm>> -> memref<65536x128xf32, #tpu.memory_space<hbm>>
        tpu.enqueue_indirect_dma source(%dma_start3A_167 : memref<65536x128xf32, #tpu.memory_space<hbm>>) target(%arg22 : memref<128x128xf32, #tpu.memory_space<vmem>>) offsets(%dma_start3A_164 : memref<128xi32, #tpu.memory_space<vmem>>) semaphore(%arg28 : memref<!tpu.dma_semaphore, #tpu.memory_space<semaphore_mem>>)
      } else {
      }
      %scan3A_97 = arith.constant 0 : i32
      %scan3A_98 = arith.constant 4 : i32
      %scan3A_99 = arith.addi %scan3A_97, %scan3A_98 : i32
      %scan3A_100 = arith.constant 1 : i32
      %scan3A_101:4 = scf.for %scan3A_142 = %scan3A_97 to %scan3A_99 step %scan3A_100 iter_args(%scan3A_143 = %scan3A_62, %scan3A_144 = %scan3A_63, %scan3A_145 = %scan3A_64, %scan3A_146 = %scan3A_65) -> (vector<16xf32>, vector<16xf32>, vector<16xf32>, vector<16xf32>)  : i32 {
        %mul3A_147 = arith.constant 4 : i32
        %mul3A_148 = arith.muli %add3A_69, %mul3A_147 : i32
        %add3A_149 = arith.addi %mul3A_148, %scan3A_142 : i32
        %get3A = arith.index_cast %add3A_149 : i32 to index
        %get3A_150 = arith.constant 0 : index
        %get3A_151 = tpu.vector_load %arg11[%get3A, %get3A_150] {strides = array<i32>} : memref<64x128xf32, #tpu.memory_space<vmem>>, vector<16xf32>,
        %get3A_152 = arith.index_cast %add3A_149 : i32 to index
        %get3A_153 = arith.constant 16 : index
        %get3A_154 = tpu.vector_load %arg11[%get3A_152, %get3A_153] {strides = array<i32>} : memref<64x128xf32, #tpu.memory_space<vmem>>, vector<16xf32>,
        %get3A_155 = arith.index_cast %add3A_149 : i32 to index
        %get3A_156 = arith.constant 32 : index
        %get3A_157 = tpu.vector_load %arg11[%get3A_155, %get3A_156] {strides = array<i32>} : memref<64x128xf32, #tpu.memory_space<vmem>>, vector<16xf32>,
        %get3A_158 = arith.index_cast %add3A_149 : i32 to index
        %get3A_159 = arith.constant 48 : index
        %get3A_160 = tpu.vector_load %arg11[%get3A_158, %get3A_159] {strides = array<i32>} : memref<64x128xf32, #tpu.memory_space<vmem>>, vector<16xf32>,
        %get3A_161 = arith.index_cast %add3A_149 : i32 to index
        %get3A_162 = arith.constant 64 : index
        %get3A_163 = tpu.vector_load %arg11[%get3A_161, %get3A_162] {strides = array<i32>} : memref<64x128xf32, #tpu.memory_space<vmem>>, vector<16xf32>,
        %get3A_164 = arith.index_cast %add3A_149 : i32 to index
        %get3A_165 = arith.constant 80 : index
        %get3A_166 = tpu.vector_load %arg11[%get3A_164, %get3A_165] {strides = array<i32>} : memref<64x128xf32, #tpu.memory_space<vmem>>, vector<16xf32>,
        %get3A_167 = arith.index_cast %add3A_149 : i32 to index
        %get3A_168 = arith.constant 96 : index
        %get3A_169 = tpu.vector_load %arg11[%get3A_167, %get3A_168] {strides = array<i32>} : memref<64x128xf32, #tpu.memory_space<vmem>>, vector<16xf32>,
        %get3A_170 = arith.index_cast %add3A_149 : i32 to index
        %get3A_171 = arith.constant 112 : index
        %get3A_172 = tpu.vector_load %arg11[%get3A_170, %get3A_171] {strides = array<i32>} : memref<64x128xf32, #tpu.memory_space<vmem>>, vector<16xf32>,
        %mul3A_173 = arith.mulf %get3A_151, %get3A_151 : vector<16xf32>
        %mul3A_174 = arith.mulf %get3A_154, %get3A_154 : vector<16xf32>
        %mul3A_175 = arith.mulf %get3A_157, %get3A_157 : vector<16xf32>
        %mul3A_176 = arith.mulf %get3A_160, %get3A_160 : vector<16xf32>
        %mul3A_177 = arith.mulf %get3A_163, %get3A_163 : vector<16xf32>
        %mul3A_178 = arith.mulf %get3A_166, %get3A_166 : vector<16xf32>
        %mul3A_179 = arith.mulf %get3A_169, %get3A_169 : vector<16xf32>
        %mul3A_180 = arith.mulf %get3A_172, %get3A_172 : vector<16xf32>
        %add3A_181 = arith.addf %mul3A_173, %mul3A_174 : vector<16xf32>
        %add3A_182 = arith.addf %mul3A_175, %mul3A_176 : vector<16xf32>
        %add3A_183 = arith.addf %mul3A_177, %mul3A_178 : vector<16xf32>
        %add3A_184 = arith.addf %mul3A_179, %mul3A_180 : vector<16xf32>
        %add3A_185 = arith.addf %add3A_181, %add3A_182 : vector<16xf32>
        %add3A_186 = arith.addf %add3A_183, %add3A_184 : vector<16xf32>
        %add3A_187 = arith.addf %add3A_185, %add3A_186 : vector<16xf32>
        %xor3A = arith.constant 8 : i32
        %xor3A_188 = vector.broadcast %xor3A : i32 to vector<16xi32>
        %xor3A_189 = arith.xori %iota3A, %xor3A_188 : vector<16xi32>
        %lt3A_190 = arith.constant 0 : i32
        %lt3A_191 = vector.broadcast %lt3A_190 : i32 to vector<16xi32>
        %lt3A_192 = arith.cmpi slt, %xor3A_189, %lt3A_191 : vector<16xi32>
        %add3A_193 = arith.constant 16 : i32
        %add3A_194 = vector.broadcast %add3A_193 : i32 to vector<16xi32>
        %add3A_195 = arith.addi %xor3A_189, %add3A_194 : vector<16xi32>
        %select_n3A = arith.select %lt3A_192, %add3A_195, %xor3A_189 : vector<16xi1>, vector<16xi32>
        %broadcast_in_dim3A_196 = vector.shape_cast %select_n3A : vector<16xi32> to vector<16x1xi32>
        %gather3A = vector.shape_cast %broadcast_in_dim3A_196 : vector<16x1xi32> to vector<16xi32>
        %gather3A_197 = tpu.dynamic_gather %add3A_187[%gather3A] in [0] : vector<16xf32>, vector<16xi32> -> vector<16xf32>
        %add3A_198 = arith.addf %add3A_187, %gather3A_197 : vector<16xf32>
        %xor3A_199 = arith.constant 4 : i32
        %xor3A_200 = vector.broadcast %xor3A_199 : i32 to vector<16xi32>
        %xor3A_201 = arith.xori %iota3A, %xor3A_200 : vector<16xi32>
        %lt3A_202 = arith.constant 0 : i32
        %lt3A_203 = vector.broadcast %lt3A_202 : i32 to vector<16xi32>
        %lt3A_204 = arith.cmpi slt, %xor3A_201, %lt3A_203 : vector<16xi32>
        %add3A_205 = arith.constant 16 : i32
        %add3A_206 = vector.broadcast %add3A_205 : i32 to vector<16xi32>
        %add3A_207 = arith.addi %xor3A_201, %add3A_206 : vector<16xi32>
        %select_n3A_208 = arith.select %lt3A_204, %add3A_207, %xor3A_201 : vector<16xi1>, vector<16xi32>
        %broadcast_in_dim3A_209 = vector.shape_cast %select_n3A_208 : vector<16xi32> to vector<16x1xi32>
        %gather3A_210 = vector.shape_cast %broadcast_in_dim3A_209 : vector<16x1xi32> to vector<16xi32>
        %gather3A_211 = tpu.dynamic_gather %add3A_198[%gather3A_210] in [0] : vector<16xf32>, vector<16xi32> -> vector<16xf32>
        %add3A_212 = arith.addf %add3A_198, %gather3A_211 : vector<16xf32>
        %xor3A_213 = arith.constant 2 : i32
        %xor3A_214 = vector.broadcast %xor3A_213 : i32 to vector<16xi32>
        %xor3A_215 = arith.xori %iota3A, %xor3A_214 : vector<16xi32>
        %lt3A_216 = arith.constant 0 : i32
        %lt3A_217 = vector.broadcast %lt3A_216 : i32 to vector<16xi32>
        %lt3A_218 = arith.cmpi slt, %xor3A_215, %lt3A_217 : vector<16xi32>
        %add3A_219 = arith.constant 16 : i32
        %add3A_220 = vector.broadcast %add3A_219 : i32 to vector<16xi32>
        %add3A_221 = arith.addi %xor3A_215, %add3A_220 : vector<16xi32>
        %select_n3A_222 = arith.select %lt3A_218, %add3A_221, %xor3A_215 : vector<16xi1>, vector<16xi32>
        %broadcast_in_dim3A_223 = vector.shape_cast %select_n3A_222 : vector<16xi32> to vector<16x1xi32>
        %gather3A_224 = vector.shape_cast %broadcast_in_dim3A_223 : vector<16x1xi32> to vector<16xi32>
        %gather3A_225 = tpu.dynamic_gather %add3A_212[%gather3A_224] in [0] : vector<16xf32>, vector<16xi32> -> vector<16xf32>
        %add3A_226 = arith.addf %add3A_212, %gather3A_225 : vector<16xf32>
        %xor3A_227 = arith.constant 1 : i32
        %xor3A_228 = vector.broadcast %xor3A_227 : i32 to vector<16xi32>
        %xor3A_229 = arith.xori %iota3A, %xor3A_228 : vector<16xi32>
        %lt3A_230 = arith.constant 0 : i32
        %lt3A_231 = vector.broadcast %lt3A_230 : i32 to vector<16xi32>
        %lt3A_232 = arith.cmpi slt, %xor3A_229, %lt3A_231 : vector<16xi32>
        %add3A_233 = arith.constant 16 : i32
        %add3A_234 = vector.broadcast %add3A_233 : i32 to vector<16xi32>
        %add3A_235 = arith.addi %xor3A_229, %add3A_234 : vector<16xi32>
        %select_n3A_236 = arith.select %lt3A_232, %add3A_235, %xor3A_229 : vector<16xi1>, vector<16xi32>
        %broadcast_in_dim3A_237 = vector.shape_cast %select_n3A_236 : vector<16xi32> to vector<16x1xi32>
        %gather3A_238 = vector.shape_cast %broadcast_in_dim3A_237 : vector<16x1xi32> to vector<16xi32>
        %gather3A_239 = tpu.dynamic_gather %add3A_226[%gather3A_238] in [0] : vector<16xf32>, vector<16xi32> -> vector<16xf32>
        %add3A_240 = arith.addf %add3A_226, %gather3A_239 : vector<16xf32>
        %gt3A = arith.constant 0.000000e+00 : f32
        %gt3A_241 = vector.broadcast %gt3A : f32 to vector<16xf32>
        %gt3A_242 = arith.cmpf ogt, %add3A_240, %gt3A_241 : vector<16xf32>
        %bitcast3A = vector.bitcast %add3A_240 : vector<16xf32> to vector<16xi32>
        %shift_right_arithmetic3A = arith.constant 1 : i32
        %shift_right_arithmetic3A_243 = vector.broadcast %shift_right_arithmetic3A : i32 to vector<16xi32>
        %shift_right_arithmetic3A_244 = arith.shrsi %bitcast3A, %shift_right_arithmetic3A_243 : vector<16xi32>
        %sub3A = arith.constant 1597463007 : i32
        %sub3A_245 = vector.broadcast %sub3A : i32 to vector<16xi32>
        %sub3A_246 = arith.subi %sub3A_245, %shift_right_arithmetic3A_244 : vector<16xi32>
        %bitcast3A_247 = vector.bitcast %sub3A_246 : vector<16xi32> to vector<16xf32>
        %mul3A_248 = arith.constant 5.000000e-01 : f32
        %mul3A_249 = vector.broadcast %mul3A_248 : f32 to vector<16xf32>
        %mul3A_250 = arith.mulf %mul3A_249, %add3A_240 : vector<16xf32>
        %mul3A_251 = arith.mulf %mul3A_250, %bitcast3A_247 : vector<16xf32>
        %mul3A_252 = arith.mulf %mul3A_251, %bitcast3A_247 : vector<16xf32>
        %sub3A_253 = arith.constant 1.500000e+00 : f32
        %sub3A_254 = vector.broadcast %sub3A_253 : f32 to vector<16xf32>
        %sub3A_255 = arith.subf %sub3A_254, %mul3A_252 : vector<16xf32>
        %mul3A_256 = arith.mulf %bitcast3A_247, %sub3A_255 : vector<16xf32>
        %mul3A_257 = arith.constant 5.000000e-01 : f32
        %mul3A_258 = vector.broadcast %mul3A_257 : f32 to vector<16xf32>
        %mul3A_259 = arith.mulf %mul3A_258, %add3A_240 : vector<16xf32>
        %mul3A_260 = arith.mulf %mul3A_259, %mul3A_256 : vector<16xf32>
        %mul3A_261 = arith.mulf %mul3A_260, %mul3A_256 : vector<16xf32>
        %sub3A_262 = arith.constant 1.500000e+00 : f32
        %sub3A_263 = vector.broadcast %sub3A_262 : f32 to vector<16xf32>
        %sub3A_264 = arith.subf %sub3A_263, %mul3A_261 : vector<16xf32>
        %mul3A_265 = arith.mulf %mul3A_256, %sub3A_264 : vector<16xf32>
        %mul3A_266 = arith.constant 5.000000e-01 : f32
        %mul3A_267 = vector.broadcast %mul3A_266 : f32 to vector<16xf32>
        %mul3A_268 = arith.mulf %mul3A_267, %add3A_240 : vector<16xf32>
        %mul3A_269 = arith.mulf %mul3A_268, %mul3A_265 : vector<16xf32>
        %mul3A_270 = arith.mulf %mul3A_269, %mul3A_265 : vector<16xf32>
        %sub3A_271 = arith.constant 1.500000e+00 : f32
        %sub3A_272 = vector.broadcast %sub3A_271 : f32 to vector<16xf32>
        %sub3A_273 = arith.subf %sub3A_272, %mul3A_270 : vector<16xf32>
        %mul3A_274 = arith.mulf %mul3A_265, %sub3A_273 : vector<16xf32>
        %mul3A_275 = arith.mulf %add3A_240, %mul3A_274 : vector<16xf32>
        %jit3A = arith.constant 0.000000e+00 : f32
        %broadcast_in_dim3A_276 = vector.broadcast %jit3A : f32 to vector<16xf32>
        %select_n3A_277 = arith.select %gt3A_242, %mul3A_275, %broadcast_in_dim3A_276 : vector<16xi1>, vector<16xf32>
        %add3A_278 = arith.constant 9.99999997E-7 : f32
        %add3A_279 = vector.broadcast %add3A_278 : f32 to vector<16xf32>
        %add3A_280 = arith.addf %select_n3A_277, %add3A_279 : vector<16xf32>
        %div3A = arith.constant 1.000000e+00 : f32
        %div3A_281 = vector.broadcast %div3A : f32 to vector<16xf32>
        %div3A_282 = arith.divf %div3A_281, %add3A_280 : vector<16xf32>
        %broadcast_in_dim3A_283 = arith.constant 0.000000e+00 : f32
        %broadcast_in_dim3A_284 = vector.broadcast %broadcast_in_dim3A_283 : f32 to vector<16xf32>
        %broadcast_in_dim3A_285 = arith.constant -1.000000e+30 : f32
        %broadcast_in_dim3A_286 = vector.broadcast %broadcast_in_dim3A_285 : f32 to vector<16xf32>
        %scan3A_287 = arith.constant 0 : i32
        %scan3A_288 = arith.constant 4 : i32
        %scan3A_289 = arith.addi %scan3A_287, %scan3A_288 : i32
        %scan3A_290 = arith.constant 1 : i32
        %scan3A_291 = scf.for %scan3A_650 = %scan3A_287 to %scan3A_289 step %scan3A_290 iter_args(%scan3A_651 = %broadcast_in_dim3A_286) -> (vector<16xf32>)  : i32 {
          %mul3A_652 = arith.constant 4 : i32
          %mul3A_653 = arith.muli %scan3A_142, %mul3A_652 : i32
          %add3A_654 = arith.addi %mul3A_653, %scan3A_650 : i32
          %get3A_655 = arith.index_cast %add3A_654 : i32 to index
          %get3A_656 = arith.constant 0 : index
          %get3A_657 = tpu.vector_load %arg15[%get3A_655, %get3A_656] {strides = array<i32>} : memref<16x128xf32, #tpu.memory_space<vmem>>, vector<16xf32>,
          %mul3A_658 = arith.mulf %get3A_657, %get3A_151 : vector<16xf32>
          %get3A_659 = arith.index_cast %add3A_654 : i32 to index
          %get3A_660 = arith.constant 16 : index
          %get3A_661 = tpu.vector_load %arg15[%get3A_659, %get3A_660] {strides = array<i32>} : memref<16x128xf32, #tpu.memory_space<vmem>>, vector<16xf32>,
          %mul3A_662 = arith.mulf %get3A_661, %get3A_154 : vector<16xf32>
          %get3A_663 = arith.index_cast %add3A_654 : i32 to index
          %get3A_664 = arith.constant 32 : index
          %get3A_665 = tpu.vector_load %arg15[%get3A_663, %get3A_664] {strides = array<i32>} : memref<16x128xf32, #tpu.memory_space<vmem>>, vector<16xf32>,
          %mul3A_666 = arith.mulf %get3A_665, %get3A_157 : vector<16xf32>
          %get3A_667 = arith.index_cast %add3A_654 : i32 to index
          %get3A_668 = arith.constant 48 : index
          %get3A_669 = tpu.vector_load %arg15[%get3A_667, %get3A_668] {strides = array<i32>} : memref<16x128xf32, #tpu.memory_space<vmem>>, vector<16xf32>,
          %mul3A_670 = arith.mulf %get3A_669, %get3A_160 : vector<16xf32>
          %get3A_671 = arith.index_cast %add3A_654 : i32 to index
          %get3A_672 = arith.constant 64 : index
          %get3A_673 = tpu.vector_load %arg15[%get3A_671, %get3A_672] {strides = array<i32>} : memref<16x128xf32, #tpu.memory_space<vmem>>, vector<16xf32>,
          %mul3A_674 = arith.mulf %get3A_673, %get3A_163 : vector<16xf32>
          %get3A_675 = arith.index_cast %add3A_654 : i32 to index
          %get3A_676 = arith.constant 80 : index
          %get3A_677 = tpu.vector_load %arg15[%get3A_675, %get3A_676] {strides = array<i32>} : memref<16x128xf32, #tpu.memory_space<vmem>>, vector<16xf32>,
          %mul3A_678 = arith.mulf %get3A_677, %get3A_166 : vector<16xf32>
          %get3A_679 = arith.index_cast %add3A_654 : i32 to index
          %get3A_680 = arith.constant 96 : index
          %get3A_681 = tpu.vector_load %arg15[%get3A_679, %get3A_680] {strides = array<i32>} : memref<16x128xf32, #tpu.memory_space<vmem>>, vector<16xf32>,
          %mul3A_682 = arith.mulf %get3A_681, %get3A_169 : vector<16xf32>
          %get3A_683 = arith.index_cast %add3A_654 : i32 to index
          %get3A_684 = arith.constant 112 : index
          %get3A_685 = tpu.vector_load %arg15[%get3A_683, %get3A_684] {strides = array<i32>} : memref<16x128xf32, #tpu.memory_space<vmem>>, vector<16xf32>,
          %mul3A_686 = arith.mulf %get3A_685, %get3A_172 : vector<16xf32>
          %add3A_687 = arith.addf %mul3A_658, %mul3A_662 : vector<16xf32>
          %add3A_688 = arith.addf %mul3A_666, %mul3A_670 : vector<16xf32>
          %add3A_689 = arith.addf %mul3A_674, %mul3A_678 : vector<16xf32>
          %add3A_690 = arith.addf %mul3A_682, %mul3A_686 : vector<16xf32>
          %add3A_691 = arith.addf %add3A_687, %add3A_688 : vector<16xf32>
          %add3A_692 = arith.addf %add3A_689, %add3A_690 : vector<16xf32>
          %add3A_693 = arith.addf %add3A_691, %add3A_692 : vector<16xf32>
          %xor3A_694 = arith.constant 8 : i32
          %xor3A_695 = vector.broadcast %xor3A_694 : i32 to vector<16xi32>
          %xor3A_696 = arith.xori %iota3A, %xor3A_695 : vector<16xi32>
          %lt3A_697 = arith.constant 0 : i32
          %lt3A_698 = vector.broadcast %lt3A_697 : i32 to vector<16xi32>
          %lt3A_699 = arith.cmpi slt, %xor3A_696, %lt3A_698 : vector<16xi32>
          %add3A_700 = arith.constant 16 : i32
          %add3A_701 = vector.broadcast %add3A_700 : i32 to vector<16xi32>
          %add3A_702 = arith.addi %xor3A_696, %add3A_701 : vector<16xi32>
          %select_n3A_703 = arith.select %lt3A_699, %add3A_702, %xor3A_696 : vector<16xi1>, vector<16xi32>
          %broadcast_in_dim3A_704 = vector.shape_cast %select_n3A_703 : vector<16xi32> to vector<16x1xi32>
          %gather3A_705 = vector.shape_cast %broadcast_in_dim3A_704 : vector<16x1xi32> to vector<16xi32>
          %gather3A_706 = tpu.dynamic_gather %add3A_693[%gather3A_705] in [0] : vector<16xf32>, vector<16xi32> -> vector<16xf32>
          %add3A_707 = arith.addf %add3A_693, %gather3A_706 : vector<16xf32>
          %xor3A_708 = arith.constant 4 : i32
          %xor3A_709 = vector.broadcast %xor3A_708 : i32 to vector<16xi32>
          %xor3A_710 = arith.xori %iota3A, %xor3A_709 : vector<16xi32>
          %lt3A_711 = arith.constant 0 : i32
          %lt3A_712 = vector.broadcast %lt3A_711 : i32 to vector<16xi32>
          %lt3A_713 = arith.cmpi slt, %xor3A_710, %lt3A_712 : vector<16xi32>
          %add3A_714 = arith.constant 16 : i32
          %add3A_715 = vector.broadcast %add3A_714 : i32 to vector<16xi32>
          %add3A_716 = arith.addi %xor3A_710, %add3A_715 : vector<16xi32>
          %select_n3A_717 = arith.select %lt3A_713, %add3A_716, %xor3A_710 : vector<16xi1>, vector<16xi32>
          %broadcast_in_dim3A_718 = vector.shape_cast %select_n3A_717 : vector<16xi32> to vector<16x1xi32>
          %gather3A_719 = vector.shape_cast %broadcast_in_dim3A_718 : vector<16x1xi32> to vector<16xi32>
          %gather3A_720 = tpu.dynamic_gather %add3A_707[%gather3A_719] in [0] : vector<16xf32>, vector<16xi32> -> vector<16xf32>
          %add3A_721 = arith.addf %add3A_707, %gather3A_720 : vector<16xf32>
          %xor3A_722 = arith.constant 2 : i32
          %xor3A_723 = vector.broadcast %xor3A_722 : i32 to vector<16xi32>
          %xor3A_724 = arith.xori %iota3A, %xor3A_723 : vector<16xi32>
          %lt3A_725 = arith.constant 0 : i32
          %lt3A_726 = vector.broadcast %lt3A_725 : i32 to vector<16xi32>
          %lt3A_727 = arith.cmpi slt, %xor3A_724, %lt3A_726 : vector<16xi32>
          %add3A_728 = arith.constant 16 : i32
          %add3A_729 = vector.broadcast %add3A_728 : i32 to vector<16xi32>
          %add3A_730 = arith.addi %xor3A_724, %add3A_729 : vector<16xi32>
          %select_n3A_731 = arith.select %lt3A_727, %add3A_730, %xor3A_724 : vector<16xi1>, vector<16xi32>
          %broadcast_in_dim3A_732 = vector.shape_cast %select_n3A_731 : vector<16xi32> to vector<16x1xi32>
          %gather3A_733 = vector.shape_cast %broadcast_in_dim3A_732 : vector<16x1xi32> to vector<16xi32>
          %gather3A_734 = tpu.dynamic_gather %add3A_721[%gather3A_733] in [0] : vector<16xf32>, vector<16xi32> -> vector<16xf32>
          %add3A_735 = arith.addf %add3A_721, %gather3A_734 : vector<16xf32>
          %xor3A_736 = arith.constant 1 : i32
          %xor3A_737 = vector.broadcast %xor3A_736 : i32 to vector<16xi32>
          %xor3A_738 = arith.xori %iota3A, %xor3A_737 : vector<16xi32>
          %lt3A_739 = arith.constant 0 : i32
          %lt3A_740 = vector.broadcast %lt3A_739 : i32 to vector<16xi32>
          %lt3A_741 = arith.cmpi slt, %xor3A_738, %lt3A_740 : vector<16xi32>
          %add3A_742 = arith.constant 16 : i32
          %add3A_743 = vector.broadcast %add3A_742 : i32 to vector<16xi32>
          %add3A_744 = arith.addi %xor3A_738, %add3A_743 : vector<16xi32>
          %select_n3A_745 = arith.select %lt3A_741, %add3A_744, %xor3A_738 : vector<16xi1>, vector<16xi32>
          %broadcast_in_dim3A_746 = vector.shape_cast %select_n3A_745 : vector<16xi32> to vector<16x1xi32>
          %gather3A_747 = vector.shape_cast %broadcast_in_dim3A_746 : vector<16x1xi32> to vector<16xi32>
          %gather3A_748 = tpu.dynamic_gather %add3A_735[%gather3A_747] in [0] : vector<16xf32>, vector<16xi32> -> vector<16xf32>
          %add3A_749 = arith.addf %add3A_735, %gather3A_748 : vector<16xf32>
          %eq3A_750 = vector.broadcast %scan3A_650 : i32 to vector<16xi32>
          %eq3A_751 = arith.cmpi eq, %iota3A, %eq3A_750 : vector<16xi32>
          %select_n3A_752 = arith.select %eq3A_751, %add3A_749, %scan3A_651 : vector<16xi1>, vector<16xf32>
          scf.yield %select_n3A_752 : vector<16xf32>
        }
        %scan3A_292 = arith.constant 4 : i32
        %mul3A_293 = arith.mulf %scan3A_291, %div3A_282 : vector<16xf32>
        %xor3A_294 = arith.constant 8 : i32
        %xor3A_295 = vector.broadcast %xor3A_294 : i32 to vector<16xi32>
        %xor3A_296 = arith.xori %iota3A, %xor3A_295 : vector<16xi32>
        %lt3A_297 = arith.constant 0 : i32
        %lt3A_298 = vector.broadcast %lt3A_297 : i32 to vector<16xi32>
        %lt3A_299 = arith.cmpi slt, %xor3A_296, %lt3A_298 : vector<16xi32>
        %add3A_300 = arith.constant 16 : i32
        %add3A_301 = vector.broadcast %add3A_300 : i32 to vector<16xi32>
        %add3A_302 = arith.addi %xor3A_296, %add3A_301 : vector<16xi32>
        %select_n3A_303 = arith.select %lt3A_299, %add3A_302, %xor3A_296 : vector<16xi1>, vector<16xi32>
        %broadcast_in_dim3A_304 = vector.shape_cast %select_n3A_303 : vector<16xi32> to vector<16x1xi32>
        %gather3A_305 = vector.shape_cast %broadcast_in_dim3A_304 : vector<16x1xi32> to vector<16xi32>
        %gather3A_306 = tpu.dynamic_gather %mul3A_293[%gather3A_305] in [0] : vector<16xf32>, vector<16xi32> -> vector<16xf32>
        %max3A = arith.maximumf %mul3A_293, %gather3A_306 : vector<16xf32>
        %xor3A_307 = arith.constant 4 : i32
        %xor3A_308 = vector.broadcast %xor3A_307 : i32 to vector<16xi32>
        %xor3A_309 = arith.xori %iota3A, %xor3A_308 : vector<16xi32>
        %lt3A_310 = arith.constant 0 : i32
        %lt3A_311 = vector.broadcast %lt3A_310 : i32 to vector<16xi32>
        %lt3A_312 = arith.cmpi slt, %xor3A_309, %lt3A_311 : vector<16xi32>
        %add3A_313 = arith.constant 16 : i32
        %add3A_314 = vector.broadcast %add3A_313 : i32 to vector<16xi32>
        %add3A_315 = arith.addi %xor3A_309, %add3A_314 : vector<16xi32>
        %select_n3A_316 = arith.select %lt3A_312, %add3A_315, %xor3A_309 : vector<16xi1>, vector<16xi32>
        %broadcast_in_dim3A_317 = vector.shape_cast %select_n3A_316 : vector<16xi32> to vector<16x1xi32>
        %gather3A_318 = vector.shape_cast %broadcast_in_dim3A_317 : vector<16x1xi32> to vector<16xi32>
        %gather3A_319 = tpu.dynamic_gather %max3A[%gather3A_318] in [0] : vector<16xf32>, vector<16xi32> -> vector<16xf32>
        %max3A_320 = arith.maximumf %max3A, %gather3A_319 : vector<16xf32>
        %xor3A_321 = arith.constant 2 : i32
        %xor3A_322 = vector.broadcast %xor3A_321 : i32 to vector<16xi32>
        %xor3A_323 = arith.xori %iota3A, %xor3A_322 : vector<16xi32>
        %lt3A_324 = arith.constant 0 : i32
        %lt3A_325 = vector.broadcast %lt3A_324 : i32 to vector<16xi32>
        %lt3A_326 = arith.cmpi slt, %xor3A_323, %lt3A_325 : vector<16xi32>
        %add3A_327 = arith.constant 16 : i32
        %add3A_328 = vector.broadcast %add3A_327 : i32 to vector<16xi32>
        %add3A_329 = arith.addi %xor3A_323, %add3A_328 : vector<16xi32>
        %select_n3A_330 = arith.select %lt3A_326, %add3A_329, %xor3A_323 : vector<16xi1>, vector<16xi32>
        %broadcast_in_dim3A_331 = vector.shape_cast %select_n3A_330 : vector<16xi32> to vector<16x1xi32>
        %gather3A_332 = vector.shape_cast %broadcast_in_dim3A_331 : vector<16x1xi32> to vector<16xi32>
        %gather3A_333 = tpu.dynamic_gather %max3A_320[%gather3A_332] in [0] : vector<16xf32>, vector<16xi32> -> vector<16xf32>
        %max3A_334 = arith.maximumf %max3A_320, %gather3A_333 : vector<16xf32>
        %xor3A_335 = arith.constant 1 : i32
        %xor3A_336 = vector.broadcast %xor3A_335 : i32 to vector<16xi32>
        %xor3A_337 = arith.xori %iota3A, %xor3A_336 : vector<16xi32>
        %lt3A_338 = arith.constant 0 : i32
        %lt3A_339 = vector.broadcast %lt3A_338 : i32 to vector<16xi32>
        %lt3A_340 = arith.cmpi slt, %xor3A_337, %lt3A_339 : vector<16xi32>
        %add3A_341 = arith.constant 16 : i32
        %add3A_342 = vector.broadcast %add3A_341 : i32 to vector<16xi32>
        %add3A_343 = arith.addi %xor3A_337, %add3A_342 : vector<16xi32>
        %select_n3A_344 = arith.select %lt3A_340, %add3A_343, %xor3A_337 : vector<16xi1>, vector<16xi32>
        %broadcast_in_dim3A_345 = vector.shape_cast %select_n3A_344 : vector<16xi32> to vector<16x1xi32>
        %gather3A_346 = vector.shape_cast %broadcast_in_dim3A_345 : vector<16x1xi32> to vector<16xi32>
        %gather3A_347 = tpu.dynamic_gather %max3A_334[%gather3A_346] in [0] : vector<16xf32>, vector<16xi32> -> vector<16xf32>
        %max3A_348 = arith.maximumf %max3A_334, %gather3A_347 : vector<16xf32>
        %sub3A_349 = arith.subf %mul3A_293, %max3A_348 : vector<16xf32>
        %mul3A_350 = arith.constant 0.0441941731 : f32
        %mul3A_351 = vector.broadcast %mul3A_350 : f32 to vector<16xf32>
        %mul3A_352 = arith.mulf %sub3A_349, %mul3A_351 : vector<16xf32>
        %exp3A = math.exp %mul3A_352 : vector<16xf32>
        %xor3A_353 = arith.constant 8 : i32
        %xor3A_354 = vector.broadcast %xor3A_353 : i32 to vector<16xi32>
        %xor3A_355 = arith.xori %iota3A, %xor3A_354 : vector<16xi32>
        %lt3A_356 = arith.constant 0 : i32
        %lt3A_357 = vector.broadcast %lt3A_356 : i32 to vector<16xi32>
        %lt3A_358 = arith.cmpi slt, %xor3A_355, %lt3A_357 : vector<16xi32>
        %add3A_359 = arith.constant 16 : i32
        %add3A_360 = vector.broadcast %add3A_359 : i32 to vector<16xi32>
        %add3A_361 = arith.addi %xor3A_355, %add3A_360 : vector<16xi32>
        %select_n3A_362 = arith.select %lt3A_358, %add3A_361, %xor3A_355 : vector<16xi1>, vector<16xi32>
        %broadcast_in_dim3A_363 = vector.shape_cast %select_n3A_362 : vector<16xi32> to vector<16x1xi32>
        %gather3A_364 = vector.shape_cast %broadcast_in_dim3A_363 : vector<16x1xi32> to vector<16xi32>
        %gather3A_365 = tpu.dynamic_gather %exp3A[%gather3A_364] in [0] : vector<16xf32>, vector<16xi32> -> vector<16xf32>
        %add3A_366 = arith.addf %exp3A, %gather3A_365 : vector<16xf32>
        %xor3A_367 = arith.constant 4 : i32
        %xor3A_368 = vector.broadcast %xor3A_367 : i32 to vector<16xi32>
        %xor3A_369 = arith.xori %iota3A, %xor3A_368 : vector<16xi32>
        %lt3A_370 = arith.constant 0 : i32
        %lt3A_371 = vector.broadcast %lt3A_370 : i32 to vector<16xi32>
        %lt3A_372 = arith.cmpi slt, %xor3A_369, %lt3A_371 : vector<16xi32>
        %add3A_373 = arith.constant 16 : i32
        %add3A_374 = vector.broadcast %add3A_373 : i32 to vector<16xi32>
        %add3A_375 = arith.addi %xor3A_369, %add3A_374 : vector<16xi32>
        %select_n3A_376 = arith.select %lt3A_372, %add3A_375, %xor3A_369 : vector<16xi1>, vector<16xi32>
        %broadcast_in_dim3A_377 = vector.shape_cast %select_n3A_376 : vector<16xi32> to vector<16x1xi32>
        %gather3A_378 = vector.shape_cast %broadcast_in_dim3A_377 : vector<16x1xi32> to vector<16xi32>
        %gather3A_379 = tpu.dynamic_gather %add3A_366[%gather3A_378] in [0] : vector<16xf32>, vector<16xi32> -> vector<16xf32>
        %add3A_380 = arith.addf %add3A_366, %gather3A_379 : vector<16xf32>
        %xor3A_381 = arith.constant 2 : i32
        %xor3A_382 = vector.broadcast %xor3A_381 : i32 to vector<16xi32>
        %xor3A_383 = arith.xori %iota3A, %xor3A_382 : vector<16xi32>
        %lt3A_384 = arith.constant 0 : i32
        %lt3A_385 = vector.broadcast %lt3A_384 : i32 to vector<16xi32>
        %lt3A_386 = arith.cmpi slt, %xor3A_383, %lt3A_385 : vector<16xi32>
        %add3A_387 = arith.constant 16 : i32
        %add3A_388 = vector.broadcast %add3A_387 : i32 to vector<16xi32>
        %add3A_389 = arith.addi %xor3A_383, %add3A_388 : vector<16xi32>
        %select_n3A_390 = arith.select %lt3A_386, %add3A_389, %xor3A_383 : vector<16xi1>, vector<16xi32>
        %broadcast_in_dim3A_391 = vector.shape_cast %select_n3A_390 : vector<16xi32> to vector<16x1xi32>
        %gather3A_392 = vector.shape_cast %broadcast_in_dim3A_391 : vector<16x1xi32> to vector<16xi32>
        %gather3A_393 = tpu.dynamic_gather %add3A_380[%gather3A_392] in [0] : vector<16xf32>, vector<16xi32> -> vector<16xf32>
        %add3A_394 = arith.addf %add3A_380, %gather3A_393 : vector<16xf32>
        %xor3A_395 = arith.constant 1 : i32
        %xor3A_396 = vector.broadcast %xor3A_395 : i32 to vector<16xi32>
        %xor3A_397 = arith.xori %iota3A, %xor3A_396 : vector<16xi32>
        %lt3A_398 = arith.constant 0 : i32
        %lt3A_399 = vector.broadcast %lt3A_398 : i32 to vector<16xi32>
        %lt3A_400 = arith.cmpi slt, %xor3A_397, %lt3A_399 : vector<16xi32>
        %add3A_401 = arith.constant 16 : i32
        %add3A_402 = vector.broadcast %add3A_401 : i32 to vector<16xi32>
        %add3A_403 = arith.addi %xor3A_397, %add3A_402 : vector<16xi32>
        %select_n3A_404 = arith.select %lt3A_400, %add3A_403, %xor3A_397 : vector<16xi1>, vector<16xi32>
        %broadcast_in_dim3A_405 = vector.shape_cast %select_n3A_404 : vector<16xi32> to vector<16x1xi32>
        %gather3A_406 = vector.shape_cast %broadcast_in_dim3A_405 : vector<16x1xi32> to vector<16xi32>
        %gather3A_407 = tpu.dynamic_gather %add3A_394[%gather3A_406] in [0] : vector<16xf32>, vector<16xi32> -> vector<16xf32>
        %add3A_408 = arith.addf %add3A_394, %gather3A_407 : vector<16xf32>
        %div3A_409 = arith.divf %exp3A, %add3A_408 : vector<16xf32>
        %scan3A_410 = arith.constant 0 : i32
        %scan3A_411 = arith.constant 4 : i32
        %scan3A_412 = arith.addi %scan3A_410, %scan3A_411 : i32
        %scan3A_413 = arith.constant 1 : i32
        %scan3A_414:8 = scf.for %scan3A_650 = %scan3A_410 to %scan3A_412 step %scan3A_413 iter_args(%scan3A_651 = %broadcast_in_dim3A_284, %scan3A_652 = %broadcast_in_dim3A_284, %scan3A_653 = %broadcast_in_dim3A_284, %scan3A_654 = %broadcast_in_dim3A_284, %scan3A_655 = %broadcast_in_dim3A_284, %scan3A_656 = %broadcast_in_dim3A_284, %scan3A_657 = %broadcast_in_dim3A_284, %scan3A_658 = %broadcast_in_dim3A_284) -> (vector<16xf32>, vector<16xf32>, vector<16xf32>, vector<16xf32>, vector<16xf32>, vector<16xf32>, vector<16xf32>, vector<16xf32>)  : i32 {
          %broadcast_in_dim3A_659 = arith.constant 0 : i32
          %broadcast_in_dim3A_660 = vector.broadcast %broadcast_in_dim3A_659 : i32 to vector<16xi32>
          %add3A_661 = vector.broadcast %scan3A_650 : i32 to vector<16xi32>
          %add3A_662 = arith.addi %broadcast_in_dim3A_660, %add3A_661 : vector<16xi32>
          %lt3A_663 = arith.constant 0 : i32
          %lt3A_664 = vector.broadcast %lt3A_663 : i32 to vector<16xi32>
          %lt3A_665 = arith.cmpi slt, %add3A_662, %lt3A_664 : vector<16xi32>
          %add3A_666 = arith.constant 16 : i32
          %add3A_667 = vector.broadcast %add3A_666 : i32 to vector<16xi32>
          %add3A_668 = arith.addi %add3A_662, %add3A_667 : vector<16xi32>
          %select_n3A_669 = arith.select %lt3A_665, %add3A_668, %add3A_662 : vector<16xi1>, vector<16xi32>
          %broadcast_in_dim3A_670 = vector.shape_cast %select_n3A_669 : vector<16xi32> to vector<16x1xi32>
          %gather3A_671 = vector.shape_cast %broadcast_in_dim3A_670 : vector<16x1xi32> to vector<16xi32>
          %gather3A_672 = tpu.dynamic_gather %div3A_409[%gather3A_671] in [0] : vector<16xf32>, vector<16xi32> -> vector<16xf32>
          %mul3A_673 = arith.constant 4 : i32
          %mul3A_674 = arith.muli %scan3A_142, %mul3A_673 : i32
          %add3A_675 = arith.addi %mul3A_674, %scan3A_650 : i32
          %get3A_676 = arith.index_cast %add3A_675 : i32 to index
          %get3A_677 = arith.constant 0 : index
          %get3A_678 = tpu.vector_load %arg16[%get3A_676, %get3A_677] {strides = array<i32>} : memref<16x128xf32, #tpu.memory_space<vmem>>, vector<16xf32>,
          %mul3A_679 = arith.mulf %gather3A_672, %get3A_678 : vector<16xf32>
          %add3A_680 = arith.addf %scan3A_651, %mul3A_679 : vector<16xf32>
          %get3A_681 = arith.index_cast %add3A_675 : i32 to index
          %get3A_682 = arith.constant 16 : index
          %get3A_683 = tpu.vector_load %arg16[%get3A_681, %get3A_682] {strides = array<i32>} : memref<16x128xf32, #tpu.memory_space<vmem>>, vector<16xf32>,
          %mul3A_684 = arith.mulf %gather3A_672, %get3A_683 : vector<16xf32>
          %add3A_685 = arith.addf %scan3A_652, %mul3A_684 : vector<16xf32>
          %get3A_686 = arith.index_cast %add3A_675 : i32 to index
          %get3A_687 = arith.constant 32 : index
          %get3A_688 = tpu.vector_load %arg16[%get3A_686, %get3A_687] {strides = array<i32>} : memref<16x128xf32, #tpu.memory_space<vmem>>, vector<16xf32>,
          %mul3A_689 = arith.mulf %gather3A_672, %get3A_688 : vector<16xf32>
          %add3A_690 = arith.addf %scan3A_653, %mul3A_689 : vector<16xf32>
          %get3A_691 = arith.index_cast %add3A_675 : i32 to index
          %get3A_692 = arith.constant 48 : index
          %get3A_693 = tpu.vector_load %arg16[%get3A_691, %get3A_692] {strides = array<i32>} : memref<16x128xf32, #tpu.memory_space<vmem>>, vector<16xf32>,
          %mul3A_694 = arith.mulf %gather3A_672, %get3A_693 : vector<16xf32>
          %add3A_695 = arith.addf %scan3A_654, %mul3A_694 : vector<16xf32>
          %get3A_696 = arith.index_cast %add3A_675 : i32 to index
          %get3A_697 = arith.constant 64 : index
          %get3A_698 = tpu.vector_load %arg16[%get3A_696, %get3A_697] {strides = array<i32>} : memref<16x128xf32, #tpu.memory_space<vmem>>, vector<16xf32>,
          %mul3A_699 = arith.mulf %gather3A_672, %get3A_698 : vector<16xf32>
          %add3A_700 = arith.addf %scan3A_655, %mul3A_699 : vector<16xf32>
          %get3A_701 = arith.index_cast %add3A_675 : i32 to index
          %get3A_702 = arith.constant 80 : index
          %get3A_703 = tpu.vector_load %arg16[%get3A_701, %get3A_702] {strides = array<i32>} : memref<16x128xf32, #tpu.memory_space<vmem>>, vector<16xf32>,
          %mul3A_704 = arith.mulf %gather3A_672, %get3A_703 : vector<16xf32>
          %add3A_705 = arith.addf %scan3A_656, %mul3A_704 : vector<16xf32>
          %get3A_706 = arith.index_cast %add3A_675 : i32 to index
          %get3A_707 = arith.constant 96 : index
          %get3A_708 = tpu.vector_load %arg16[%get3A_706, %get3A_707] {strides = array<i32>} : memref<16x128xf32, #tpu.memory_space<vmem>>, vector<16xf32>,
          %mul3A_709 = arith.mulf %gather3A_672, %get3A_708 : vector<16xf32>
          %add3A_710 = arith.addf %scan3A_657, %mul3A_709 : vector<16xf32>
          %get3A_711 = arith.index_cast %add3A_675 : i32 to index
          %get3A_712 = arith.constant 112 : index
          %get3A_713 = tpu.vector_load %arg16[%get3A_711, %get3A_712] {strides = array<i32>} : memref<16x128xf32, #tpu.memory_space<vmem>>, vector<16xf32>,
          %mul3A_714 = arith.mulf %gather3A_672, %get3A_713 : vector<16xf32>
          %add3A_715 = arith.addf %scan3A_658, %mul3A_714 : vector<16xf32>
          scf.yield %add3A_680, %add3A_685, %add3A_690, %add3A_695, %add3A_700, %add3A_705, %add3A_710, %add3A_715 : vector<16xf32>, vector<16xf32>, vector<16xf32>, vector<16xf32>, vector<16xf32>, vector<16xf32>, vector<16xf32>, vector<16xf32>
        }
        %scan3A_415 = arith.constant 4 : i32
        %swap3A_416 = arith.index_cast %add3A_149 : i32 to index
        %swap3A_417 = arith.constant 0 : index
        %swap3A_418 = tpu.vector_load %arg24[%swap3A_416, %swap3A_417] {strides = array<i32>} : memref<64x128xf32, #tpu.memory_space<vmem>>, vector<16xf32>,
        tpu.vector_store %arg24[%swap3A_416, %swap3A_417], %scan3A_414#0 {strides = array<i32>} : memref<64x128xf32, #tpu.memory_space<vmem>>, vector<16xf32>,
        %swap3A_419 = arith.index_cast %add3A_149 : i32 to index
        %swap3A_420 = arith.constant 16 : index
        %swap3A_421 = tpu.vector_load %arg24[%swap3A_419, %swap3A_420] {strides = array<i32>} : memref<64x128xf32, #tpu.memory_space<vmem>>, vector<16xf32>,
        tpu.vector_store %arg24[%swap3A_419, %swap3A_420], %scan3A_414#1 {strides = array<i32>} : memref<64x128xf32, #tpu.memory_space<vmem>>, vector<16xf32>,
        %swap3A_422 = arith.index_cast %add3A_149 : i32 to index
        %swap3A_423 = arith.constant 32 : index
        %swap3A_424 = tpu.vector_load %arg24[%swap3A_422, %swap3A_423] {strides = array<i32>} : memref<64x128xf32, #tpu.memory_space<vmem>>, vector<16xf32>,
        tpu.vector_store %arg24[%swap3A_422, %swap3A_423], %scan3A_414#2 {strides = array<i32>} : memref<64x128xf32, #tpu.memory_space<vmem>>, vector<16xf32>,
        %swap3A_425 = arith.index_cast %add3A_149 : i32 to index
        %swap3A_426 = arith.constant 48 : index
        %swap3A_427 = tpu.vector_load %arg24[%swap3A_425, %swap3A_426] {strides = array<i32>} : memref<64x128xf32, #tpu.memory_space<vmem>>, vector<16xf32>,
        tpu.vector_store %arg24[%swap3A_425, %swap3A_426], %scan3A_414#3 {strides = array<i32>} : memref<64x128xf32, #tpu.memory_space<vmem>>, vector<16xf32>,
        %swap3A_428 = arith.index_cast %add3A_149 : i32 to index
        %swap3A_429 = arith.constant 64 : index
        %swap3A_430 = tpu.vector_load %arg24[%swap3A_428, %swap3A_429] {strides = array<i32>} : memref<64x128xf32, #tpu.memory_space<vmem>>, vector<16xf32>,
        tpu.vector_store %arg24[%swap3A_428, %swap3A_429], %scan3A_414#4 {strides = array<i32>} : memref<64x128xf32, #tpu.memory_space<vmem>>, vector<16xf32>,
        %swap3A_431 = arith.index_cast %add3A_149 : i32 to index
        %swap3A_432 = arith.constant 80 : index
        %swap3A_433 = tpu.vector_load %arg24[%swap3A_431, %swap3A_432] {strides = array<i32>} : memref<64x128xf32, #tpu.memory_space<vmem>>, vector<16xf32>,
        tpu.vector_store %arg24[%swap3A_431, %swap3A_432], %scan3A_414#5 {strides = array<i32>} : memref<64x128xf32, #tpu.memory_space<vmem>>, vector<16xf32>,
        %swap3A_434 = arith.index_cast %add3A_149 : i32 to index
        %swap3A_435 = arith.constant 96 : index
        %swap3A_436 = tpu.vector_load %arg24[%swap3A_434, %swap3A_435] {strides = array<i32>} : memref<64x128xf32, #tpu.memory_space<vmem>>, vector<16xf32>,
        tpu.vector_store %arg24[%swap3A_434, %swap3A_435], %scan3A_414#6 {strides = array<i32>} : memref<64x128xf32, #tpu.memory_space<vmem>>, vector<16xf32>,
        %swap3A_437 = arith.index_cast %add3A_149 : i32 to index
        %swap3A_438 = arith.constant 112 : index
        %swap3A_439 = tpu.vector_load %arg24[%swap3A_437, %swap3A_438] {strides = array<i32>} : memref<64x128xf32, #tpu.memory_space<vmem>>, vector<16xf32>,
        tpu.vector_store %arg24[%swap3A_437, %swap3A_438], %scan3A_414#7 {strides = array<i32>} : memref<64x128xf32, #tpu.memory_space<vmem>>, vector<16xf32>,
        %scan3A_440 = arith.constant 0 : i32
        %scan3A_441 = arith.constant 16 : i32
        %scan3A_442 = arith.addi %scan3A_440, %scan3A_441 : i32
        %scan3A_443 = arith.constant 1 : i32
        %scan3A_444 = scf.for %scan3A_650 = %scan3A_440 to %scan3A_442 step %scan3A_443 iter_args(%scan3A_651 = %broadcast_in_dim3A_284) -> (vector<16xf32>)  : i32 {
          %mul3A_652 = arith.constant 32 : i32
          %mul3A_653 = arith.muli %scan3A_142, %mul3A_652 : i32
          %add3A_654 = arith.addi %mul3A_653, %scan3A_650 : i32
          %get3A_655 = arith.index_cast %add3A_654 : i32 to index
          %get3A_656 = arith.constant 0 : index
          %get3A_657 = tpu.vector_load %arg17[%get3A_655, %get3A_656] {strides = array<i32>} : memref<128x128xf32, #tpu.memory_space<vmem>>, vector<16xf32>,
          %mul3A_658 = arith.mulf %get3A_657, %get3A_151 : vector<16xf32>
          %get3A_659 = arith.index_cast %add3A_654 : i32 to index
          %get3A_660 = arith.constant 16 : index
          %get3A_661 = tpu.vector_load %arg17[%get3A_659, %get3A_660] {strides = array<i32>} : memref<128x128xf32, #tpu.memory_space<vmem>>, vector<16xf32>,
          %mul3A_662 = arith.mulf %get3A_661, %get3A_154 : vector<16xf32>
          %get3A_663 = arith.index_cast %add3A_654 : i32 to index
          %get3A_664 = arith.constant 32 : index
          %get3A_665 = tpu.vector_load %arg17[%get3A_663, %get3A_664] {strides = array<i32>} : memref<128x128xf32, #tpu.memory_space<vmem>>, vector<16xf32>,
          %mul3A_666 = arith.mulf %get3A_665, %get3A_157 : vector<16xf32>
          %get3A_667 = arith.index_cast %add3A_654 : i32 to index
          %get3A_668 = arith.constant 48 : index
          %get3A_669 = tpu.vector_load %arg17[%get3A_667, %get3A_668] {strides = array<i32>} : memref<128x128xf32, #tpu.memory_space<vmem>>, vector<16xf32>,
          %mul3A_670 = arith.mulf %get3A_669, %get3A_160 : vector<16xf32>
          %get3A_671 = arith.index_cast %add3A_654 : i32 to index
          %get3A_672 = arith.constant 64 : index
          %get3A_673 = tpu.vector_load %arg17[%get3A_671, %get3A_672] {strides = array<i32>} : memref<128x128xf32, #tpu.memory_space<vmem>>, vector<16xf32>,
          %mul3A_674 = arith.mulf %get3A_673, %get3A_163 : vector<16xf32>
          %get3A_675 = arith.index_cast %add3A_654 : i32 to index
          %get3A_676 = arith.constant 80 : index
          %get3A_677 = tpu.vector_load %arg17[%get3A_675, %get3A_676] {strides = array<i32>} : memref<128x128xf32, #tpu.memory_space<vmem>>, vector<16xf32>,
          %mul3A_678 = arith.mulf %get3A_677, %get3A_166 : vector<16xf32>
          %get3A_679 = arith.index_cast %add3A_654 : i32 to index
          %get3A_680 = arith.constant 96 : index
          %get3A_681 = tpu.vector_load %arg17[%get3A_679, %get3A_680] {strides = array<i32>} : memref<128x128xf32, #tpu.memory_space<vmem>>, vector<16xf32>,
          %mul3A_682 = arith.mulf %get3A_681, %get3A_169 : vector<16xf32>
          %get3A_683 = arith.index_cast %add3A_654 : i32 to index
          %get3A_684 = arith.constant 112 : index
          %get3A_685 = tpu.vector_load %arg17[%get3A_683, %get3A_684] {strides = array<i32>} : memref<128x128xf32, #tpu.memory_space<vmem>>, vector<16xf32>,
          %mul3A_686 = arith.mulf %get3A_685, %get3A_172 : vector<16xf32>
          %add3A_687 = arith.addf %mul3A_658, %mul3A_662 : vector<16xf32>
          %add3A_688 = arith.addf %mul3A_666, %mul3A_670 : vector<16xf32>
          %add3A_689 = arith.addf %mul3A_674, %mul3A_678 : vector<16xf32>
          %add3A_690 = arith.addf %mul3A_682, %mul3A_686 : vector<16xf32>
          %add3A_691 = arith.addf %add3A_687, %add3A_688 : vector<16xf32>
          %add3A_692 = arith.addf %add3A_689, %add3A_690 : vector<16xf32>
          %add3A_693 = arith.addf %add3A_691, %add3A_692 : vector<16xf32>
          %xor3A_694 = arith.constant 8 : i32
          %xor3A_695 = vector.broadcast %xor3A_694 : i32 to vector<16xi32>
          %xor3A_696 = arith.xori %iota3A, %xor3A_695 : vector<16xi32>
          %lt3A_697 = arith.constant 0 : i32
          %lt3A_698 = vector.broadcast %lt3A_697 : i32 to vector<16xi32>
          %lt3A_699 = arith.cmpi slt, %xor3A_696, %lt3A_698 : vector<16xi32>
          %add3A_700 = arith.constant 16 : i32
          %add3A_701 = vector.broadcast %add3A_700 : i32 to vector<16xi32>
          %add3A_702 = arith.addi %xor3A_696, %add3A_701 : vector<16xi32>
          %select_n3A_703 = arith.select %lt3A_699, %add3A_702, %xor3A_696 : vector<16xi1>, vector<16xi32>
          %broadcast_in_dim3A_704 = vector.shape_cast %select_n3A_703 : vector<16xi32> to vector<16x1xi32>
          %gather3A_705 = vector.shape_cast %broadcast_in_dim3A_704 : vector<16x1xi32> to vector<16xi32>
          %gather3A_706 = tpu.dynamic_gather %add3A_693[%gather3A_705] in [0] : vector<16xf32>, vector<16xi32> -> vector<16xf32>
          %add3A_707 = arith.addf %add3A_693, %gather3A_706 : vector<16xf32>
          %xor3A_708 = arith.constant 4 : i32
          %xor3A_709 = vector.broadcast %xor3A_708 : i32 to vector<16xi32>
          %xor3A_710 = arith.xori %iota3A, %xor3A_709 : vector<16xi32>
          %lt3A_711 = arith.constant 0 : i32
          %lt3A_712 = vector.broadcast %lt3A_711 : i32 to vector<16xi32>
          %lt3A_713 = arith.cmpi slt, %xor3A_710, %lt3A_712 : vector<16xi32>
          %add3A_714 = arith.constant 16 : i32
          %add3A_715 = vector.broadcast %add3A_714 : i32 to vector<16xi32>
          %add3A_716 = arith.addi %xor3A_710, %add3A_715 : vector<16xi32>
          %select_n3A_717 = arith.select %lt3A_713, %add3A_716, %xor3A_710 : vector<16xi1>, vector<16xi32>
          %broadcast_in_dim3A_718 = vector.shape_cast %select_n3A_717 : vector<16xi32> to vector<16x1xi32>
          %gather3A_719 = vector.shape_cast %broadcast_in_dim3A_718 : vector<16x1xi32> to vector<16xi32>
          %gather3A_720 = tpu.dynamic_gather %add3A_707[%gather3A_719] in [0] : vector<16xf32>, vector<16xi32> -> vector<16xf32>
          %add3A_721 = arith.addf %add3A_707, %gather3A_720 : vector<16xf32>
          %xor3A_722 = arith.constant 2 : i32
          %xor3A_723 = vector.broadcast %xor3A_722 : i32 to vector<16xi32>
          %xor3A_724 = arith.xori %iota3A, %xor3A_723 : vector<16xi32>
          %lt3A_725 = arith.constant 0 : i32
          %lt3A_726 = vector.broadcast %lt3A_725 : i32 to vector<16xi32>
          %lt3A_727 = arith.cmpi slt, %xor3A_724, %lt3A_726 : vector<16xi32>
          %add3A_728 = arith.constant 16 : i32
          %add3A_729 = vector.broadcast %add3A_728 : i32 to vector<16xi32>
          %add3A_730 = arith.addi %xor3A_724, %add3A_729 : vector<16xi32>
          %select_n3A_731 = arith.select %lt3A_727, %add3A_730, %xor3A_724 : vector<16xi1>, vector<16xi32>
          %broadcast_in_dim3A_732 = vector.shape_cast %select_n3A_731 : vector<16xi32> to vector<16x1xi32>
          %gather3A_733 = vector.shape_cast %broadcast_in_dim3A_732 : vector<16x1xi32> to vector<16xi32>
          %gather3A_734 = tpu.dynamic_gather %add3A_721[%gather3A_733] in [0] : vector<16xf32>, vector<16xi32> -> vector<16xf32>
          %add3A_735 = arith.addf %add3A_721, %gather3A_734 : vector<16xf32>
          %xor3A_736 = arith.constant 1 : i32
          %xor3A_737 = vector.broadcast %xor3A_736 : i32 to vector<16xi32>
          %xor3A_738 = arith.xori %iota3A, %xor3A_737 : vector<16xi32>
          %lt3A_739 = arith.constant 0 : i32
          %lt3A_740 = vector.broadcast %lt3A_739 : i32 to vector<16xi32>
          %lt3A_741 = arith.cmpi slt, %xor3A_738, %lt3A_740 : vector<16xi32>
          %add3A_742 = arith.constant 16 : i32
          %add3A_743 = vector.broadcast %add3A_742 : i32 to vector<16xi32>
          %add3A_744 = arith.addi %xor3A_738, %add3A_743 : vector<16xi32>
          %select_n3A_745 = arith.select %lt3A_741, %add3A_744, %xor3A_738 : vector<16xi1>, vector<16xi32>
          %broadcast_in_dim3A_746 = vector.shape_cast %select_n3A_745 : vector<16xi32> to vector<16x1xi32>
          %gather3A_747 = vector.shape_cast %broadcast_in_dim3A_746 : vector<16x1xi32> to vector<16xi32>
          %gather3A_748 = tpu.dynamic_gather %add3A_735[%gather3A_747] in [0] : vector<16xf32>, vector<16xi32> -> vector<16xf32>
          %add3A_749 = arith.addf %add3A_735, %gather3A_748 : vector<16xf32>
          %eq3A_750 = vector.broadcast %scan3A_650 : i32 to vector<16xi32>
          %eq3A_751 = arith.cmpi eq, %iota3A, %eq3A_750 : vector<16xi32>
          %select_n3A_752 = arith.select %eq3A_751, %add3A_749, %scan3A_651 : vector<16xi1>, vector<16xf32>
          scf.yield %select_n3A_752 : vector<16xf32>
        }
        %scan3A_445 = arith.constant 16 : i32
        %scan3A_446 = arith.constant 0 : i32
        %scan3A_447 = arith.constant 16 : i32
        %scan3A_448 = arith.addi %scan3A_446, %scan3A_447 : i32
        %scan3A_449 = arith.constant 1 : i32
        %scan3A_450 = scf.for %scan3A_650 = %scan3A_446 to %scan3A_448 step %scan3A_449 iter_args(%scan3A_651 = %broadcast_in_dim3A_284) -> (vector<16xf32>)  : i32 {
          %mul3A_652 = arith.constant 32 : i32
          %mul3A_653 = arith.muli %scan3A_142, %mul3A_652 : i32
          %add3A_654 = arith.constant 16 : i32
          %add3A_655 = arith.addi %mul3A_653, %add3A_654 : i32
          %add3A_656 = arith.addi %add3A_655, %scan3A_650 : i32
          %get3A_657 = arith.index_cast %add3A_656 : i32 to index
          %get3A_658 = arith.constant 0 : index
          %get3A_659 = tpu.vector_load %arg17[%get3A_657, %get3A_658] {strides = array<i32>} : memref<128x128xf32, #tpu.memory_space<vmem>>, vector<16xf32>,
          %mul3A_660 = arith.mulf %get3A_659, %get3A_151 : vector<16xf32>
          %get3A_661 = arith.index_cast %add3A_656 : i32 to index
          %get3A_662 = arith.constant 16 : index
          %get3A_663 = tpu.vector_load %arg17[%get3A_661, %get3A_662] {strides = array<i32>} : memref<128x128xf32, #tpu.memory_space<vmem>>, vector<16xf32>,
          %mul3A_664 = arith.mulf %get3A_663, %get3A_154 : vector<16xf32>
          %get3A_665 = arith.index_cast %add3A_656 : i32 to index
          %get3A_666 = arith.constant 32 : index
          %get3A_667 = tpu.vector_load %arg17[%get3A_665, %get3A_666] {strides = array<i32>} : memref<128x128xf32, #tpu.memory_space<vmem>>, vector<16xf32>,
          %mul3A_668 = arith.mulf %get3A_667, %get3A_157 : vector<16xf32>
          %get3A_669 = arith.index_cast %add3A_656 : i32 to index
          %get3A_670 = arith.constant 48 : index
          %get3A_671 = tpu.vector_load %arg17[%get3A_669, %get3A_670] {strides = array<i32>} : memref<128x128xf32, #tpu.memory_space<vmem>>, vector<16xf32>,
          %mul3A_672 = arith.mulf %get3A_671, %get3A_160 : vector<16xf32>
          %get3A_673 = arith.index_cast %add3A_656 : i32 to index
          %get3A_674 = arith.constant 64 : index
          %get3A_675 = tpu.vector_load %arg17[%get3A_673, %get3A_674] {strides = array<i32>} : memref<128x128xf32, #tpu.memory_space<vmem>>, vector<16xf32>,
          %mul3A_676 = arith.mulf %get3A_675, %get3A_163 : vector<16xf32>
          %get3A_677 = arith.index_cast %add3A_656 : i32 to index
          %get3A_678 = arith.constant 80 : index
          %get3A_679 = tpu.vector_load %arg17[%get3A_677, %get3A_678] {strides = array<i32>} : memref<128x128xf32, #tpu.memory_space<vmem>>, vector<16xf32>,
          %mul3A_680 = arith.mulf %get3A_679, %get3A_166 : vector<16xf32>
          %get3A_681 = arith.index_cast %add3A_656 : i32 to index
          %get3A_682 = arith.constant 96 : index
          %get3A_683 = tpu.vector_load %arg17[%get3A_681, %get3A_682] {strides = array<i32>} : memref<128x128xf32, #tpu.memory_space<vmem>>, vector<16xf32>,
          %mul3A_684 = arith.mulf %get3A_683, %get3A_169 : vector<16xf32>
          %get3A_685 = arith.index_cast %add3A_656 : i32 to index
          %get3A_686 = arith.constant 112 : index
          %get3A_687 = tpu.vector_load %arg17[%get3A_685, %get3A_686] {strides = array<i32>} : memref<128x128xf32, #tpu.memory_space<vmem>>, vector<16xf32>,
          %mul3A_688 = arith.mulf %get3A_687, %get3A_172 : vector<16xf32>
          %add3A_689 = arith.addf %mul3A_660, %mul3A_664 : vector<16xf32>
          %add3A_690 = arith.addf %mul3A_668, %mul3A_672 : vector<16xf32>
          %add3A_691 = arith.addf %mul3A_676, %mul3A_680 : vector<16xf32>
          %add3A_692 = arith.addf %mul3A_684, %mul3A_688 : vector<16xf32>
          %add3A_693 = arith.addf %add3A_689, %add3A_690 : vector<16xf32>
          %add3A_694 = arith.addf %add3A_691, %add3A_692 : vector<16xf32>
          %add3A_695 = arith.addf %add3A_693, %add3A_694 : vector<16xf32>
          %xor3A_696 = arith.constant 8 : i32
          %xor3A_697 = vector.broadcast %xor3A_696 : i32 to vector<16xi32>
          %xor3A_698 = arith.xori %iota3A, %xor3A_697 : vector<16xi32>
          %lt3A_699 = arith.constant 0 : i32
          %lt3A_700 = vector.broadcast %lt3A_699 : i32 to vector<16xi32>
          %lt3A_701 = arith.cmpi slt, %xor3A_698, %lt3A_700 : vector<16xi32>
          %add3A_702 = arith.constant 16 : i32
          %add3A_703 = vector.broadcast %add3A_702 : i32 to vector<16xi32>
          %add3A_704 = arith.addi %xor3A_698, %add3A_703 : vector<16xi32>
          %select_n3A_705 = arith.select %lt3A_701, %add3A_704, %xor3A_698 : vector<16xi1>, vector<16xi32>
          %broadcast_in_dim3A_706 = vector.shape_cast %select_n3A_705 : vector<16xi32> to vector<16x1xi32>
          %gather3A_707 = vector.shape_cast %broadcast_in_dim3A_706 : vector<16x1xi32> to vector<16xi32>
          %gather3A_708 = tpu.dynamic_gather %add3A_695[%gather3A_707] in [0] : vector<16xf32>, vector<16xi32> -> vector<16xf32>
          %add3A_709 = arith.addf %add3A_695, %gather3A_708 : vector<16xf32>
          %xor3A_710 = arith.constant 4 : i32
          %xor3A_711 = vector.broadcast %xor3A_710 : i32 to vector<16xi32>
          %xor3A_712 = arith.xori %iota3A, %xor3A_711 : vector<16xi32>
          %lt3A_713 = arith.constant 0 : i32
          %lt3A_714 = vector.broadcast %lt3A_713 : i32 to vector<16xi32>
          %lt3A_715 = arith.cmpi slt, %xor3A_712, %lt3A_714 : vector<16xi32>
          %add3A_716 = arith.constant 16 : i32
          %add3A_717 = vector.broadcast %add3A_716 : i32 to vector<16xi32>
          %add3A_718 = arith.addi %xor3A_712, %add3A_717 : vector<16xi32>
          %select_n3A_719 = arith.select %lt3A_715, %add3A_718, %xor3A_712 : vector<16xi1>, vector<16xi32>
          %broadcast_in_dim3A_720 = vector.shape_cast %select_n3A_719 : vector<16xi32> to vector<16x1xi32>
          %gather3A_721 = vector.shape_cast %broadcast_in_dim3A_720 : vector<16x1xi32> to vector<16xi32>
          %gather3A_722 = tpu.dynamic_gather %add3A_709[%gather3A_721] in [0] : vector<16xf32>, vector<16xi32> -> vector<16xf32>
          %add3A_723 = arith.addf %add3A_709, %gather3A_722 : vector<16xf32>
          %xor3A_724 = arith.constant 2 : i32
          %xor3A_725 = vector.broadcast %xor3A_724 : i32 to vector<16xi32>
          %xor3A_726 = arith.xori %iota3A, %xor3A_725 : vector<16xi32>
          %lt3A_727 = arith.constant 0 : i32
          %lt3A_728 = vector.broadcast %lt3A_727 : i32 to vector<16xi32>
          %lt3A_729 = arith.cmpi slt, %xor3A_726, %lt3A_728 : vector<16xi32>
          %add3A_730 = arith.constant 16 : i32
          %add3A_731 = vector.broadcast %add3A_730 : i32 to vector<16xi32>
          %add3A_732 = arith.addi %xor3A_726, %add3A_731 : vector<16xi32>
          %select_n3A_733 = arith.select %lt3A_729, %add3A_732, %xor3A_726 : vector<16xi1>, vector<16xi32>
          %broadcast_in_dim3A_734 = vector.shape_cast %select_n3A_733 : vector<16xi32> to vector<16x1xi32>
          %gather3A_735 = vector.shape_cast %broadcast_in_dim3A_734 : vector<16x1xi32> to vector<16xi32>
          %gather3A_736 = tpu.dynamic_gather %add3A_723[%gather3A_735] in [0] : vector<16xf32>, vector<16xi32> -> vector<16xf32>
          %add3A_737 = arith.addf %add3A_723, %gather3A_736 : vector<16xf32>
          %xor3A_738 = arith.constant 1 : i32
          %xor3A_739 = vector.broadcast %xor3A_738 : i32 to vector<16xi32>
          %xor3A_740 = arith.xori %iota3A, %xor3A_739 : vector<16xi32>
          %lt3A_741 = arith.constant 0 : i32
          %lt3A_742 = vector.broadcast %lt3A_741 : i32 to vector<16xi32>
          %lt3A_743 = arith.cmpi slt, %xor3A_740, %lt3A_742 : vector<16xi32>
          %add3A_744 = arith.constant 16 : i32
          %add3A_745 = vector.broadcast %add3A_744 : i32 to vector<16xi32>
          %add3A_746 = arith.addi %xor3A_740, %add3A_745 : vector<16xi32>
          %select_n3A_747 = arith.select %lt3A_743, %add3A_746, %xor3A_740 : vector<16xi1>, vector<16xi32>
          %broadcast_in_dim3A_748 = vector.shape_cast %select_n3A_747 : vector<16xi32> to vector<16x1xi32>
          %gather3A_749 = vector.shape_cast %broadcast_in_dim3A_748 : vector<16x1xi32> to vector<16xi32>
          %gather3A_750 = tpu.dynamic_gather %add3A_737[%gather3A_749] in [0] : vector<16xf32>, vector<16xi32> -> vector<16xf32>
          %add3A_751 = arith.addf %add3A_737, %gather3A_750 : vector<16xf32>
          %eq3A_752 = vector.broadcast %scan3A_650 : i32 to vector<16xi32>
          %eq3A_753 = arith.cmpi eq, %iota3A, %eq3A_752 : vector<16xi32>
          %select_n3A_754 = arith.select %eq3A_753, %add3A_751, %scan3A_651 : vector<16xi1>, vector<16xf32>
          scf.yield %select_n3A_754 : vector<16xf32>
        }
        %scan3A_451 = arith.constant 16 : i32
        %mul3A_452 = arith.mulf %scan3A_444, %div3A_282 : vector<16xf32>
        %mul3A_453 = arith.mulf %scan3A_450, %div3A_282 : vector<16xf32>
        %max3A_454 = arith.maximumf %mul3A_452, %mul3A_453 : vector<16xf32>
        %xor3A_455 = arith.constant 8 : i32
        %xor3A_456 = vector.broadcast %xor3A_455 : i32 to vector<16xi32>
        %xor3A_457 = arith.xori %iota3A, %xor3A_456 : vector<16xi32>
        %lt3A_458 = arith.constant 0 : i32
        %lt3A_459 = vector.broadcast %lt3A_458 : i32 to vector<16xi32>
        %lt3A_460 = arith.cmpi slt, %xor3A_457, %lt3A_459 : vector<16xi32>
        %add3A_461 = arith.constant 16 : i32
        %add3A_462 = vector.broadcast %add3A_461 : i32 to vector<16xi32>
        %add3A_463 = arith.addi %xor3A_457, %add3A_462 : vector<16xi32>
        %select_n3A_464 = arith.select %lt3A_460, %add3A_463, %xor3A_457 : vector<16xi1>, vector<16xi32>
        %broadcast_in_dim3A_465 = vector.shape_cast %select_n3A_464 : vector<16xi32> to vector<16x1xi32>
        %gather3A_466 = vector.shape_cast %broadcast_in_dim3A_465 : vector<16x1xi32> to vector<16xi32>
        %gather3A_467 = tpu.dynamic_gather %max3A_454[%gather3A_466] in [0] : vector<16xf32>, vector<16xi32> -> vector<16xf32>
        %max3A_468 = arith.maximumf %max3A_454, %gather3A_467 : vector<16xf32>
        %xor3A_469 = arith.constant 4 : i32
        %xor3A_470 = vector.broadcast %xor3A_469 : i32 to vector<16xi32>
        %xor3A_471 = arith.xori %iota3A, %xor3A_470 : vector<16xi32>
        %lt3A_472 = arith.constant 0 : i32
        %lt3A_473 = vector.broadcast %lt3A_472 : i32 to vector<16xi32>
        %lt3A_474 = arith.cmpi slt, %xor3A_471, %lt3A_473 : vector<16xi32>
        %add3A_475 = arith.constant 16 : i32
        %add3A_476 = vector.broadcast %add3A_475 : i32 to vector<16xi32>
        %add3A_477 = arith.addi %xor3A_471, %add3A_476 : vector<16xi32>
        %select_n3A_478 = arith.select %lt3A_474, %add3A_477, %xor3A_471 : vector<16xi1>, vector<16xi32>
        %broadcast_in_dim3A_479 = vector.shape_cast %select_n3A_478 : vector<16xi32> to vector<16x1xi32>
        %gather3A_480 = vector.shape_cast %broadcast_in_dim3A_479 : vector<16x1xi32> to vector<16xi32>
        %gather3A_481 = tpu.dynamic_gather %max3A_468[%gather3A_480] in [0] : vector<16xf32>, vector<16xi32> -> vector<16xf32>
        %max3A_482 = arith.maximumf %max3A_468, %gather3A_481 : vector<16xf32>
        %xor3A_483 = arith.constant 2 : i32
        %xor3A_484 = vector.broadcast %xor3A_483 : i32 to vector<16xi32>
        %xor3A_485 = arith.xori %iota3A, %xor3A_484 : vector<16xi32>
        %lt3A_486 = arith.constant 0 : i32
        %lt3A_487 = vector.broadcast %lt3A_486 : i32 to vector<16xi32>
        %lt3A_488 = arith.cmpi slt, %xor3A_485, %lt3A_487 : vector<16xi32>
        %add3A_489 = arith.constant 16 : i32
        %add3A_490 = vector.broadcast %add3A_489 : i32 to vector<16xi32>
        %add3A_491 = arith.addi %xor3A_485, %add3A_490 : vector<16xi32>
        %select_n3A_492 = arith.select %lt3A_488, %add3A_491, %xor3A_485 : vector<16xi1>, vector<16xi32>
        %broadcast_in_dim3A_493 = vector.shape_cast %select_n3A_492 : vector<16xi32> to vector<16x1xi32>
        %gather3A_494 = vector.shape_cast %broadcast_in_dim3A_493 : vector<16x1xi32> to vector<16xi32>
        %gather3A_495 = tpu.dynamic_gather %max3A_482[%gather3A_494] in [0] : vector<16xf32>, vector<16xi32> -> vector<16xf32>
        %max3A_496 = arith.maximumf %max3A_482, %gather3A_495 : vector<16xf32>
        %xor3A_497 = arith.constant 1 : i32
        %xor3A_498 = vector.broadcast %xor3A_497 : i32 to vector<16xi32>
        %xor3A_499 = arith.xori %iota3A, %xor3A_498 : vector<16xi32>
        %lt3A_500 = arith.constant 0 : i32
        %lt3A_501 = vector.broadcast %lt3A_500 : i32 to vector<16xi32>
        %lt3A_502 = arith.cmpi slt, %xor3A_499, %lt3A_501 : vector<16xi32>
        %add3A_503 = arith.constant 16 : i32
        %add3A_504 = vector.broadcast %add3A_503 : i32 to vector<16xi32>
        %add3A_505 = arith.addi %xor3A_499, %add3A_504 : vector<16xi32>
        %select_n3A_506 = arith.select %lt3A_502, %add3A_505, %xor3A_499 : vector<16xi1>, vector<16xi32>
        %broadcast_in_dim3A_507 = vector.shape_cast %select_n3A_506 : vector<16xi32> to vector<16x1xi32>
        %gather3A_508 = vector.shape_cast %broadcast_in_dim3A_507 : vector<16x1xi32> to vector<16xi32>
        %gather3A_509 = tpu.dynamic_gather %max3A_496[%gather3A_508] in [0] : vector<16xf32>, vector<16xi32> -> vector<16xf32>
        %max3A_510 = arith.maximumf %max3A_496, %gather3A_509 : vector<16xf32>
        %sub3A_511 = arith.subf %mul3A_452, %max3A_510 : vector<16xf32>
        %mul3A_512 = arith.constant 0.0883883461 : f32
        %mul3A_513 = vector.broadcast %mul3A_512 : f32 to vector<16xf32>
        %mul3A_514 = arith.mulf %sub3A_511, %mul3A_513 : vector<16xf32>
        %exp3A_515 = math.exp %mul3A_514 : vector<16xf32>
        %sub3A_516 = arith.subf %mul3A_453, %max3A_510 : vector<16xf32>
        %mul3A_517 = arith.constant 0.0883883461 : f32
        %mul3A_518 = vector.broadcast %mul3A_517 : f32 to vector<16xf32>
        %mul3A_519 = arith.mulf %sub3A_516, %mul3A_518 : vector<16xf32>
        %exp3A_520 = math.exp %mul3A_519 : vector<16xf32>
        %add3A_521 = arith.addf %exp3A_515, %exp3A_520 : vector<16xf32>
        %xor3A_522 = arith.constant 8 : i32
        %xor3A_523 = vector.broadcast %xor3A_522 : i32 to vector<16xi32>
        %xor3A_524 = arith.xori %iota3A, %xor3A_523 : vector<16xi32>
        %lt3A_525 = arith.constant 0 : i32
        %lt3A_526 = vector.broadcast %lt3A_525 : i32 to vector<16xi32>
        %lt3A_527 = arith.cmpi slt, %xor3A_524, %lt3A_526 : vector<16xi32>
        %add3A_528 = arith.constant 16 : i32
        %add3A_529 = vector.broadcast %add3A_528 : i32 to vector<16xi32>
        %add3A_530 = arith.addi %xor3A_524, %add3A_529 : vector<16xi32>
        %select_n3A_531 = arith.select %lt3A_527, %add3A_530, %xor3A_524 : vector<16xi1>, vector<16xi32>
        %broadcast_in_dim3A_532 = vector.shape_cast %select_n3A_531 : vector<16xi32> to vector<16x1xi32>
        %gather3A_533 = vector.shape_cast %broadcast_in_dim3A_532 : vector<16x1xi32> to vector<16xi32>
        %gather3A_534 = tpu.dynamic_gather %add3A_521[%gather3A_533] in [0] : vector<16xf32>, vector<16xi32> -> vector<16xf32>
        %add3A_535 = arith.addf %add3A_521, %gather3A_534 : vector<16xf32>
        %xor3A_536 = arith.constant 4 : i32
        %xor3A_537 = vector.broadcast %xor3A_536 : i32 to vector<16xi32>
        %xor3A_538 = arith.xori %iota3A, %xor3A_537 : vector<16xi32>
        %lt3A_539 = arith.constant 0 : i32
        %lt3A_540 = vector.broadcast %lt3A_539 : i32 to vector<16xi32>
        %lt3A_541 = arith.cmpi slt, %xor3A_538, %lt3A_540 : vector<16xi32>
        %add3A_542 = arith.constant 16 : i32
        %add3A_543 = vector.broadcast %add3A_542 : i32 to vector<16xi32>
        %add3A_544 = arith.addi %xor3A_538, %add3A_543 : vector<16xi32>
        %select_n3A_545 = arith.select %lt3A_541, %add3A_544, %xor3A_538 : vector<16xi1>, vector<16xi32>
        %broadcast_in_dim3A_546 = vector.shape_cast %select_n3A_545 : vector<16xi32> to vector<16x1xi32>
        %gather3A_547 = vector.shape_cast %broadcast_in_dim3A_546 : vector<16x1xi32> to vector<16xi32>
        %gather3A_548 = tpu.dynamic_gather %add3A_535[%gather3A_547] in [0] : vector<16xf32>, vector<16xi32> -> vector<16xf32>
        %add3A_549 = arith.addf %add3A_535, %gather3A_548 : vector<16xf32>
        %xor3A_550 = arith.constant 2 : i32
        %xor3A_551 = vector.broadcast %xor3A_550 : i32 to vector<16xi32>
        %xor3A_552 = arith.xori %iota3A, %xor3A_551 : vector<16xi32>
        %lt3A_553 = arith.constant 0 : i32
        %lt3A_554 = vector.broadcast %lt3A_553 : i32 to vector<16xi32>
        %lt3A_555 = arith.cmpi slt, %xor3A_552, %lt3A_554 : vector<16xi32>
        %add3A_556 = arith.constant 16 : i32
        %add3A_557 = vector.broadcast %add3A_556 : i32 to vector<16xi32>
        %add3A_558 = arith.addi %xor3A_552, %add3A_557 : vector<16xi32>
        %select_n3A_559 = arith.select %lt3A_555, %add3A_558, %xor3A_552 : vector<16xi1>, vector<16xi32>
        %broadcast_in_dim3A_560 = vector.shape_cast %select_n3A_559 : vector<16xi32> to vector<16x1xi32>
        %gather3A_561 = vector.shape_cast %broadcast_in_dim3A_560 : vector<16x1xi32> to vector<16xi32>
        %gather3A_562 = tpu.dynamic_gather %add3A_549[%gather3A_561] in [0] : vector<16xf32>, vector<16xi32> -> vector<16xf32>
        %add3A_563 = arith.addf %add3A_549, %gather3A_562 : vector<16xf32>
        %xor3A_564 = arith.constant 1 : i32
        %xor3A_565 = vector.broadcast %xor3A_564 : i32 to vector<16xi32>
        %xor3A_566 = arith.xori %iota3A, %xor3A_565 : vector<16xi32>
        %lt3A_567 = arith.constant 0 : i32
        %lt3A_568 = vector.broadcast %lt3A_567 : i32 to vector<16xi32>
        %lt3A_569 = arith.cmpi slt, %xor3A_566, %lt3A_568 : vector<16xi32>
        %add3A_570 = arith.constant 16 : i32
        %add3A_571 = vector.broadcast %add3A_570 : i32 to vector<16xi32>
        %add3A_572 = arith.addi %xor3A_566, %add3A_571 : vector<16xi32>
        %select_n3A_573 = arith.select %lt3A_569, %add3A_572, %xor3A_566 : vector<16xi1>, vector<16xi32>
        %broadcast_in_dim3A_574 = vector.shape_cast %select_n3A_573 : vector<16xi32> to vector<16x1xi32>
        %gather3A_575 = vector.shape_cast %broadcast_in_dim3A_574 : vector<16x1xi32> to vector<16xi32>
        %gather3A_576 = tpu.dynamic_gather %add3A_563[%gather3A_575] in [0] : vector<16xf32>, vector<16xi32> -> vector<16xf32>
        %add3A_577 = arith.addf %add3A_563, %gather3A_576 : vector<16xf32>
        %div3A_578 = arith.divf %exp3A_515, %add3A_577 : vector<16xf32>
        %div3A_579 = arith.divf %exp3A_520, %add3A_577 : vector<16xf32>
        %scan3A_580 = arith.constant 0 : i32
        %scan3A_581 = arith.constant 16 : i32
        %scan3A_582 = arith.addi %scan3A_580, %scan3A_581 : i32
        %scan3A_583 = arith.constant 1 : i32
        %scan3A_584:8 = scf.for %scan3A_650 = %scan3A_580 to %scan3A_582 step %scan3A_583 iter_args(%scan3A_651 = %broadcast_in_dim3A_284, %scan3A_652 = %broadcast_in_dim3A_284, %scan3A_653 = %broadcast_in_dim3A_284, %scan3A_654 = %broadcast_in_dim3A_284, %scan3A_655 = %broadcast_in_dim3A_284, %scan3A_656 = %broadcast_in_dim3A_284, %scan3A_657 = %broadcast_in_dim3A_284, %scan3A_658 = %broadcast_in_dim3A_284) -> (vector<16xf32>, vector<16xf32>, vector<16xf32>, vector<16xf32>, vector<16xf32>, vector<16xf32>, vector<16xf32>, vector<16xf32>)  : i32 {
          %broadcast_in_dim3A_659 = arith.constant 0 : i32
          %broadcast_in_dim3A_660 = vector.broadcast %broadcast_in_dim3A_659 : i32 to vector<16xi32>
          %add3A_661 = vector.broadcast %scan3A_650 : i32 to vector<16xi32>
          %add3A_662 = arith.addi %broadcast_in_dim3A_660, %add3A_661 : vector<16xi32>
          %lt3A_663 = arith.constant 0 : i32
          %lt3A_664 = vector.broadcast %lt3A_663 : i32 to vector<16xi32>
          %lt3A_665 = arith.cmpi slt, %add3A_662, %lt3A_664 : vector<16xi32>
          %add3A_666 = arith.constant 16 : i32
          %add3A_667 = vector.broadcast %add3A_666 : i32 to vector<16xi32>
          %add3A_668 = arith.addi %add3A_662, %add3A_667 : vector<16xi32>
          %select_n3A_669 = arith.select %lt3A_665, %add3A_668, %add3A_662 : vector<16xi1>, vector<16xi32>
          %broadcast_in_dim3A_670 = vector.shape_cast %select_n3A_669 : vector<16xi32> to vector<16x1xi32>
          %gather3A_671 = vector.shape_cast %broadcast_in_dim3A_670 : vector<16x1xi32> to vector<16xi32>
          %gather3A_672 = tpu.dynamic_gather %div3A_578[%gather3A_671] in [0] : vector<16xf32>, vector<16xi32> -> vector<16xf32>
          %mul3A_673 = arith.constant 32 : i32
          %mul3A_674 = arith.muli %scan3A_142, %mul3A_673 : i32
          %add3A_675 = arith.addi %mul3A_674, %scan3A_650 : i32
          %get3A_676 = arith.index_cast %add3A_675 : i32 to index
          %get3A_677 = arith.constant 0 : index
          %get3A_678 = tpu.vector_load %arg18[%get3A_676, %get3A_677] {strides = array<i32>} : memref<128x128xf32, #tpu.memory_space<vmem>>, vector<16xf32>,
          %mul3A_679 = arith.mulf %gather3A_672, %get3A_678 : vector<16xf32>
          %add3A_680 = arith.addf %scan3A_651, %mul3A_679 : vector<16xf32>
          %get3A_681 = arith.index_cast %add3A_675 : i32 to index
          %get3A_682 = arith.constant 16 : index
          %get3A_683 = tpu.vector_load %arg18[%get3A_681, %get3A_682] {strides = array<i32>} : memref<128x128xf32, #tpu.memory_space<vmem>>, vector<16xf32>,
          %mul3A_684 = arith.mulf %gather3A_672, %get3A_683 : vector<16xf32>
          %add3A_685 = arith.addf %scan3A_652, %mul3A_684 : vector<16xf32>
          %get3A_686 = arith.index_cast %add3A_675 : i32 to index
          %get3A_687 = arith.constant 32 : index
          %get3A_688 = tpu.vector_load %arg18[%get3A_686, %get3A_687] {strides = array<i32>} : memref<128x128xf32, #tpu.memory_space<vmem>>, vector<16xf32>,
          %mul3A_689 = arith.mulf %gather3A_672, %get3A_688 : vector<16xf32>
          %add3A_690 = arith.addf %scan3A_653, %mul3A_689 : vector<16xf32>
          %get3A_691 = arith.index_cast %add3A_675 : i32 to index
          %get3A_692 = arith.constant 48 : index
          %get3A_693 = tpu.vector_load %arg18[%get3A_691, %get3A_692] {strides = array<i32>} : memref<128x128xf32, #tpu.memory_space<vmem>>, vector<16xf32>,
          %mul3A_694 = arith.mulf %gather3A_672, %get3A_693 : vector<16xf32>
          %add3A_695 = arith.addf %scan3A_654, %mul3A_694 : vector<16xf32>
          %get3A_696 = arith.index_cast %add3A_675 : i32 to index
          %get3A_697 = arith.constant 64 : index
          %get3A_698 = tpu.vector_load %arg18[%get3A_696, %get3A_697] {strides = array<i32>} : memref<128x128xf32, #tpu.memory_space<vmem>>, vector<16xf32>,
          %mul3A_699 = arith.mulf %gather3A_672, %get3A_698 : vector<16xf32>
          %add3A_700 = arith.addf %scan3A_655, %mul3A_699 : vector<16xf32>
          %get3A_701 = arith.index_cast %add3A_675 : i32 to index
          %get3A_702 = arith.constant 80 : index
          %get3A_703 = tpu.vector_load %arg18[%get3A_701, %get3A_702] {strides = array<i32>} : memref<128x128xf32, #tpu.memory_space<vmem>>, vector<16xf32>,
          %mul3A_704 = arith.mulf %gather3A_672, %get3A_703 : vector<16xf32>
          %add3A_705 = arith.addf %scan3A_656, %mul3A_704 : vector<16xf32>
          %get3A_706 = arith.index_cast %add3A_675 : i32 to index
          %get3A_707 = arith.constant 96 : index
          %get3A_708 = tpu.vector_load %arg18[%get3A_706, %get3A_707] {strides = array<i32>} : memref<128x128xf32, #tpu.memory_space<vmem>>, vector<16xf32>,
          %mul3A_709 = arith.mulf %gather3A_672, %get3A_708 : vector<16xf32>
          %add3A_710 = arith.addf %scan3A_657, %mul3A_709 : vector<16xf32>
          %get3A_711 = arith.index_cast %add3A_675 : i32 to index
          %get3A_712 = arith.constant 112 : index
          %get3A_713 = tpu.vector_load %arg18[%get3A_711, %get3A_712] {strides = array<i32>} : memref<128x128xf32, #tpu.memory_space<vmem>>, vector<16xf32>,
          %mul3A_714 = arith.mulf %gather3A_672, %get3A_713 : vector<16xf32>
          %add3A_715 = arith.addf %scan3A_658, %mul3A_714 : vector<16xf32>
          scf.yield %add3A_680, %add3A_685, %add3A_690, %add3A_695, %add3A_700, %add3A_705, %add3A_710, %add3A_715 : vector<16xf32>, vector<16xf32>, vector<16xf32>, vector<16xf32>, vector<16xf32>, vector<16xf32>, vector<16xf32>, vector<16xf32>
        }
        %scan3A_585 = arith.constant 16 : i32
        %scan3A_586 = arith.constant 0 : i32
        %scan3A_587 = arith.constant 16 : i32
        %scan3A_588 = arith.addi %scan3A_586, %scan3A_587 : i32
        %scan3A_589 = arith.constant 1 : i32
        %scan3A_590:8 = scf.for %scan3A_650 = %scan3A_586 to %scan3A_588 step %scan3A_589 iter_args(%scan3A_651 = %scan3A_584#0, %scan3A_652 = %scan3A_584#1, %scan3A_653 = %scan3A_584#2, %scan3A_654 = %scan3A_584#3, %scan3A_655 = %scan3A_584#4, %scan3A_656 = %scan3A_584#5, %scan3A_657 = %scan3A_584#6, %scan3A_658 = %scan3A_584#7) -> (vector<16xf32>, vector<16xf32>, vector<16xf32>, vector<16xf32>, vector<16xf32>, vector<16xf32>, vector<16xf32>, vector<16xf32>)  : i32 {
          %broadcast_in_dim3A_659 = arith.constant 0 : i32
          %broadcast_in_dim3A_660 = vector.broadcast %broadcast_in_dim3A_659 : i32 to vector<16xi32>
          %add3A_661 = vector.broadcast %scan3A_650 : i32 to vector<16xi32>
          %add3A_662 = arith.addi %broadcast_in_dim3A_660, %add3A_661 : vector<16xi32>
          %lt3A_663 = arith.constant 0 : i32
          %lt3A_664 = vector.broadcast %lt3A_663 : i32 to vector<16xi32>
          %lt3A_665 = arith.cmpi slt, %add3A_662, %lt3A_664 : vector<16xi32>
          %add3A_666 = arith.constant 16 : i32
          %add3A_667 = vector.broadcast %add3A_666 : i32 to vector<16xi32>
          %add3A_668 = arith.addi %add3A_662, %add3A_667 : vector<16xi32>
          %select_n3A_669 = arith.select %lt3A_665, %add3A_668, %add3A_662 : vector<16xi1>, vector<16xi32>
          %broadcast_in_dim3A_670 = vector.shape_cast %select_n3A_669 : vector<16xi32> to vector<16x1xi32>
          %gather3A_671 = vector.shape_cast %broadcast_in_dim3A_670 : vector<16x1xi32> to vector<16xi32>
          %gather3A_672 = tpu.dynamic_gather %div3A_579[%gather3A_671] in [0] : vector<16xf32>, vector<16xi32> -> vector<16xf32>
          %mul3A_673 = arith.constant 32 : i32
          %mul3A_674 = arith.muli %scan3A_142, %mul3A_673 : i32
          %add3A_675 = arith.constant 16 : i32
          %add3A_676 = arith.addi %mul3A_674, %add3A_675 : i32
          %add3A_677 = arith.addi %add3A_676, %scan3A_650 : i32
          %get3A_678 = arith.index_cast %add3A_677 : i32 to index
          %get3A_679 = arith.constant 0 : index
          %get3A_680 = tpu.vector_load %arg18[%get3A_678, %get3A_679] {strides = array<i32>} : memref<128x128xf32, #tpu.memory_space<vmem>>, vector<16xf32>,
          %mul3A_681 = arith.mulf %gather3A_672, %get3A_680 : vector<16xf32>
          %add3A_682 = arith.addf %scan3A_651, %mul3A_681 : vector<16xf32>
          %get3A_683 = arith.index_cast %add3A_677 : i32 to index
          %get3A_684 = arith.constant 16 : index
          %get3A_685 = tpu.vector_load %arg18[%get3A_683, %get3A_684] {strides = array<i32>} : memref<128x128xf32, #tpu.memory_space<vmem>>, vector<16xf32>,
          %mul3A_686 = arith.mulf %gather3A_672, %get3A_685 : vector<16xf32>
          %add3A_687 = arith.addf %scan3A_652, %mul3A_686 : vector<16xf32>
          %get3A_688 = arith.index_cast %add3A_677 : i32 to index
          %get3A_689 = arith.constant 32 : index
          %get3A_690 = tpu.vector_load %arg18[%get3A_688, %get3A_689] {strides = array<i32>} : memref<128x128xf32, #tpu.memory_space<vmem>>, vector<16xf32>,
          %mul3A_691 = arith.mulf %gather3A_672, %get3A_690 : vector<16xf32>
          %add3A_692 = arith.addf %scan3A_653, %mul3A_691 : vector<16xf32>
          %get3A_693 = arith.index_cast %add3A_677 : i32 to index
          %get3A_694 = arith.constant 48 : index
          %get3A_695 = tpu.vector_load %arg18[%get3A_693, %get3A_694] {strides = array<i32>} : memref<128x128xf32, #tpu.memory_space<vmem>>, vector<16xf32>,
          %mul3A_696 = arith.mulf %gather3A_672, %get3A_695 : vector<16xf32>
          %add3A_697 = arith.addf %scan3A_654, %mul3A_696 : vector<16xf32>
          %get3A_698 = arith.index_cast %add3A_677 : i32 to index
          %get3A_699 = arith.constant 64 : index
          %get3A_700 = tpu.vector_load %arg18[%get3A_698, %get3A_699] {strides = array<i32>} : memref<128x128xf32, #tpu.memory_space<vmem>>, vector<16xf32>,
          %mul3A_701 = arith.mulf %gather3A_672, %get3A_700 : vector<16xf32>
          %add3A_702 = arith.addf %scan3A_655, %mul3A_701 : vector<16xf32>
          %get3A_703 = arith.index_cast %add3A_677 : i32 to index
          %get3A_704 = arith.constant 80 : index
          %get3A_705 = tpu.vector_load %arg18[%get3A_703, %get3A_704] {strides = array<i32>} : memref<128x128xf32, #tpu.memory_space<vmem>>, vector<16xf32>,
          %mul3A_706 = arith.mulf %gather3A_672, %get3A_705 : vector<16xf32>
          %add3A_707 = arith.addf %scan3A_656, %mul3A_706 : vector<16xf32>
          %get3A_708 = arith.index_cast %add3A_677 : i32 to index
          %get3A_709 = arith.constant 96 : index
          %get3A_710 = tpu.vector_load %arg18[%get3A_708, %get3A_709] {strides = array<i32>} : memref<128x128xf32, #tpu.memory_space<vmem>>, vector<16xf32>,
          %mul3A_711 = arith.mulf %gather3A_672, %get3A_710 : vector<16xf32>
          %add3A_712 = arith.addf %scan3A_657, %mul3A_711 : vector<16xf32>
          %get3A_713 = arith.index_cast %add3A_677 : i32 to index
          %get3A_714 = arith.constant 112 : index
          %get3A_715 = tpu.vector_load %arg18[%get3A_713, %get3A_714] {strides = array<i32>} : memref<128x128xf32, #tpu.memory_space<vmem>>, vector<16xf32>,
          %mul3A_716 = arith.mulf %gather3A_672, %get3A_715 : vector<16xf32>
          %add3A_717 = arith.addf %scan3A_658, %mul3A_716 : vector<16xf32>
          scf.yield %add3A_682, %add3A_687, %add3A_692, %add3A_697, %add3A_702, %add3A_707, %add3A_712, %add3A_717 : vector<16xf32>, vector<16xf32>, vector<16xf32>, vector<16xf32>, vector<16xf32>, vector<16xf32>, vector<16xf32>, vector<16xf32>
        }
        %scan3A_591 = arith.constant 16 : i32
        %swap3A_592 = arith.index_cast %add3A_149 : i32 to index
        %swap3A_593 = arith.constant 0 : index
        %swap3A_594 = tpu.vector_load %arg25[%swap3A_592, %swap3A_593] {strides = array<i32>} : memref<64x128xf32, #tpu.memory_space<vmem>>, vector<16xf32>,
        tpu.vector_store %arg25[%swap3A_592, %swap3A_593], %scan3A_590#0 {strides = array<i32>} : memref<64x128xf32, #tpu.memory_space<vmem>>, vector<16xf32>,
        %swap3A_595 = arith.index_cast %add3A_149 : i32 to index
        %swap3A_596 = arith.constant 16 : index
        %swap3A_597 = tpu.vector_load %arg25[%swap3A_595, %swap3A_596] {strides = array<i32>} : memref<64x128xf32, #tpu.memory_space<vmem>>, vector<16xf32>,
        tpu.vector_store %arg25[%swap3A_595, %swap3A_596], %scan3A_590#1 {strides = array<i32>} : memref<64x128xf32, #tpu.memory_space<vmem>>, vector<16xf32>,
        %swap3A_598 = arith.index_cast %add3A_149 : i32 to index
        %swap3A_599 = arith.constant 32 : index
        %swap3A_600 = tpu.vector_load %arg25[%swap3A_598, %swap3A_599] {strides = array<i32>} : memref<64x128xf32, #tpu.memory_space<vmem>>, vector<16xf32>,
        tpu.vector_store %arg25[%swap3A_598, %swap3A_599], %scan3A_590#2 {strides = array<i32>} : memref<64x128xf32, #tpu.memory_space<vmem>>, vector<16xf32>,
        %swap3A_601 = arith.index_cast %add3A_149 : i32 to index
        %swap3A_602 = arith.constant 48 : index
        %swap3A_603 = tpu.vector_load %arg25[%swap3A_601, %swap3A_602] {strides = array<i32>} : memref<64x128xf32, #tpu.memory_space<vmem>>, vector<16xf32>,
        tpu.vector_store %arg25[%swap3A_601, %swap3A_602], %scan3A_590#3 {strides = array<i32>} : memref<64x128xf32, #tpu.memory_space<vmem>>, vector<16xf32>,
        %swap3A_604 = arith.index_cast %add3A_149 : i32 to index
        %swap3A_605 = arith.constant 64 : index
        %swap3A_606 = tpu.vector_load %arg25[%swap3A_604, %swap3A_605] {strides = array<i32>} : memref<64x128xf32, #tpu.memory_space<vmem>>, vector<16xf32>,
        tpu.vector_store %arg25[%swap3A_604, %swap3A_605], %scan3A_590#4 {strides = array<i32>} : memref<64x128xf32, #tpu.memory_space<vmem>>, vector<16xf32>,
        %swap3A_607 = arith.index_cast %add3A_149 : i32 to index
        %swap3A_608 = arith.constant 80 : index
        %swap3A_609 = tpu.vector_load %arg25[%swap3A_607, %swap3A_608] {strides = array<i32>} : memref<64x128xf32, #tpu.memory_space<vmem>>, vector<16xf32>,
        tpu.vector_store %arg25[%swap3A_607, %swap3A_608], %scan3A_590#5 {strides = array<i32>} : memref<64x128xf32, #tpu.memory_space<vmem>>, vector<16xf32>,
        %swap3A_610 = arith.index_cast %add3A_149 : i32 to index
        %swap3A_611 = arith.constant 96 : index
        %swap3A_612 = tpu.vector_load %arg25[%swap3A_610, %swap3A_611] {strides = array<i32>} : memref<64x128xf32, #tpu.memory_space<vmem>>, vector<16xf32>,
        tpu.vector_store %arg25[%swap3A_610, %swap3A_611], %scan3A_590#6 {strides = array<i32>} : memref<64x128xf32, #tpu.memory_space<vmem>>, vector<16xf32>,
        %swap3A_613 = arith.index_cast %add3A_149 : i32 to index
        %swap3A_614 = arith.constant 112 : index
        %swap3A_615 = tpu.vector_load %arg25[%swap3A_613, %swap3A_614] {strides = array<i32>} : memref<64x128xf32, #tpu.memory_space<vmem>>, vector<16xf32>,
        tpu.vector_store %arg25[%swap3A_613, %swap3A_614], %scan3A_590#7 {strides = array<i32>} : memref<64x128xf32, #tpu.memory_space<vmem>>, vector<16xf32>,
        %add3A_616 = arith.addf %max3A_348, %max3A_510 : vector<16xf32>
        %mul3A_617 = arith.constant 5.000000e-01 : f32
        %mul3A_618 = vector.broadcast %mul3A_617 : f32 to vector<16xf32>
        %mul3A_619 = arith.mulf %add3A_616, %mul3A_618 : vector<16xf32>
        %and3A = arith.constant 15 : i32
        %and3A_620 = arith.andi %add3A_149, %and3A : i32
        %shift_right_arithmetic3A_621 = arith.constant 4 : i32
        %shift_right_arithmetic3A_622 = arith.shrsi %add3A_149, %shift_right_arithmetic3A_621 : i32
        %eq3A = vector.broadcast %and3A_620 : i32 to vector<16xi32>
        %eq3A_623 = arith.cmpi eq, %iota3A, %eq3A : vector<16xi32>
        %eq3A_624 = arith.constant 0 : i32
        %eq3A_625 = arith.cmpi eq, %shift_right_arithmetic3A_622, %eq3A_624 : i32
        %and3A_626 = vector.broadcast %eq3A_625 : i1 to vector<16xi1>
        %and3A_627 = arith.andi %eq3A_623, %and3A_626 : vector<16xi1>
        %select_n3A_628 = arith.select %and3A_627, %mul3A_619, %scan3A_143 : vector<16xi1>, vector<16xf32>
        %eq3A_629 = vector.broadcast %and3A_620 : i32 to vector<16xi32>
        %eq3A_630 = arith.cmpi eq, %iota3A, %eq3A_629 : vector<16xi32>
        %eq3A_631 = arith.constant 1 : i32
        %eq3A_632 = arith.cmpi eq, %shift_right_arithmetic3A_622, %eq3A_631 : i32
        %and3A_633 = vector.broadcast %eq3A_632 : i1 to vector<16xi1>
        %and3A_634 = arith.andi %eq3A_630, %and3A_633 : vector<16xi1>
        %select_n3A_635 = arith.select %and3A_634, %mul3A_619, %scan3A_144 : vector<16xi1>, vector<16xf32>
        %eq3A_636 = vector.broadcast %and3A_620 : i32 to vector<16xi32>
        %eq3A_637 = arith.cmpi eq, %iota3A, %eq3A_636 : vector<16xi32>
        %eq3A_638 = arith.constant 2 : i32
        %eq3A_639 = arith.cmpi eq, %shift_right_arithmetic3A_622, %eq3A_638 : i32
        %and3A_640 = vector.broadcast %eq3A_639 : i1 to vector<16xi1>
        %and3A_641 = arith.andi %eq3A_637, %and3A_640 : vector<16xi1>
        %select_n3A_642 = arith.select %and3A_641, %mul3A_619, %scan3A_145 : vector<16xi1>, vector<16xf32>
        %eq3A_643 = vector.broadcast %and3A_620 : i32 to vector<16xi32>
        %eq3A_644 = arith.cmpi eq, %iota3A, %eq3A_643 : vector<16xi32>
        %eq3A_645 = arith.constant 3 : i32
        %eq3A_646 = arith.cmpi eq, %shift_right_arithmetic3A_622, %eq3A_645 : i32
        %and3A_647 = vector.broadcast %eq3A_646 : i1 to vector<16xi1>
        %and3A_648 = arith.andi %eq3A_644, %and3A_647 : vector<16xi1>
        %select_n3A_649 = arith.select %and3A_648, %mul3A_619, %scan3A_146 : vector<16xi1>, vector<16xf32>
        scf.yield %select_n3A_628, %select_n3A_635, %select_n3A_642, %select_n3A_649 : vector<16xf32>, vector<16xf32>, vector<16xf32>, vector<16xf32>
      }
      %scan3A_102 = arith.constant 4 : i32
      %add3A_103 = arith.constant 1 : i32
      %add3A_104 = arith.addi %mul3A_67, %add3A_103 : i32
      %dma_wait3A_105 = arith.constant 0 : i32
      %dma_wait3A_106 = arith.constant 0 : i32
      %dma_wait3A_107 = tpu.memref_slice %arg4[%dma_wait3A_105, %dma_wait3A_106] : memref<65536x128xf32, #tpu.memory_space<hbm>> -> memref<16x128xf32, #tpu.memory_space<hbm>>
      %dma_wait3A_108 = arith.constant 0 : i32
      %dma_wait3A_109 = arith.constant 0 : i32
      %dma_wait3A_110 = tpu.memref_slice %arg4[%dma_wait3A_108, %dma_wait3A_109] : memref<65536x128xf32, #tpu.memory_space<hbm>> -> memref<16x128xf32, #tpu.memory_space<hbm>>
      tpu.wait_dma2 semaphore(%arg28 : memref<!tpu.dma_semaphore, #tpu.memory_space<semaphore_mem>>) src(%dma_wait3A_110 : memref<16x128xf32, #tpu.memory_space<hbm>>) dst(%arg19 : memref<16x128xf32, #tpu.memory_space<vmem>>)
      %dma_wait3A_111 = arith.constant 0 : i32
      %dma_wait3A_112 = arith.constant 0 : i32
      %dma_wait3A_113 = tpu.memref_slice %arg5[%dma_wait3A_111, %dma_wait3A_112] : memref<65536x128xf32, #tpu.memory_space<hbm>> -> memref<16x128xf32, #tpu.memory_space<hbm>>
      %dma_wait3A_114 = arith.constant 0 : i32
      %dma_wait3A_115 = arith.constant 0 : i32
      %dma_wait3A_116 = tpu.memref_slice %arg5[%dma_wait3A_114, %dma_wait3A_115] : memref<65536x128xf32, #tpu.memory_space<hbm>> -> memref<16x128xf32, #tpu.memory_space<hbm>>
      tpu.wait_dma2 semaphore(%arg28 : memref<!tpu.dma_semaphore, #tpu.memory_space<semaphore_mem>>) src(%dma_wait3A_116 : memref<16x128xf32, #tpu.memory_space<hbm>>) dst(%arg20 : memref<16x128xf32, #tpu.memory_space<vmem>>)
      %dma_wait3A_117 = arith.constant 0 : i32
      %dma_wait3A_118 = arith.constant 0 : i32
      %dma_wait3A_119 = tpu.memref_slice %arg6[%dma_wait3A_117, %dma_wait3A_118] : memref<65536x128xf32, #tpu.memory_space<hbm>> -> memref<128x128xf32, #tpu.memory_space<hbm>>
      %dma_wait3A_120 = arith.constant 0 : i32
      %dma_wait3A_121 = arith.constant 0 : i32
      %dma_wait3A_122 = tpu.memref_slice %arg6[%dma_wait3A_120, %dma_wait3A_121] : memref<65536x128xf32, #tpu.memory_space<hbm>> -> memref<128x128xf32, #tpu.memory_space<hbm>>
      tpu.wait_dma2 semaphore(%arg28 : memref<!tpu.dma_semaphore, #tpu.memory_space<semaphore_mem>>) src(%dma_wait3A_122 : memref<128x128xf32, #tpu.memory_space<hbm>>) dst(%arg21 : memref<128x128xf32, #tpu.memory_space<vmem>>)
      %dma_wait3A_123 = arith.constant 0 : i32
      %dma_wait3A_124 = arith.constant 0 : i32
      %dma_wait3A_125 = tpu.memref_slice %arg7[%dma_wait3A_123, %dma_wait3A_124] : memref<65536x128xf32, #tpu.memory_space<hbm>> -> memref<128x128xf32, #tpu.memory_space<hbm>>
      %dma_wait3A_126 = arith.constant 0 : i32
      %dma_wait3A_127 = arith.constant 0 : i32
      %dma_wait3A_128 = tpu.memref_slice %arg7[%dma_wait3A_126, %dma_wait3A_127] : memref<65536x128xf32, #tpu.memory_space<hbm>> -> memref<128x128xf32, #tpu.memory_space<hbm>>
      tpu.wait_dma2 semaphore(%arg28 : memref<!tpu.dma_semaphore, #tpu.memory_space<semaphore_mem>>) src(%dma_wait3A_128 : memref<128x128xf32, #tpu.memory_space<hbm>>) dst(%arg22 : memref<128x128xf32, #tpu.memory_space<vmem>>)
      %add3A_129 = arith.constant 1 : i32
      %add3A_130 = arith.addi %add3A_104, %add3A_129 : i32
      %lt3A_131 = arith.constant 16 : i32
      %lt3A_132 = arith.cmpi slt, %add3A_130, %lt3A_131 : i32
      %convert_element_type3A_133 = arith.extui %lt3A_132 : i1 to i32
      %cond3A_134 = arith.constant 0 : i32
      %cond3A_135 = arith.cmpi ne, %convert_element_type3A_133, %cond3A_134 : i32
      scf.if %cond3A_135 {
        %add3A_142 = arith.constant 1 : i32
        %add3A_143 = arith.addi %add3A_104, %add3A_142 : i32
        %dma_start3A_144 = arith.constant 0 : i32
        %dma_start3A_145 = tpu.memref_slice %arg13[%add3A_143, %dma_start3A_144] : memref<16x16xi32, #tpu.memory_space<vmem>> -> memref<1x16xi32, #tpu.memory_space<vmem>>
        %dma_start3A_146 = tpu.memref_squeeze %dma_start3A_145 : memref<1x16xi32, #tpu.memory_space<vmem>> -> memref<16xi32, #tpu.memory_space<vmem>>
        %dma_start3A_147 = arith.constant 0 : i32
        %dma_start3A_148 = arith.constant 0 : i32
        %dma_start3A_149 = tpu.memref_slice %arg4[%dma_start3A_147, %dma_start3A_148] : memref<65536x128xf32, #tpu.memory_space<hbm>> -> memref<65536x128xf32, #tpu.memory_space<hbm>>
        tpu.enqueue_indirect_dma source(%dma_start3A_149 : memref<65536x128xf32, #tpu.memory_space<hbm>>) target(%arg15 : memref<16x128xf32, #tpu.memory_space<vmem>>) offsets(%dma_start3A_146 : memref<16xi32, #tpu.memory_space<vmem>>) semaphore(%arg27 : memref<!tpu.dma_semaphore, #tpu.memory_space<semaphore_mem>>)
        %dma_start3A_150 = arith.constant 0 : i32
        %dma_start3A_151 = tpu.memref_slice %arg13[%add3A_143, %dma_start3A_150] : memref<16x16xi32, #tpu.memory_space<vmem>> -> memref<1x16xi32, #tpu.memory_space<vmem>>
        %dma_start3A_152 = tpu.memref_squeeze %dma_start3A_151 : memref<1x16xi32, #tpu.memory_space<vmem>> -> memref<16xi32, #tpu.memory_space<vmem>>
        %dma_start3A_153 = arith.constant 0 : i32
        %dma_start3A_154 = arith.constant 0 : i32
        %dma_start3A_155 = tpu.memref_slice %arg5[%dma_start3A_153, %dma_start3A_154] : memref<65536x128xf32, #tpu.memory_space<hbm>> -> memref<65536x128xf32, #tpu.memory_space<hbm>>
        tpu.enqueue_indirect_dma source(%dma_start3A_155 : memref<65536x128xf32, #tpu.memory_space<hbm>>) target(%arg16 : memref<16x128xf32, #tpu.memory_space<vmem>>) offsets(%dma_start3A_152 : memref<16xi32, #tpu.memory_space<vmem>>) semaphore(%arg27 : memref<!tpu.dma_semaphore, #tpu.memory_space<semaphore_mem>>)
        %dma_start3A_156 = arith.constant 0 : i32
        %dma_start3A_157 = tpu.memref_slice %arg14[%add3A_143, %dma_start3A_156] : memref<16x128xi32, #tpu.memory_space<vmem>> -> memref<1x128xi32, #tpu.memory_space<vmem>>
        %dma_start3A_158 = tpu.memref_squeeze %dma_start3A_157 : memref<1x128xi32, #tpu.memory_space<vmem>> -> memref<128xi32, #tpu.memory_space<vmem>>
        %dma_start3A_159 = arith.constant 0 : i32
        %dma_start3A_160 = arith.constant 0 : i32
        %dma_start3A_161 = tpu.memref_slice %arg6[%dma_start3A_159, %dma_start3A_160] : memref<65536x128xf32, #tpu.memory_space<hbm>> -> memref<65536x128xf32, #tpu.memory_space<hbm>>
        tpu.enqueue_indirect_dma source(%dma_start3A_161 : memref<65536x128xf32, #tpu.memory_space<hbm>>) target(%arg17 : memref<128x128xf32, #tpu.memory_space<vmem>>) offsets(%dma_start3A_158 : memref<128xi32, #tpu.memory_space<vmem>>) semaphore(%arg27 : memref<!tpu.dma_semaphore, #tpu.memory_space<semaphore_mem>>)
        %dma_start3A_162 = arith.constant 0 : i32
        %dma_start3A_163 = tpu.memref_slice %arg14[%add3A_143, %dma_start3A_162] : memref<16x128xi32, #tpu.memory_space<vmem>> -> memref<1x128xi32, #tpu.memory_space<vmem>>
        %dma_start3A_164 = tpu.memref_squeeze %dma_start3A_163 : memref<1x128xi32, #tpu.memory_space<vmem>> -> memref<128xi32, #tpu.memory_space<vmem>>
        %dma_start3A_165 = arith.constant 0 : i32
        %dma_start3A_166 = arith.constant 0 : i32
        %dma_start3A_167 = tpu.memref_slice %arg7[%dma_start3A_165, %dma_start3A_166] : memref<65536x128xf32, #tpu.memory_space<hbm>> -> memref<65536x128xf32, #tpu.memory_space<hbm>>
        tpu.enqueue_indirect_dma source(%dma_start3A_167 : memref<65536x128xf32, #tpu.memory_space<hbm>>) target(%arg18 : memref<128x128xf32, #tpu.memory_space<vmem>>) offsets(%dma_start3A_164 : memref<128xi32, #tpu.memory_space<vmem>>) semaphore(%arg27 : memref<!tpu.dma_semaphore, #tpu.memory_space<semaphore_mem>>)
      } else {
      }
      %scan3A_136 = arith.constant 0 : i32
      %scan3A_137 = arith.constant 4 : i32
      %scan3A_138 = arith.addi %scan3A_136, %scan3A_137 : i32
      %scan3A_139 = arith.constant 1 : i32
      %scan3A_140:4 = scf.for %scan3A_142 = %scan3A_136 to %scan3A_138 step %scan3A_139 iter_args(%scan3A_143 = %scan3A_101#0, %scan3A_144 = %scan3A_101#1, %scan3A_145 = %scan3A_101#2, %scan3A_146 = %scan3A_101#3) -> (vector<16xf32>, vector<16xf32>, vector<16xf32>, vector<16xf32>)  : i32 {
        %mul3A_147 = arith.constant 4 : i32
        %mul3A_148 = arith.muli %add3A_104, %mul3A_147 : i32
        %add3A_149 = arith.addi %mul3A_148, %scan3A_142 : i32
        %get3A = arith.index_cast %add3A_149 : i32 to index
        %get3A_150 = arith.constant 0 : index
        %get3A_151 = tpu.vector_load %arg11[%get3A, %get3A_150] {strides = array<i32>} : memref<64x128xf32, #tpu.memory_space<vmem>>, vector<16xf32>,
        %get3A_152 = arith.index_cast %add3A_149 : i32 to index
        %get3A_153 = arith.constant 16 : index
        %get3A_154 = tpu.vector_load %arg11[%get3A_152, %get3A_153] {strides = array<i32>} : memref<64x128xf32, #tpu.memory_space<vmem>>, vector<16xf32>,
        %get3A_155 = arith.index_cast %add3A_149 : i32 to index
        %get3A_156 = arith.constant 32 : index
        %get3A_157 = tpu.vector_load %arg11[%get3A_155, %get3A_156] {strides = array<i32>} : memref<64x128xf32, #tpu.memory_space<vmem>>, vector<16xf32>,
        %get3A_158 = arith.index_cast %add3A_149 : i32 to index
        %get3A_159 = arith.constant 48 : index
        %get3A_160 = tpu.vector_load %arg11[%get3A_158, %get3A_159] {strides = array<i32>} : memref<64x128xf32, #tpu.memory_space<vmem>>, vector<16xf32>,
        %get3A_161 = arith.index_cast %add3A_149 : i32 to index
        %get3A_162 = arith.constant 64 : index
        %get3A_163 = tpu.vector_load %arg11[%get3A_161, %get3A_162] {strides = array<i32>} : memref<64x128xf32, #tpu.memory_space<vmem>>, vector<16xf32>,
        %get3A_164 = arith.index_cast %add3A_149 : i32 to index
        %get3A_165 = arith.constant 80 : index
        %get3A_166 = tpu.vector_load %arg11[%get3A_164, %get3A_165] {strides = array<i32>} : memref<64x128xf32, #tpu.memory_space<vmem>>, vector<16xf32>,
        %get3A_167 = arith.index_cast %add3A_149 : i32 to index
        %get3A_168 = arith.constant 96 : index
        %get3A_169 = tpu.vector_load %arg11[%get3A_167, %get3A_168] {strides = array<i32>} : memref<64x128xf32, #tpu.memory_space<vmem>>, vector<16xf32>,
        %get3A_170 = arith.index_cast %add3A_149 : i32 to index
        %get3A_171 = arith.constant 112 : index
        %get3A_172 = tpu.vector_load %arg11[%get3A_170, %get3A_171] {strides = array<i32>} : memref<64x128xf32, #tpu.memory_space<vmem>>, vector<16xf32>,
        %mul3A_173 = arith.mulf %get3A_151, %get3A_151 : vector<16xf32>
        %mul3A_174 = arith.mulf %get3A_154, %get3A_154 : vector<16xf32>
        %mul3A_175 = arith.mulf %get3A_157, %get3A_157 : vector<16xf32>
        %mul3A_176 = arith.mulf %get3A_160, %get3A_160 : vector<16xf32>
        %mul3A_177 = arith.mulf %get3A_163, %get3A_163 : vector<16xf32>
        %mul3A_178 = arith.mulf %get3A_166, %get3A_166 : vector<16xf32>
        %mul3A_179 = arith.mulf %get3A_169, %get3A_169 : vector<16xf32>
        %mul3A_180 = arith.mulf %get3A_172, %get3A_172 : vector<16xf32>
        %add3A_181 = arith.addf %mul3A_173, %mul3A_174 : vector<16xf32>
        %add3A_182 = arith.addf %mul3A_175, %mul3A_176 : vector<16xf32>
        %add3A_183 = arith.addf %mul3A_177, %mul3A_178 : vector<16xf32>
        %add3A_184 = arith.addf %mul3A_179, %mul3A_180 : vector<16xf32>
        %add3A_185 = arith.addf %add3A_181, %add3A_182 : vector<16xf32>
        %add3A_186 = arith.addf %add3A_183, %add3A_184 : vector<16xf32>
        %add3A_187 = arith.addf %add3A_185, %add3A_186 : vector<16xf32>
        %xor3A = arith.constant 8 : i32
        %xor3A_188 = vector.broadcast %xor3A : i32 to vector<16xi32>
        %xor3A_189 = arith.xori %iota3A, %xor3A_188 : vector<16xi32>
        %lt3A_190 = arith.constant 0 : i32
        %lt3A_191 = vector.broadcast %lt3A_190 : i32 to vector<16xi32>
        %lt3A_192 = arith.cmpi slt, %xor3A_189, %lt3A_191 : vector<16xi32>
        %add3A_193 = arith.constant 16 : i32
        %add3A_194 = vector.broadcast %add3A_193 : i32 to vector<16xi32>
        %add3A_195 = arith.addi %xor3A_189, %add3A_194 : vector<16xi32>
        %select_n3A = arith.select %lt3A_192, %add3A_195, %xor3A_189 : vector<16xi1>, vector<16xi32>
        %broadcast_in_dim3A_196 = vector.shape_cast %select_n3A : vector<16xi32> to vector<16x1xi32>
        %gather3A = vector.shape_cast %broadcast_in_dim3A_196 : vector<16x1xi32> to vector<16xi32>
        %gather3A_197 = tpu.dynamic_gather %add3A_187[%gather3A] in [0] : vector<16xf32>, vector<16xi32> -> vector<16xf32>
        %add3A_198 = arith.addf %add3A_187, %gather3A_197 : vector<16xf32>
        %xor3A_199 = arith.constant 4 : i32
        %xor3A_200 = vector.broadcast %xor3A_199 : i32 to vector<16xi32>
        %xor3A_201 = arith.xori %iota3A, %xor3A_200 : vector<16xi32>
        %lt3A_202 = arith.constant 0 : i32
        %lt3A_203 = vector.broadcast %lt3A_202 : i32 to vector<16xi32>
        %lt3A_204 = arith.cmpi slt, %xor3A_201, %lt3A_203 : vector<16xi32>
        %add3A_205 = arith.constant 16 : i32
        %add3A_206 = vector.broadcast %add3A_205 : i32 to vector<16xi32>
        %add3A_207 = arith.addi %xor3A_201, %add3A_206 : vector<16xi32>
        %select_n3A_208 = arith.select %lt3A_204, %add3A_207, %xor3A_201 : vector<16xi1>, vector<16xi32>
        %broadcast_in_dim3A_209 = vector.shape_cast %select_n3A_208 : vector<16xi32> to vector<16x1xi32>
        %gather3A_210 = vector.shape_cast %broadcast_in_dim3A_209 : vector<16x1xi32> to vector<16xi32>
        %gather3A_211 = tpu.dynamic_gather %add3A_198[%gather3A_210] in [0] : vector<16xf32>, vector<16xi32> -> vector<16xf32>
        %add3A_212 = arith.addf %add3A_198, %gather3A_211 : vector<16xf32>
        %xor3A_213 = arith.constant 2 : i32
        %xor3A_214 = vector.broadcast %xor3A_213 : i32 to vector<16xi32>
        %xor3A_215 = arith.xori %iota3A, %xor3A_214 : vector<16xi32>
        %lt3A_216 = arith.constant 0 : i32
        %lt3A_217 = vector.broadcast %lt3A_216 : i32 to vector<16xi32>
        %lt3A_218 = arith.cmpi slt, %xor3A_215, %lt3A_217 : vector<16xi32>
        %add3A_219 = arith.constant 16 : i32
        %add3A_220 = vector.broadcast %add3A_219 : i32 to vector<16xi32>
        %add3A_221 = arith.addi %xor3A_215, %add3A_220 : vector<16xi32>
        %select_n3A_222 = arith.select %lt3A_218, %add3A_221, %xor3A_215 : vector<16xi1>, vector<16xi32>
        %broadcast_in_dim3A_223 = vector.shape_cast %select_n3A_222 : vector<16xi32> to vector<16x1xi32>
        %gather3A_224 = vector.shape_cast %broadcast_in_dim3A_223 : vector<16x1xi32> to vector<16xi32>
        %gather3A_225 = tpu.dynamic_gather %add3A_212[%gather3A_224] in [0] : vector<16xf32>, vector<16xi32> -> vector<16xf32>
        %add3A_226 = arith.addf %add3A_212, %gather3A_225 : vector<16xf32>
        %xor3A_227 = arith.constant 1 : i32
        %xor3A_228 = vector.broadcast %xor3A_227 : i32 to vector<16xi32>
        %xor3A_229 = arith.xori %iota3A, %xor3A_228 : vector<16xi32>
        %lt3A_230 = arith.constant 0 : i32
        %lt3A_231 = vector.broadcast %lt3A_230 : i32 to vector<16xi32>
        %lt3A_232 = arith.cmpi slt, %xor3A_229, %lt3A_231 : vector<16xi32>
        %add3A_233 = arith.constant 16 : i32
        %add3A_234 = vector.broadcast %add3A_233 : i32 to vector<16xi32>
        %add3A_235 = arith.addi %xor3A_229, %add3A_234 : vector<16xi32>
        %select_n3A_236 = arith.select %lt3A_232, %add3A_235, %xor3A_229 : vector<16xi1>, vector<16xi32>
        %broadcast_in_dim3A_237 = vector.shape_cast %select_n3A_236 : vector<16xi32> to vector<16x1xi32>
        %gather3A_238 = vector.shape_cast %broadcast_in_dim3A_237 : vector<16x1xi32> to vector<16xi32>
        %gather3A_239 = tpu.dynamic_gather %add3A_226[%gather3A_238] in [0] : vector<16xf32>, vector<16xi32> -> vector<16xf32>
        %add3A_240 = arith.addf %add3A_226, %gather3A_239 : vector<16xf32>
        %gt3A = arith.constant 0.000000e+00 : f32
        %gt3A_241 = vector.broadcast %gt3A : f32 to vector<16xf32>
        %gt3A_242 = arith.cmpf ogt, %add3A_240, %gt3A_241 : vector<16xf32>
        %bitcast3A = vector.bitcast %add3A_240 : vector<16xf32> to vector<16xi32>
        %shift_right_arithmetic3A = arith.constant 1 : i32
        %shift_right_arithmetic3A_243 = vector.broadcast %shift_right_arithmetic3A : i32 to vector<16xi32>
        %shift_right_arithmetic3A_244 = arith.shrsi %bitcast3A, %shift_right_arithmetic3A_243 : vector<16xi32>
        %sub3A = arith.constant 1597463007 : i32
        %sub3A_245 = vector.broadcast %sub3A : i32 to vector<16xi32>
        %sub3A_246 = arith.subi %sub3A_245, %shift_right_arithmetic3A_244 : vector<16xi32>
        %bitcast3A_247 = vector.bitcast %sub3A_246 : vector<16xi32> to vector<16xf32>
        %mul3A_248 = arith.constant 5.000000e-01 : f32
        %mul3A_249 = vector.broadcast %mul3A_248 : f32 to vector<16xf32>
        %mul3A_250 = arith.mulf %mul3A_249, %add3A_240 : vector<16xf32>
        %mul3A_251 = arith.mulf %mul3A_250, %bitcast3A_247 : vector<16xf32>
        %mul3A_252 = arith.mulf %mul3A_251, %bitcast3A_247 : vector<16xf32>
        %sub3A_253 = arith.constant 1.500000e+00 : f32
        %sub3A_254 = vector.broadcast %sub3A_253 : f32 to vector<16xf32>
        %sub3A_255 = arith.subf %sub3A_254, %mul3A_252 : vector<16xf32>
        %mul3A_256 = arith.mulf %bitcast3A_247, %sub3A_255 : vector<16xf32>
        %mul3A_257 = arith.constant 5.000000e-01 : f32
        %mul3A_258 = vector.broadcast %mul3A_257 : f32 to vector<16xf32>
        %mul3A_259 = arith.mulf %mul3A_258, %add3A_240 : vector<16xf32>
        %mul3A_260 = arith.mulf %mul3A_259, %mul3A_256 : vector<16xf32>
        %mul3A_261 = arith.mulf %mul3A_260, %mul3A_256 : vector<16xf32>
        %sub3A_262 = arith.constant 1.500000e+00 : f32
        %sub3A_263 = vector.broadcast %sub3A_262 : f32 to vector<16xf32>
        %sub3A_264 = arith.subf %sub3A_263, %mul3A_261 : vector<16xf32>
        %mul3A_265 = arith.mulf %mul3A_256, %sub3A_264 : vector<16xf32>
        %mul3A_266 = arith.constant 5.000000e-01 : f32
        %mul3A_267 = vector.broadcast %mul3A_266 : f32 to vector<16xf32>
        %mul3A_268 = arith.mulf %mul3A_267, %add3A_240 : vector<16xf32>
        %mul3A_269 = arith.mulf %mul3A_268, %mul3A_265 : vector<16xf32>
        %mul3A_270 = arith.mulf %mul3A_269, %mul3A_265 : vector<16xf32>
        %sub3A_271 = arith.constant 1.500000e+00 : f32
        %sub3A_272 = vector.broadcast %sub3A_271 : f32 to vector<16xf32>
        %sub3A_273 = arith.subf %sub3A_272, %mul3A_270 : vector<16xf32>
        %mul3A_274 = arith.mulf %mul3A_265, %sub3A_273 : vector<16xf32>
        %mul3A_275 = arith.mulf %add3A_240, %mul3A_274 : vector<16xf32>
        %jit3A = arith.constant 0.000000e+00 : f32
        %broadcast_in_dim3A_276 = vector.broadcast %jit3A : f32 to vector<16xf32>
        %select_n3A_277 = arith.select %gt3A_242, %mul3A_275, %broadcast_in_dim3A_276 : vector<16xi1>, vector<16xf32>
        %add3A_278 = arith.constant 9.99999997E-7 : f32
        %add3A_279 = vector.broadcast %add3A_278 : f32 to vector<16xf32>
        %add3A_280 = arith.addf %select_n3A_277, %add3A_279 : vector<16xf32>
        %div3A = arith.constant 1.000000e+00 : f32
        %div3A_281 = vector.broadcast %div3A : f32 to vector<16xf32>
        %div3A_282 = arith.divf %div3A_281, %add3A_280 : vector<16xf32>
        %broadcast_in_dim3A_283 = arith.constant 0.000000e+00 : f32
        %broadcast_in_dim3A_284 = vector.broadcast %broadcast_in_dim3A_283 : f32 to vector<16xf32>
        %broadcast_in_dim3A_285 = arith.constant -1.000000e+30 : f32
        %broadcast_in_dim3A_286 = vector.broadcast %broadcast_in_dim3A_285 : f32 to vector<16xf32>
        %scan3A_287 = arith.constant 0 : i32
        %scan3A_288 = arith.constant 4 : i32
        %scan3A_289 = arith.addi %scan3A_287, %scan3A_288 : i32
        %scan3A_290 = arith.constant 1 : i32
        %scan3A_291 = scf.for %scan3A_650 = %scan3A_287 to %scan3A_289 step %scan3A_290 iter_args(%scan3A_651 = %broadcast_in_dim3A_286) -> (vector<16xf32>)  : i32 {
          %mul3A_652 = arith.constant 4 : i32
          %mul3A_653 = arith.muli %scan3A_142, %mul3A_652 : i32
          %add3A_654 = arith.addi %mul3A_653, %scan3A_650 : i32
          %get3A_655 = arith.index_cast %add3A_654 : i32 to index
          %get3A_656 = arith.constant 0 : index
          %get3A_657 = tpu.vector_load %arg19[%get3A_655, %get3A_656] {strides = array<i32>} : memref<16x128xf32, #tpu.memory_space<vmem>>, vector<16xf32>,
          %mul3A_658 = arith.mulf %get3A_657, %get3A_151 : vector<16xf32>
          %get3A_659 = arith.index_cast %add3A_654 : i32 to index
          %get3A_660 = arith.constant 16 : index
          %get3A_661 = tpu.vector_load %arg19[%get3A_659, %get3A_660] {strides = array<i32>} : memref<16x128xf32, #tpu.memory_space<vmem>>, vector<16xf32>,
          %mul3A_662 = arith.mulf %get3A_661, %get3A_154 : vector<16xf32>
          %get3A_663 = arith.index_cast %add3A_654 : i32 to index
          %get3A_664 = arith.constant 32 : index
          %get3A_665 = tpu.vector_load %arg19[%get3A_663, %get3A_664] {strides = array<i32>} : memref<16x128xf32, #tpu.memory_space<vmem>>, vector<16xf32>,
          %mul3A_666 = arith.mulf %get3A_665, %get3A_157 : vector<16xf32>
          %get3A_667 = arith.index_cast %add3A_654 : i32 to index
          %get3A_668 = arith.constant 48 : index
          %get3A_669 = tpu.vector_load %arg19[%get3A_667, %get3A_668] {strides = array<i32>} : memref<16x128xf32, #tpu.memory_space<vmem>>, vector<16xf32>,
          %mul3A_670 = arith.mulf %get3A_669, %get3A_160 : vector<16xf32>
          %get3A_671 = arith.index_cast %add3A_654 : i32 to index
          %get3A_672 = arith.constant 64 : index
          %get3A_673 = tpu.vector_load %arg19[%get3A_671, %get3A_672] {strides = array<i32>} : memref<16x128xf32, #tpu.memory_space<vmem>>, vector<16xf32>,
          %mul3A_674 = arith.mulf %get3A_673, %get3A_163 : vector<16xf32>
          %get3A_675 = arith.index_cast %add3A_654 : i32 to index
          %get3A_676 = arith.constant 80 : index
          %get3A_677 = tpu.vector_load %arg19[%get3A_675, %get3A_676] {strides = array<i32>} : memref<16x128xf32, #tpu.memory_space<vmem>>, vector<16xf32>,
          %mul3A_678 = arith.mulf %get3A_677, %get3A_166 : vector<16xf32>
          %get3A_679 = arith.index_cast %add3A_654 : i32 to index
          %get3A_680 = arith.constant 96 : index
          %get3A_681 = tpu.vector_load %arg19[%get3A_679, %get3A_680] {strides = array<i32>} : memref<16x128xf32, #tpu.memory_space<vmem>>, vector<16xf32>,
          %mul3A_682 = arith.mulf %get3A_681, %get3A_169 : vector<16xf32>
          %get3A_683 = arith.index_cast %add3A_654 : i32 to index
          %get3A_684 = arith.constant 112 : index
          %get3A_685 = tpu.vector_load %arg19[%get3A_683, %get3A_684] {strides = array<i32>} : memref<16x128xf32, #tpu.memory_space<vmem>>, vector<16xf32>,
          %mul3A_686 = arith.mulf %get3A_685, %get3A_172 : vector<16xf32>
          %add3A_687 = arith.addf %mul3A_658, %mul3A_662 : vector<16xf32>
          %add3A_688 = arith.addf %mul3A_666, %mul3A_670 : vector<16xf32>
          %add3A_689 = arith.addf %mul3A_674, %mul3A_678 : vector<16xf32>
          %add3A_690 = arith.addf %mul3A_682, %mul3A_686 : vector<16xf32>
          %add3A_691 = arith.addf %add3A_687, %add3A_688 : vector<16xf32>
          %add3A_692 = arith.addf %add3A_689, %add3A_690 : vector<16xf32>
          %add3A_693 = arith.addf %add3A_691, %add3A_692 : vector<16xf32>
          %xor3A_694 = arith.constant 8 : i32
          %xor3A_695 = vector.broadcast %xor3A_694 : i32 to vector<16xi32>
          %xor3A_696 = arith.xori %iota3A, %xor3A_695 : vector<16xi32>
          %lt3A_697 = arith.constant 0 : i32
          %lt3A_698 = vector.broadcast %lt3A_697 : i32 to vector<16xi32>
          %lt3A_699 = arith.cmpi slt, %xor3A_696, %lt3A_698 : vector<16xi32>
          %add3A_700 = arith.constant 16 : i32
          %add3A_701 = vector.broadcast %add3A_700 : i32 to vector<16xi32>
          %add3A_702 = arith.addi %xor3A_696, %add3A_701 : vector<16xi32>
          %select_n3A_703 = arith.select %lt3A_699, %add3A_702, %xor3A_696 : vector<16xi1>, vector<16xi32>
          %broadcast_in_dim3A_704 = vector.shape_cast %select_n3A_703 : vector<16xi32> to vector<16x1xi32>
          %gather3A_705 = vector.shape_cast %broadcast_in_dim3A_704 : vector<16x1xi32> to vector<16xi32>
          %gather3A_706 = tpu.dynamic_gather %add3A_693[%gather3A_705] in [0] : vector<16xf32>, vector<16xi32> -> vector<16xf32>
          %add3A_707 = arith.addf %add3A_693, %gather3A_706 : vector<16xf32>
          %xor3A_708 = arith.constant 4 : i32
          %xor3A_709 = vector.broadcast %xor3A_708 : i32 to vector<16xi32>
          %xor3A_710 = arith.xori %iota3A, %xor3A_709 : vector<16xi32>
          %lt3A_711 = arith.constant 0 : i32
          %lt3A_712 = vector.broadcast %lt3A_711 : i32 to vector<16xi32>
          %lt3A_713 = arith.cmpi slt, %xor3A_710, %lt3A_712 : vector<16xi32>
          %add3A_714 = arith.constant 16 : i32
          %add3A_715 = vector.broadcast %add3A_714 : i32 to vector<16xi32>
          %add3A_716 = arith.addi %xor3A_710, %add3A_715 : vector<16xi32>
          %select_n3A_717 = arith.select %lt3A_713, %add3A_716, %xor3A_710 : vector<16xi1>, vector<16xi32>
          %broadcast_in_dim3A_718 = vector.shape_cast %select_n3A_717 : vector<16xi32> to vector<16x1xi32>
          %gather3A_719 = vector.shape_cast %broadcast_in_dim3A_718 : vector<16x1xi32> to vector<16xi32>
          %gather3A_720 = tpu.dynamic_gather %add3A_707[%gather3A_719] in [0] : vector<16xf32>, vector<16xi32> -> vector<16xf32>
          %add3A_721 = arith.addf %add3A_707, %gather3A_720 : vector<16xf32>
          %xor3A_722 = arith.constant 2 : i32
          %xor3A_723 = vector.broadcast %xor3A_722 : i32 to vector<16xi32>
          %xor3A_724 = arith.xori %iota3A, %xor3A_723 : vector<16xi32>
          %lt3A_725 = arith.constant 0 : i32
          %lt3A_726 = vector.broadcast %lt3A_725 : i32 to vector<16xi32>
          %lt3A_727 = arith.cmpi slt, %xor3A_724, %lt3A_726 : vector<16xi32>
          %add3A_728 = arith.constant 16 : i32
          %add3A_729 = vector.broadcast %add3A_728 : i32 to vector<16xi32>
          %add3A_730 = arith.addi %xor3A_724, %add3A_729 : vector<16xi32>
          %select_n3A_731 = arith.select %lt3A_727, %add3A_730, %xor3A_724 : vector<16xi1>, vector<16xi32>
          %broadcast_in_dim3A_732 = vector.shape_cast %select_n3A_731 : vector<16xi32> to vector<16x1xi32>
          %gather3A_733 = vector.shape_cast %broadcast_in_dim3A_732 : vector<16x1xi32> to vector<16xi32>
          %gather3A_734 = tpu.dynamic_gather %add3A_721[%gather3A_733] in [0] : vector<16xf32>, vector<16xi32> -> vector<16xf32>
          %add3A_735 = arith.addf %add3A_721, %gather3A_734 : vector<16xf32>
          %xor3A_736 = arith.constant 1 : i32
          %xor3A_737 = vector.broadcast %xor3A_736 : i32 to vector<16xi32>
          %xor3A_738 = arith.xori %iota3A, %xor3A_737 : vector<16xi32>
          %lt3A_739 = arith.constant 0 : i32
          %lt3A_740 = vector.broadcast %lt3A_739 : i32 to vector<16xi32>
          %lt3A_741 = arith.cmpi slt, %xor3A_738, %lt3A_740 : vector<16xi32>
          %add3A_742 = arith.constant 16 : i32
          %add3A_743 = vector.broadcast %add3A_742 : i32 to vector<16xi32>
          %add3A_744 = arith.addi %xor3A_738, %add3A_743 : vector<16xi32>
          %select_n3A_745 = arith.select %lt3A_741, %add3A_744, %xor3A_738 : vector<16xi1>, vector<16xi32>
          %broadcast_in_dim3A_746 = vector.shape_cast %select_n3A_745 : vector<16xi32> to vector<16x1xi32>
          %gather3A_747 = vector.shape_cast %broadcast_in_dim3A_746 : vector<16x1xi32> to vector<16xi32>
          %gather3A_748 = tpu.dynamic_gather %add3A_735[%gather3A_747] in [0] : vector<16xf32>, vector<16xi32> -> vector<16xf32>
          %add3A_749 = arith.addf %add3A_735, %gather3A_748 : vector<16xf32>
          %eq3A_750 = vector.broadcast %scan3A_650 : i32 to vector<16xi32>
          %eq3A_751 = arith.cmpi eq, %iota3A, %eq3A_750 : vector<16xi32>
          %select_n3A_752 = arith.select %eq3A_751, %add3A_749, %scan3A_651 : vector<16xi1>, vector<16xf32>
          scf.yield %select_n3A_752 : vector<16xf32>
        }
        %scan3A_292 = arith.constant 4 : i32
        %mul3A_293 = arith.mulf %scan3A_291, %div3A_282 : vector<16xf32>
        %xor3A_294 = arith.constant 8 : i32
        %xor3A_295 = vector.broadcast %xor3A_294 : i32 to vector<16xi32>
        %xor3A_296 = arith.xori %iota3A, %xor3A_295 : vector<16xi32>
        %lt3A_297 = arith.constant 0 : i32
        %lt3A_298 = vector.broadcast %lt3A_297 : i32 to vector<16xi32>
        %lt3A_299 = arith.cmpi slt, %xor3A_296, %lt3A_298 : vector<16xi32>
        %add3A_300 = arith.constant 16 : i32
        %add3A_301 = vector.broadcast %add3A_300 : i32 to vector<16xi32>
        %add3A_302 = arith.addi %xor3A_296, %add3A_301 : vector<16xi32>
        %select_n3A_303 = arith.select %lt3A_299, %add3A_302, %xor3A_296 : vector<16xi1>, vector<16xi32>
        %broadcast_in_dim3A_304 = vector.shape_cast %select_n3A_303 : vector<16xi32> to vector<16x1xi32>
        %gather3A_305 = vector.shape_cast %broadcast_in_dim3A_304 : vector<16x1xi32> to vector<16xi32>
        %gather3A_306 = tpu.dynamic_gather %mul3A_293[%gather3A_305] in [0] : vector<16xf32>, vector<16xi32> -> vector<16xf32>
        %max3A = arith.maximumf %mul3A_293, %gather3A_306 : vector<16xf32>
        %xor3A_307 = arith.constant 4 : i32
        %xor3A_308 = vector.broadcast %xor3A_307 : i32 to vector<16xi32>
        %xor3A_309 = arith.xori %iota3A, %xor3A_308 : vector<16xi32>
        %lt3A_310 = arith.constant 0 : i32
        %lt3A_311 = vector.broadcast %lt3A_310 : i32 to vector<16xi32>
        %lt3A_312 = arith.cmpi slt, %xor3A_309, %lt3A_311 : vector<16xi32>
        %add3A_313 = arith.constant 16 : i32
        %add3A_314 = vector.broadcast %add3A_313 : i32 to vector<16xi32>
        %add3A_315 = arith.addi %xor3A_309, %add3A_314 : vector<16xi32>
        %select_n3A_316 = arith.select %lt3A_312, %add3A_315, %xor3A_309 : vector<16xi1>, vector<16xi32>
        %broadcast_in_dim3A_317 = vector.shape_cast %select_n3A_316 : vector<16xi32> to vector<16x1xi32>
        %gather3A_318 = vector.shape_cast %broadcast_in_dim3A_317 : vector<16x1xi32> to vector<16xi32>
        %gather3A_319 = tpu.dynamic_gather %max3A[%gather3A_318] in [0] : vector<16xf32>, vector<16xi32> -> vector<16xf32>
        %max3A_320 = arith.maximumf %max3A, %gather3A_319 : vector<16xf32>
        %xor3A_321 = arith.constant 2 : i32
        %xor3A_322 = vector.broadcast %xor3A_321 : i32 to vector<16xi32>
        %xor3A_323 = arith.xori %iota3A, %xor3A_322 : vector<16xi32>
        %lt3A_324 = arith.constant 0 : i32
        %lt3A_325 = vector.broadcast %lt3A_324 : i32 to vector<16xi32>
        %lt3A_326 = arith.cmpi slt, %xor3A_323, %lt3A_325 : vector<16xi32>
        %add3A_327 = arith.constant 16 : i32
        %add3A_328 = vector.broadcast %add3A_327 : i32 to vector<16xi32>
        %add3A_329 = arith.addi %xor3A_323, %add3A_328 : vector<16xi32>
        %select_n3A_330 = arith.select %lt3A_326, %add3A_329, %xor3A_323 : vector<16xi1>, vector<16xi32>
        %broadcast_in_dim3A_331 = vector.shape_cast %select_n3A_330 : vector<16xi32> to vector<16x1xi32>
        %gather3A_332 = vector.shape_cast %broadcast_in_dim3A_331 : vector<16x1xi32> to vector<16xi32>
        %gather3A_333 = tpu.dynamic_gather %max3A_320[%gather3A_332] in [0] : vector<16xf32>, vector<16xi32> -> vector<16xf32>
        %max3A_334 = arith.maximumf %max3A_320, %gather3A_333 : vector<16xf32>
        %xor3A_335 = arith.constant 1 : i32
        %xor3A_336 = vector.broadcast %xor3A_335 : i32 to vector<16xi32>
        %xor3A_337 = arith.xori %iota3A, %xor3A_336 : vector<16xi32>
        %lt3A_338 = arith.constant 0 : i32
        %lt3A_339 = vector.broadcast %lt3A_338 : i32 to vector<16xi32>
        %lt3A_340 = arith.cmpi slt, %xor3A_337, %lt3A_339 : vector<16xi32>
        %add3A_341 = arith.constant 16 : i32
        %add3A_342 = vector.broadcast %add3A_341 : i32 to vector<16xi32>
        %add3A_343 = arith.addi %xor3A_337, %add3A_342 : vector<16xi32>
        %select_n3A_344 = arith.select %lt3A_340, %add3A_343, %xor3A_337 : vector<16xi1>, vector<16xi32>
        %broadcast_in_dim3A_345 = vector.shape_cast %select_n3A_344 : vector<16xi32> to vector<16x1xi32>
        %gather3A_346 = vector.shape_cast %broadcast_in_dim3A_345 : vector<16x1xi32> to vector<16xi32>
        %gather3A_347 = tpu.dynamic_gather %max3A_334[%gather3A_346] in [0] : vector<16xf32>, vector<16xi32> -> vector<16xf32>
        %max3A_348 = arith.maximumf %max3A_334, %gather3A_347 : vector<16xf32>
        %sub3A_349 = arith.subf %mul3A_293, %max3A_348 : vector<16xf32>
        %mul3A_350 = arith.constant 0.0441941731 : f32
        %mul3A_351 = vector.broadcast %mul3A_350 : f32 to vector<16xf32>
        %mul3A_352 = arith.mulf %sub3A_349, %mul3A_351 : vector<16xf32>
        %exp3A = math.exp %mul3A_352 : vector<16xf32>
        %xor3A_353 = arith.constant 8 : i32
        %xor3A_354 = vector.broadcast %xor3A_353 : i32 to vector<16xi32>
        %xor3A_355 = arith.xori %iota3A, %xor3A_354 : vector<16xi32>
        %lt3A_356 = arith.constant 0 : i32
        %lt3A_357 = vector.broadcast %lt3A_356 : i32 to vector<16xi32>
        %lt3A_358 = arith.cmpi slt, %xor3A_355, %lt3A_357 : vector<16xi32>
        %add3A_359 = arith.constant 16 : i32
        %add3A_360 = vector.broadcast %add3A_359 : i32 to vector<16xi32>
        %add3A_361 = arith.addi %xor3A_355, %add3A_360 : vector<16xi32>
        %select_n3A_362 = arith.select %lt3A_358, %add3A_361, %xor3A_355 : vector<16xi1>, vector<16xi32>
        %broadcast_in_dim3A_363 = vector.shape_cast %select_n3A_362 : vector<16xi32> to vector<16x1xi32>
        %gather3A_364 = vector.shape_cast %broadcast_in_dim3A_363 : vector<16x1xi32> to vector<16xi32>
        %gather3A_365 = tpu.dynamic_gather %exp3A[%gather3A_364] in [0] : vector<16xf32>, vector<16xi32> -> vector<16xf32>
        %add3A_366 = arith.addf %exp3A, %gather3A_365 : vector<16xf32>
        %xor3A_367 = arith.constant 4 : i32
        %xor3A_368 = vector.broadcast %xor3A_367 : i32 to vector<16xi32>
        %xor3A_369 = arith.xori %iota3A, %xor3A_368 : vector<16xi32>
        %lt3A_370 = arith.constant 0 : i32
        %lt3A_371 = vector.broadcast %lt3A_370 : i32 to vector<16xi32>
        %lt3A_372 = arith.cmpi slt, %xor3A_369, %lt3A_371 : vector<16xi32>
        %add3A_373 = arith.constant 16 : i32
        %add3A_374 = vector.broadcast %add3A_373 : i32 to vector<16xi32>
        %add3A_375 = arith.addi %xor3A_369, %add3A_374 : vector<16xi32>
        %select_n3A_376 = arith.select %lt3A_372, %add3A_375, %xor3A_369 : vector<16xi1>, vector<16xi32>
        %broadcast_in_dim3A_377 = vector.shape_cast %select_n3A_376 : vector<16xi32> to vector<16x1xi32>
        %gather3A_378 = vector.shape_cast %broadcast_in_dim3A_377 : vector<16x1xi32> to vector<16xi32>
        %gather3A_379 = tpu.dynamic_gather %add3A_366[%gather3A_378] in [0] : vector<16xf32>, vector<16xi32> -> vector<16xf32>
        %add3A_380 = arith.addf %add3A_366, %gather3A_379 : vector<16xf32>
        %xor3A_381 = arith.constant 2 : i32
        %xor3A_382 = vector.broadcast %xor3A_381 : i32 to vector<16xi32>
        %xor3A_383 = arith.xori %iota3A, %xor3A_382 : vector<16xi32>
        %lt3A_384 = arith.constant 0 : i32
        %lt3A_385 = vector.broadcast %lt3A_384 : i32 to vector<16xi32>
        %lt3A_386 = arith.cmpi slt, %xor3A_383, %lt3A_385 : vector<16xi32>
        %add3A_387 = arith.constant 16 : i32
        %add3A_388 = vector.broadcast %add3A_387 : i32 to vector<16xi32>
        %add3A_389 = arith.addi %xor3A_383, %add3A_388 : vector<16xi32>
        %select_n3A_390 = arith.select %lt3A_386, %add3A_389, %xor3A_383 : vector<16xi1>, vector<16xi32>
        %broadcast_in_dim3A_391 = vector.shape_cast %select_n3A_390 : vector<16xi32> to vector<16x1xi32>
        %gather3A_392 = vector.shape_cast %broadcast_in_dim3A_391 : vector<16x1xi32> to vector<16xi32>
        %gather3A_393 = tpu.dynamic_gather %add3A_380[%gather3A_392] in [0] : vector<16xf32>, vector<16xi32> -> vector<16xf32>
        %add3A_394 = arith.addf %add3A_380, %gather3A_393 : vector<16xf32>
        %xor3A_395 = arith.constant 1 : i32
        %xor3A_396 = vector.broadcast %xor3A_395 : i32 to vector<16xi32>
        %xor3A_397 = arith.xori %iota3A, %xor3A_396 : vector<16xi32>
        %lt3A_398 = arith.constant 0 : i32
        %lt3A_399 = vector.broadcast %lt3A_398 : i32 to vector<16xi32>
        %lt3A_400 = arith.cmpi slt, %xor3A_397, %lt3A_399 : vector<16xi32>
        %add3A_401 = arith.constant 16 : i32
        %add3A_402 = vector.broadcast %add3A_401 : i32 to vector<16xi32>
        %add3A_403 = arith.addi %xor3A_397, %add3A_402 : vector<16xi32>
        %select_n3A_404 = arith.select %lt3A_400, %add3A_403, %xor3A_397 : vector<16xi1>, vector<16xi32>
        %broadcast_in_dim3A_405 = vector.shape_cast %select_n3A_404 : vector<16xi32> to vector<16x1xi32>
        %gather3A_406 = vector.shape_cast %broadcast_in_dim3A_405 : vector<16x1xi32> to vector<16xi32>
        %gather3A_407 = tpu.dynamic_gather %add3A_394[%gather3A_406] in [0] : vector<16xf32>, vector<16xi32> -> vector<16xf32>
        %add3A_408 = arith.addf %add3A_394, %gather3A_407 : vector<16xf32>
        %div3A_409 = arith.divf %exp3A, %add3A_408 : vector<16xf32>
        %scan3A_410 = arith.constant 0 : i32
        %scan3A_411 = arith.constant 4 : i32
        %scan3A_412 = arith.addi %scan3A_410, %scan3A_411 : i32
        %scan3A_413 = arith.constant 1 : i32
        %scan3A_414:8 = scf.for %scan3A_650 = %scan3A_410 to %scan3A_412 step %scan3A_413 iter_args(%scan3A_651 = %broadcast_in_dim3A_284, %scan3A_652 = %broadcast_in_dim3A_284, %scan3A_653 = %broadcast_in_dim3A_284, %scan3A_654 = %broadcast_in_dim3A_284, %scan3A_655 = %broadcast_in_dim3A_284, %scan3A_656 = %broadcast_in_dim3A_284, %scan3A_657 = %broadcast_in_dim3A_284, %scan3A_658 = %broadcast_in_dim3A_284) -> (vector<16xf32>, vector<16xf32>, vector<16xf32>, vector<16xf32>, vector<16xf32>, vector<16xf32>, vector<16xf32>, vector<16xf32>)  : i32 {
          %broadcast_in_dim3A_659 = arith.constant 0 : i32
          %broadcast_in_dim3A_660 = vector.broadcast %broadcast_in_dim3A_659 : i32 to vector<16xi32>
          %add3A_661 = vector.broadcast %scan3A_650 : i32 to vector<16xi32>
          %add3A_662 = arith.addi %broadcast_in_dim3A_660, %add3A_661 : vector<16xi32>
          %lt3A_663 = arith.constant 0 : i32
          %lt3A_664 = vector.broadcast %lt3A_663 : i32 to vector<16xi32>
          %lt3A_665 = arith.cmpi slt, %add3A_662, %lt3A_664 : vector<16xi32>
          %add3A_666 = arith.constant 16 : i32
          %add3A_667 = vector.broadcast %add3A_666 : i32 to vector<16xi32>
          %add3A_668 = arith.addi %add3A_662, %add3A_667 : vector<16xi32>
          %select_n3A_669 = arith.select %lt3A_665, %add3A_668, %add3A_662 : vector<16xi1>, vector<16xi32>
          %broadcast_in_dim3A_670 = vector.shape_cast %select_n3A_669 : vector<16xi32> to vector<16x1xi32>
          %gather3A_671 = vector.shape_cast %broadcast_in_dim3A_670 : vector<16x1xi32> to vector<16xi32>
          %gather3A_672 = tpu.dynamic_gather %div3A_409[%gather3A_671] in [0] : vector<16xf32>, vector<16xi32> -> vector<16xf32>
          %mul3A_673 = arith.constant 4 : i32
          %mul3A_674 = arith.muli %scan3A_142, %mul3A_673 : i32
          %add3A_675 = arith.addi %mul3A_674, %scan3A_650 : i32
          %get3A_676 = arith.index_cast %add3A_675 : i32 to index
          %get3A_677 = arith.constant 0 : index
          %get3A_678 = tpu.vector_load %arg20[%get3A_676, %get3A_677] {strides = array<i32>} : memref<16x128xf32, #tpu.memory_space<vmem>>, vector<16xf32>,
          %mul3A_679 = arith.mulf %gather3A_672, %get3A_678 : vector<16xf32>
          %add3A_680 = arith.addf %scan3A_651, %mul3A_679 : vector<16xf32>
          %get3A_681 = arith.index_cast %add3A_675 : i32 to index
          %get3A_682 = arith.constant 16 : index
          %get3A_683 = tpu.vector_load %arg20[%get3A_681, %get3A_682] {strides = array<i32>} : memref<16x128xf32, #tpu.memory_space<vmem>>, vector<16xf32>,
          %mul3A_684 = arith.mulf %gather3A_672, %get3A_683 : vector<16xf32>
          %add3A_685 = arith.addf %scan3A_652, %mul3A_684 : vector<16xf32>
          %get3A_686 = arith.index_cast %add3A_675 : i32 to index
          %get3A_687 = arith.constant 32 : index
          %get3A_688 = tpu.vector_load %arg20[%get3A_686, %get3A_687] {strides = array<i32>} : memref<16x128xf32, #tpu.memory_space<vmem>>, vector<16xf32>,
          %mul3A_689 = arith.mulf %gather3A_672, %get3A_688 : vector<16xf32>
          %add3A_690 = arith.addf %scan3A_653, %mul3A_689 : vector<16xf32>
          %get3A_691 = arith.index_cast %add3A_675 : i32 to index
          %get3A_692 = arith.constant 48 : index
          %get3A_693 = tpu.vector_load %arg20[%get3A_691, %get3A_692] {strides = array<i32>} : memref<16x128xf32, #tpu.memory_space<vmem>>, vector<16xf32>,
          %mul3A_694 = arith.mulf %gather3A_672, %get3A_693 : vector<16xf32>
          %add3A_695 = arith.addf %scan3A_654, %mul3A_694 : vector<16xf32>
          %get3A_696 = arith.index_cast %add3A_675 : i32 to index
          %get3A_697 = arith.constant 64 : index
          %get3A_698 = tpu.vector_load %arg20[%get3A_696, %get3A_697] {strides = array<i32>} : memref<16x128xf32, #tpu.memory_space<vmem>>, vector<16xf32>,
          %mul3A_699 = arith.mulf %gather3A_672, %get3A_698 : vector<16xf32>
          %add3A_700 = arith.addf %scan3A_655, %mul3A_699 : vector<16xf32>
          %get3A_701 = arith.index_cast %add3A_675 : i32 to index
          %get3A_702 = arith.constant 80 : index
          %get3A_703 = tpu.vector_load %arg20[%get3A_701, %get3A_702] {strides = array<i32>} : memref<16x128xf32, #tpu.memory_space<vmem>>, vector<16xf32>,
          %mul3A_704 = arith.mulf %gather3A_672, %get3A_703 : vector<16xf32>
          %add3A_705 = arith.addf %scan3A_656, %mul3A_704 : vector<16xf32>
          %get3A_706 = arith.index_cast %add3A_675 : i32 to index
          %get3A_707 = arith.constant 96 : index
          %get3A_708 = tpu.vector_load %arg20[%get3A_706, %get3A_707] {strides = array<i32>} : memref<16x128xf32, #tpu.memory_space<vmem>>, vector<16xf32>,
          %mul3A_709 = arith.mulf %gather3A_672, %get3A_708 : vector<16xf32>
          %add3A_710 = arith.addf %scan3A_657, %mul3A_709 : vector<16xf32>
          %get3A_711 = arith.index_cast %add3A_675 : i32 to index
          %get3A_712 = arith.constant 112 : index
          %get3A_713 = tpu.vector_load %arg20[%get3A_711, %get3A_712] {strides = array<i32>} : memref<16x128xf32, #tpu.memory_space<vmem>>, vector<16xf32>,
          %mul3A_714 = arith.mulf %gather3A_672, %get3A_713 : vector<16xf32>
          %add3A_715 = arith.addf %scan3A_658, %mul3A_714 : vector<16xf32>
          scf.yield %add3A_680, %add3A_685, %add3A_690, %add3A_695, %add3A_700, %add3A_705, %add3A_710, %add3A_715 : vector<16xf32>, vector<16xf32>, vector<16xf32>, vector<16xf32>, vector<16xf32>, vector<16xf32>, vector<16xf32>, vector<16xf32>
        }
        %scan3A_415 = arith.constant 4 : i32
        %swap3A_416 = arith.index_cast %add3A_149 : i32 to index
        %swap3A_417 = arith.constant 0 : index
        %swap3A_418 = tpu.vector_load %arg24[%swap3A_416, %swap3A_417] {strides = array<i32>} : memref<64x128xf32, #tpu.memory_space<vmem>>, vector<16xf32>,
        tpu.vector_store %arg24[%swap3A_416, %swap3A_417], %scan3A_414#0 {strides = array<i32>} : memref<64x128xf32, #tpu.memory_space<vmem>>, vector<16xf32>,
        %swap3A_419 = arith.index_cast %add3A_149 : i32 to index
        %swap3A_420 = arith.constant 16 : index
        %swap3A_421 = tpu.vector_load %arg24[%swap3A_419, %swap3A_420] {strides = array<i32>} : memref<64x128xf32, #tpu.memory_space<vmem>>, vector<16xf32>,
        tpu.vector_store %arg24[%swap3A_419, %swap3A_420], %scan3A_414#1 {strides = array<i32>} : memref<64x128xf32, #tpu.memory_space<vmem>>, vector<16xf32>,
        %swap3A_422 = arith.index_cast %add3A_149 : i32 to index
        %swap3A_423 = arith.constant 32 : index
        %swap3A_424 = tpu.vector_load %arg24[%swap3A_422, %swap3A_423] {strides = array<i32>} : memref<64x128xf32, #tpu.memory_space<vmem>>, vector<16xf32>,
        tpu.vector_store %arg24[%swap3A_422, %swap3A_423], %scan3A_414#2 {strides = array<i32>} : memref<64x128xf32, #tpu.memory_space<vmem>>, vector<16xf32>,
        %swap3A_425 = arith.index_cast %add3A_149 : i32 to index
        %swap3A_426 = arith.constant 48 : index
        %swap3A_427 = tpu.vector_load %arg24[%swap3A_425, %swap3A_426] {strides = array<i32>} : memref<64x128xf32, #tpu.memory_space<vmem>>, vector<16xf32>,
        tpu.vector_store %arg24[%swap3A_425, %swap3A_426], %scan3A_414#3 {strides = array<i32>} : memref<64x128xf32, #tpu.memory_space<vmem>>, vector<16xf32>,
        %swap3A_428 = arith.index_cast %add3A_149 : i32 to index
        %swap3A_429 = arith.constant 64 : index
        %swap3A_430 = tpu.vector_load %arg24[%swap3A_428, %swap3A_429] {strides = array<i32>} : memref<64x128xf32, #tpu.memory_space<vmem>>, vector<16xf32>,
        tpu.vector_store %arg24[%swap3A_428, %swap3A_429], %scan3A_414#4 {strides = array<i32>} : memref<64x128xf32, #tpu.memory_space<vmem>>, vector<16xf32>,
        %swap3A_431 = arith.index_cast %add3A_149 : i32 to index
        %swap3A_432 = arith.constant 80 : index
        %swap3A_433 = tpu.vector_load %arg24[%swap3A_431, %swap3A_432] {strides = array<i32>} : memref<64x128xf32, #tpu.memory_space<vmem>>, vector<16xf32>,
        tpu.vector_store %arg24[%swap3A_431, %swap3A_432], %scan3A_414#5 {strides = array<i32>} : memref<64x128xf32, #tpu.memory_space<vmem>>, vector<16xf32>,
        %swap3A_434 = arith.index_cast %add3A_149 : i32 to index
        %swap3A_435 = arith.constant 96 : index
        %swap3A_436 = tpu.vector_load %arg24[%swap3A_434, %swap3A_435] {strides = array<i32>} : memref<64x128xf32, #tpu.memory_space<vmem>>, vector<16xf32>,
        tpu.vector_store %arg24[%swap3A_434, %swap3A_435], %scan3A_414#6 {strides = array<i32>} : memref<64x128xf32, #tpu.memory_space<vmem>>, vector<16xf32>,
        %swap3A_437 = arith.index_cast %add3A_149 : i32 to index
        %swap3A_438 = arith.constant 112 : index
        %swap3A_439 = tpu.vector_load %arg24[%swap3A_437, %swap3A_438] {strides = array<i32>} : memref<64x128xf32, #tpu.memory_space<vmem>>, vector<16xf32>,
        tpu.vector_store %arg24[%swap3A_437, %swap3A_438], %scan3A_414#7 {strides = array<i32>} : memref<64x128xf32, #tpu.memory_space<vmem>>, vector<16xf32>,
        %scan3A_440 = arith.constant 0 : i32
        %scan3A_441 = arith.constant 16 : i32
        %scan3A_442 = arith.addi %scan3A_440, %scan3A_441 : i32
        %scan3A_443 = arith.constant 1 : i32
        %scan3A_444 = scf.for %scan3A_650 = %scan3A_440 to %scan3A_442 step %scan3A_443 iter_args(%scan3A_651 = %broadcast_in_dim3A_284) -> (vector<16xf32>)  : i32 {
          %mul3A_652 = arith.constant 32 : i32
          %mul3A_653 = arith.muli %scan3A_142, %mul3A_652 : i32
          %add3A_654 = arith.addi %mul3A_653, %scan3A_650 : i32
          %get3A_655 = arith.index_cast %add3A_654 : i32 to index
          %get3A_656 = arith.constant 0 : index
          %get3A_657 = tpu.vector_load %arg21[%get3A_655, %get3A_656] {strides = array<i32>} : memref<128x128xf32, #tpu.memory_space<vmem>>, vector<16xf32>,
          %mul3A_658 = arith.mulf %get3A_657, %get3A_151 : vector<16xf32>
          %get3A_659 = arith.index_cast %add3A_654 : i32 to index
          %get3A_660 = arith.constant 16 : index
          %get3A_661 = tpu.vector_load %arg21[%get3A_659, %get3A_660] {strides = array<i32>} : memref<128x128xf32, #tpu.memory_space<vmem>>, vector<16xf32>,
          %mul3A_662 = arith.mulf %get3A_661, %get3A_154 : vector<16xf32>
          %get3A_663 = arith.index_cast %add3A_654 : i32 to index
          %get3A_664 = arith.constant 32 : index
          %get3A_665 = tpu.vector_load %arg21[%get3A_663, %get3A_664] {strides = array<i32>} : memref<128x128xf32, #tpu.memory_space<vmem>>, vector<16xf32>,
          %mul3A_666 = arith.mulf %get3A_665, %get3A_157 : vector<16xf32>
          %get3A_667 = arith.index_cast %add3A_654 : i32 to index
          %get3A_668 = arith.constant 48 : index
          %get3A_669 = tpu.vector_load %arg21[%get3A_667, %get3A_668] {strides = array<i32>} : memref<128x128xf32, #tpu.memory_space<vmem>>, vector<16xf32>,
          %mul3A_670 = arith.mulf %get3A_669, %get3A_160 : vector<16xf32>
          %get3A_671 = arith.index_cast %add3A_654 : i32 to index
          %get3A_672 = arith.constant 64 : index
          %get3A_673 = tpu.vector_load %arg21[%get3A_671, %get3A_672] {strides = array<i32>} : memref<128x128xf32, #tpu.memory_space<vmem>>, vector<16xf32>,
          %mul3A_674 = arith.mulf %get3A_673, %get3A_163 : vector<16xf32>
          %get3A_675 = arith.index_cast %add3A_654 : i32 to index
          %get3A_676 = arith.constant 80 : index
          %get3A_677 = tpu.vector_load %arg21[%get3A_675, %get3A_676] {strides = array<i32>} : memref<128x128xf32, #tpu.memory_space<vmem>>, vector<16xf32>,
          %mul3A_678 = arith.mulf %get3A_677, %get3A_166 : vector<16xf32>
          %get3A_679 = arith.index_cast %add3A_654 : i32 to index
          %get3A_680 = arith.constant 96 : index
          %get3A_681 = tpu.vector_load %arg21[%get3A_679, %get3A_680] {strides = array<i32>} : memref<128x128xf32, #tpu.memory_space<vmem>>, vector<16xf32>,
          %mul3A_682 = arith.mulf %get3A_681, %get3A_169 : vector<16xf32>
          %get3A_683 = arith.index_cast %add3A_654 : i32 to index
          %get3A_684 = arith.constant 112 : index
          %get3A_685 = tpu.vector_load %arg21[%get3A_683, %get3A_684] {strides = array<i32>} : memref<128x128xf32, #tpu.memory_space<vmem>>, vector<16xf32>,
          %mul3A_686 = arith.mulf %get3A_685, %get3A_172 : vector<16xf32>
          %add3A_687 = arith.addf %mul3A_658, %mul3A_662 : vector<16xf32>
          %add3A_688 = arith.addf %mul3A_666, %mul3A_670 : vector<16xf32>
          %add3A_689 = arith.addf %mul3A_674, %mul3A_678 : vector<16xf32>
          %add3A_690 = arith.addf %mul3A_682, %mul3A_686 : vector<16xf32>
          %add3A_691 = arith.addf %add3A_687, %add3A_688 : vector<16xf32>
          %add3A_692 = arith.addf %add3A_689, %add3A_690 : vector<16xf32>
          %add3A_693 = arith.addf %add3A_691, %add3A_692 : vector<16xf32>
          %xor3A_694 = arith.constant 8 : i32
          %xor3A_695 = vector.broadcast %xor3A_694 : i32 to vector<16xi32>
          %xor3A_696 = arith.xori %iota3A, %xor3A_695 : vector<16xi32>
          %lt3A_697 = arith.constant 0 : i32
          %lt3A_698 = vector.broadcast %lt3A_697 : i32 to vector<16xi32>
          %lt3A_699 = arith.cmpi slt, %xor3A_696, %lt3A_698 : vector<16xi32>
          %add3A_700 = arith.constant 16 : i32
          %add3A_701 = vector.broadcast %add3A_700 : i32 to vector<16xi32>
          %add3A_702 = arith.addi %xor3A_696, %add3A_701 : vector<16xi32>
          %select_n3A_703 = arith.select %lt3A_699, %add3A_702, %xor3A_696 : vector<16xi1>, vector<16xi32>
          %broadcast_in_dim3A_704 = vector.shape_cast %select_n3A_703 : vector<16xi32> to vector<16x1xi32>
          %gather3A_705 = vector.shape_cast %broadcast_in_dim3A_704 : vector<16x1xi32> to vector<16xi32>
          %gather3A_706 = tpu.dynamic_gather %add3A_693[%gather3A_705] in [0] : vector<16xf32>, vector<16xi32> -> vector<16xf32>
          %add3A_707 = arith.addf %add3A_693, %gather3A_706 : vector<16xf32>
          %xor3A_708 = arith.constant 4 : i32
          %xor3A_709 = vector.broadcast %xor3A_708 : i32 to vector<16xi32>
          %xor3A_710 = arith.xori %iota3A, %xor3A_709 : vector<16xi32>
          %lt3A_711 = arith.constant 0 : i32
          %lt3A_712 = vector.broadcast %lt3A_711 : i32 to vector<16xi32>
          %lt3A_713 = arith.cmpi slt, %xor3A_710, %lt3A_712 : vector<16xi32>
          %add3A_714 = arith.constant 16 : i32
          %add3A_715 = vector.broadcast %add3A_714 : i32 to vector<16xi32>
          %add3A_716 = arith.addi %xor3A_710, %add3A_715 : vector<16xi32>
          %select_n3A_717 = arith.select %lt3A_713, %add3A_716, %xor3A_710 : vector<16xi1>, vector<16xi32>
          %broadcast_in_dim3A_718 = vector.shape_cast %select_n3A_717 : vector<16xi32> to vector<16x1xi32>
          %gather3A_719 = vector.shape_cast %broadcast_in_dim3A_718 : vector<16x1xi32> to vector<16xi32>
          %gather3A_720 = tpu.dynamic_gather %add3A_707[%gather3A_719] in [0] : vector<16xf32>, vector<16xi32> -> vector<16xf32>
          %add3A_721 = arith.addf %add3A_707, %gather3A_720 : vector<16xf32>
          %xor3A_722 = arith.constant 2 : i32
          %xor3A_723 = vector.broadcast %xor3A_722 : i32 to vector<16xi32>
          %xor3A_724 = arith.xori %iota3A, %xor3A_723 : vector<16xi32>
          %lt3A_725 = arith.constant 0 : i32
          %lt3A_726 = vector.broadcast %lt3A_725 : i32 to vector<16xi32>
          %lt3A_727 = arith.cmpi slt, %xor3A_724, %lt3A_726 : vector<16xi32>
          %add3A_728 = arith.constant 16 : i32
          %add3A_729 = vector.broadcast %add3A_728 : i32 to vector<16xi32>
          %add3A_730 = arith.addi %xor3A_724, %add3A_729 : vector<16xi32>
          %select_n3A_731 = arith.select %lt3A_727, %add3A_730, %xor3A_724 : vector<16xi1>, vector<16xi32>
          %broadcast_in_dim3A_732 = vector.shape_cast %select_n3A_731 : vector<16xi32> to vector<16x1xi32>
          %gather3A_733 = vector.shape_cast %broadcast_in_dim3A_732 : vector<16x1xi32> to vector<16xi32>
          %gather3A_734 = tpu.dynamic_gather %add3A_721[%gather3A_733] in [0] : vector<16xf32>, vector<16xi32> -> vector<16xf32>
          %add3A_735 = arith.addf %add3A_721, %gather3A_734 : vector<16xf32>
          %xor3A_736 = arith.constant 1 : i32
          %xor3A_737 = vector.broadcast %xor3A_736 : i32 to vector<16xi32>
          %xor3A_738 = arith.xori %iota3A, %xor3A_737 : vector<16xi32>
          %lt3A_739 = arith.constant 0 : i32
          %lt3A_740 = vector.broadcast %lt3A_739 : i32 to vector<16xi32>
          %lt3A_741 = arith.cmpi slt, %xor3A_738, %lt3A_740 : vector<16xi32>
          %add3A_742 = arith.constant 16 : i32
          %add3A_743 = vector.broadcast %add3A_742 : i32 to vector<16xi32>
          %add3A_744 = arith.addi %xor3A_738, %add3A_743 : vector<16xi32>
          %select_n3A_745 = arith.select %lt3A_741, %add3A_744, %xor3A_738 : vector<16xi1>, vector<16xi32>
          %broadcast_in_dim3A_746 = vector.shape_cast %select_n3A_745 : vector<16xi32> to vector<16x1xi32>
          %gather3A_747 = vector.shape_cast %broadcast_in_dim3A_746 : vector<16x1xi32> to vector<16xi32>
          %gather3A_748 = tpu.dynamic_gather %add3A_735[%gather3A_747] in [0] : vector<16xf32>, vector<16xi32> -> vector<16xf32>
          %add3A_749 = arith.addf %add3A_735, %gather3A_748 : vector<16xf32>
          %eq3A_750 = vector.broadcast %scan3A_650 : i32 to vector<16xi32>
          %eq3A_751 = arith.cmpi eq, %iota3A, %eq3A_750 : vector<16xi32>
          %select_n3A_752 = arith.select %eq3A_751, %add3A_749, %scan3A_651 : vector<16xi1>, vector<16xf32>
          scf.yield %select_n3A_752 : vector<16xf32>
        }
        %scan3A_445 = arith.constant 16 : i32
        %scan3A_446 = arith.constant 0 : i32
        %scan3A_447 = arith.constant 16 : i32
        %scan3A_448 = arith.addi %scan3A_446, %scan3A_447 : i32
        %scan3A_449 = arith.constant 1 : i32
        %scan3A_450 = scf.for %scan3A_650 = %scan3A_446 to %scan3A_448 step %scan3A_449 iter_args(%scan3A_651 = %broadcast_in_dim3A_284) -> (vector<16xf32>)  : i32 {
          %mul3A_652 = arith.constant 32 : i32
          %mul3A_653 = arith.muli %scan3A_142, %mul3A_652 : i32
          %add3A_654 = arith.constant 16 : i32
          %add3A_655 = arith.addi %mul3A_653, %add3A_654 : i32
          %add3A_656 = arith.addi %add3A_655, %scan3A_650 : i32
          %get3A_657 = arith.index_cast %add3A_656 : i32 to index
          %get3A_658 = arith.constant 0 : index
          %get3A_659 = tpu.vector_load %arg21[%get3A_657, %get3A_658] {strides = array<i32>} : memref<128x128xf32, #tpu.memory_space<vmem>>, vector<16xf32>,
          %mul3A_660 = arith.mulf %get3A_659, %get3A_151 : vector<16xf32>
          %get3A_661 = arith.index_cast %add3A_656 : i32 to index
          %get3A_662 = arith.constant 16 : index
          %get3A_663 = tpu.vector_load %arg21[%get3A_661, %get3A_662] {strides = array<i32>} : memref<128x128xf32, #tpu.memory_space<vmem>>, vector<16xf32>,
          %mul3A_664 = arith.mulf %get3A_663, %get3A_154 : vector<16xf32>
          %get3A_665 = arith.index_cast %add3A_656 : i32 to index
          %get3A_666 = arith.constant 32 : index
          %get3A_667 = tpu.vector_load %arg21[%get3A_665, %get3A_666] {strides = array<i32>} : memref<128x128xf32, #tpu.memory_space<vmem>>, vector<16xf32>,
          %mul3A_668 = arith.mulf %get3A_667, %get3A_157 : vector<16xf32>
          %get3A_669 = arith.index_cast %add3A_656 : i32 to index
          %get3A_670 = arith.constant 48 : index
          %get3A_671 = tpu.vector_load %arg21[%get3A_669, %get3A_670] {strides = array<i32>} : memref<128x128xf32, #tpu.memory_space<vmem>>, vector<16xf32>,
          %mul3A_672 = arith.mulf %get3A_671, %get3A_160 : vector<16xf32>
          %get3A_673 = arith.index_cast %add3A_656 : i32 to index
          %get3A_674 = arith.constant 64 : index
          %get3A_675 = tpu.vector_load %arg21[%get3A_673, %get3A_674] {strides = array<i32>} : memref<128x128xf32, #tpu.memory_space<vmem>>, vector<16xf32>,
          %mul3A_676 = arith.mulf %get3A_675, %get3A_163 : vector<16xf32>
          %get3A_677 = arith.index_cast %add3A_656 : i32 to index
          %get3A_678 = arith.constant 80 : index
          %get3A_679 = tpu.vector_load %arg21[%get3A_677, %get3A_678] {strides = array<i32>} : memref<128x128xf32, #tpu.memory_space<vmem>>, vector<16xf32>,
          %mul3A_680 = arith.mulf %get3A_679, %get3A_166 : vector<16xf32>
          %get3A_681 = arith.index_cast %add3A_656 : i32 to index
          %get3A_682 = arith.constant 96 : index
          %get3A_683 = tpu.vector_load %arg21[%get3A_681, %get3A_682] {strides = array<i32>} : memref<128x128xf32, #tpu.memory_space<vmem>>, vector<16xf32>,
          %mul3A_684 = arith.mulf %get3A_683, %get3A_169 : vector<16xf32>
          %get3A_685 = arith.index_cast %add3A_656 : i32 to index
          %get3A_686 = arith.constant 112 : index
          %get3A_687 = tpu.vector_load %arg21[%get3A_685, %get3A_686] {strides = array<i32>} : memref<128x128xf32, #tpu.memory_space<vmem>>, vector<16xf32>,
          %mul3A_688 = arith.mulf %get3A_687, %get3A_172 : vector<16xf32>
          %add3A_689 = arith.addf %mul3A_660, %mul3A_664 : vector<16xf32>
          %add3A_690 = arith.addf %mul3A_668, %mul3A_672 : vector<16xf32>
          %add3A_691 = arith.addf %mul3A_676, %mul3A_680 : vector<16xf32>
          %add3A_692 = arith.addf %mul3A_684, %mul3A_688 : vector<16xf32>
          %add3A_693 = arith.addf %add3A_689, %add3A_690 : vector<16xf32>
          %add3A_694 = arith.addf %add3A_691, %add3A_692 : vector<16xf32>
          %add3A_695 = arith.addf %add3A_693, %add3A_694 : vector<16xf32>
          %xor3A_696 = arith.constant 8 : i32
          %xor3A_697 = vector.broadcast %xor3A_696 : i32 to vector<16xi32>
          %xor3A_698 = arith.xori %iota3A, %xor3A_697 : vector<16xi32>
          %lt3A_699 = arith.constant 0 : i32
          %lt3A_700 = vector.broadcast %lt3A_699 : i32 to vector<16xi32>
          %lt3A_701 = arith.cmpi slt, %xor3A_698, %lt3A_700 : vector<16xi32>
          %add3A_702 = arith.constant 16 : i32
          %add3A_703 = vector.broadcast %add3A_702 : i32 to vector<16xi32>
          %add3A_704 = arith.addi %xor3A_698, %add3A_703 : vector<16xi32>
          %select_n3A_705 = arith.select %lt3A_701, %add3A_704, %xor3A_698 : vector<16xi1>, vector<16xi32>
          %broadcast_in_dim3A_706 = vector.shape_cast %select_n3A_705 : vector<16xi32> to vector<16x1xi32>
          %gather3A_707 = vector.shape_cast %broadcast_in_dim3A_706 : vector<16x1xi32> to vector<16xi32>
          %gather3A_708 = tpu.dynamic_gather %add3A_695[%gather3A_707] in [0] : vector<16xf32>, vector<16xi32> -> vector<16xf32>
          %add3A_709 = arith.addf %add3A_695, %gather3A_708 : vector<16xf32>
          %xor3A_710 = arith.constant 4 : i32
          %xor3A_711 = vector.broadcast %xor3A_710 : i32 to vector<16xi32>
          %xor3A_712 = arith.xori %iota3A, %xor3A_711 : vector<16xi32>
          %lt3A_713 = arith.constant 0 : i32
          %lt3A_714 = vector.broadcast %lt3A_713 : i32 to vector<16xi32>
          %lt3A_715 = arith.cmpi slt, %xor3A_712, %lt3A_714 : vector<16xi32>
          %add3A_716 = arith.constant 16 : i32
          %add3A_717 = vector.broadcast %add3A_716 : i32 to vector<16xi32>
          %add3A_718 = arith.addi %xor3A_712, %add3A_717 : vector<16xi32>
          %select_n3A_719 = arith.select %lt3A_715, %add3A_718, %xor3A_712 : vector<16xi1>, vector<16xi32>
          %broadcast_in_dim3A_720 = vector.shape_cast %select_n3A_719 : vector<16xi32> to vector<16x1xi32>
          %gather3A_721 = vector.shape_cast %broadcast_in_dim3A_720 : vector<16x1xi32> to vector<16xi32>
          %gather3A_722 = tpu.dynamic_gather %add3A_709[%gather3A_721] in [0] : vector<16xf32>, vector<16xi32> -> vector<16xf32>
          %add3A_723 = arith.addf %add3A_709, %gather3A_722 : vector<16xf32>
          %xor3A_724 = arith.constant 2 : i32
          %xor3A_725 = vector.broadcast %xor3A_724 : i32 to vector<16xi32>
          %xor3A_726 = arith.xori %iota3A, %xor3A_725 : vector<16xi32>
          %lt3A_727 = arith.constant 0 : i32
          %lt3A_728 = vector.broadcast %lt3A_727 : i32 to vector<16xi32>
          %lt3A_729 = arith.cmpi slt, %xor3A_726, %lt3A_728 : vector<16xi32>
          %add3A_730 = arith.constant 16 : i32
          %add3A_731 = vector.broadcast %add3A_730 : i32 to vector<16xi32>
          %add3A_732 = arith.addi %xor3A_726, %add3A_731 : vector<16xi32>
          %select_n3A_733 = arith.select %lt3A_729, %add3A_732, %xor3A_726 : vector<16xi1>, vector<16xi32>
          %broadcast_in_dim3A_734 = vector.shape_cast %select_n3A_733 : vector<16xi32> to vector<16x1xi32>
          %gather3A_735 = vector.shape_cast %broadcast_in_dim3A_734 : vector<16x1xi32> to vector<16xi32>
          %gather3A_736 = tpu.dynamic_gather %add3A_723[%gather3A_735] in [0] : vector<16xf32>, vector<16xi32> -> vector<16xf32>
          %add3A_737 = arith.addf %add3A_723, %gather3A_736 : vector<16xf32>
          %xor3A_738 = arith.constant 1 : i32
          %xor3A_739 = vector.broadcast %xor3A_738 : i32 to vector<16xi32>
          %xor3A_740 = arith.xori %iota3A, %xor3A_739 : vector<16xi32>
          %lt3A_741 = arith.constant 0 : i32
          %lt3A_742 = vector.broadcast %lt3A_741 : i32 to vector<16xi32>
          %lt3A_743 = arith.cmpi slt, %xor3A_740, %lt3A_742 : vector<16xi32>
          %add3A_744 = arith.constant 16 : i32
          %add3A_745 = vector.broadcast %add3A_744 : i32 to vector<16xi32>
          %add3A_746 = arith.addi %xor3A_740, %add3A_745 : vector<16xi32>
          %select_n3A_747 = arith.select %lt3A_743, %add3A_746, %xor3A_740 : vector<16xi1>, vector<16xi32>
          %broadcast_in_dim3A_748 = vector.shape_cast %select_n3A_747 : vector<16xi32> to vector<16x1xi32>
          %gather3A_749 = vector.shape_cast %broadcast_in_dim3A_748 : vector<16x1xi32> to vector<16xi32>
          %gather3A_750 = tpu.dynamic_gather %add3A_737[%gather3A_749] in [0] : vector<16xf32>, vector<16xi32> -> vector<16xf32>
          %add3A_751 = arith.addf %add3A_737, %gather3A_750 : vector<16xf32>
          %eq3A_752 = vector.broadcast %scan3A_650 : i32 to vector<16xi32>
          %eq3A_753 = arith.cmpi eq, %iota3A, %eq3A_752 : vector<16xi32>
          %select_n3A_754 = arith.select %eq3A_753, %add3A_751, %scan3A_651 : vector<16xi1>, vector<16xf32>
          scf.yield %select_n3A_754 : vector<16xf32>
        }
        %scan3A_451 = arith.constant 16 : i32
        %mul3A_452 = arith.mulf %scan3A_444, %div3A_282 : vector<16xf32>
        %mul3A_453 = arith.mulf %scan3A_450, %div3A_282 : vector<16xf32>
        %max3A_454 = arith.maximumf %mul3A_452, %mul3A_453 : vector<16xf32>
        %xor3A_455 = arith.constant 8 : i32
        %xor3A_456 = vector.broadcast %xor3A_455 : i32 to vector<16xi32>
        %xor3A_457 = arith.xori %iota3A, %xor3A_456 : vector<16xi32>
        %lt3A_458 = arith.constant 0 : i32
        %lt3A_459 = vector.broadcast %lt3A_458 : i32 to vector<16xi32>
        %lt3A_460 = arith.cmpi slt, %xor3A_457, %lt3A_459 : vector<16xi32>
        %add3A_461 = arith.constant 16 : i32
        %add3A_462 = vector.broadcast %add3A_461 : i32 to vector<16xi32>
        %add3A_463 = arith.addi %xor3A_457, %add3A_462 : vector<16xi32>
        %select_n3A_464 = arith.select %lt3A_460, %add3A_463, %xor3A_457 : vector<16xi1>, vector<16xi32>
        %broadcast_in_dim3A_465 = vector.shape_cast %select_n3A_464 : vector<16xi32> to vector<16x1xi32>
        %gather3A_466 = vector.shape_cast %broadcast_in_dim3A_465 : vector<16x1xi32> to vector<16xi32>
        %gather3A_467 = tpu.dynamic_gather %max3A_454[%gather3A_466] in [0] : vector<16xf32>, vector<16xi32> -> vector<16xf32>
        %max3A_468 = arith.maximumf %max3A_454, %gather3A_467 : vector<16xf32>
        %xor3A_469 = arith.constant 4 : i32
        %xor3A_470 = vector.broadcast %xor3A_469 : i32 to vector<16xi32>
        %xor3A_471 = arith.xori %iota3A, %xor3A_470 : vector<16xi32>
        %lt3A_472 = arith.constant 0 : i32
        %lt3A_473 = vector.broadcast %lt3A_472 : i32 to vector<16xi32>
        %lt3A_474 = arith.cmpi slt, %xor3A_471, %lt3A_473 : vector<16xi32>
        %add3A_475 = arith.constant 16 : i32
        %add3A_476 = vector.broadcast %add3A_475 : i32 to vector<16xi32>
        %add3A_477 = arith.addi %xor3A_471, %add3A_476 : vector<16xi32>
        %select_n3A_478 = arith.select %lt3A_474, %add3A_477, %xor3A_471 : vector<16xi1>, vector<16xi32>
        %broadcast_in_dim3A_479 = vector.shape_cast %select_n3A_478 : vector<16xi32> to vector<16x1xi32>
        %gather3A_480 = vector.shape_cast %broadcast_in_dim3A_479 : vector<16x1xi32> to vector<16xi32>
        %gather3A_481 = tpu.dynamic_gather %max3A_468[%gather3A_480] in [0] : vector<16xf32>, vector<16xi32> -> vector<16xf32>
        %max3A_482 = arith.maximumf %max3A_468, %gather3A_481 : vector<16xf32>
        %xor3A_483 = arith.constant 2 : i32
        %xor3A_484 = vector.broadcast %xor3A_483 : i32 to vector<16xi32>
        %xor3A_485 = arith.xori %iota3A, %xor3A_484 : vector<16xi32>
        %lt3A_486 = arith.constant 0 : i32
        %lt3A_487 = vector.broadcast %lt3A_486 : i32 to vector<16xi32>
        %lt3A_488 = arith.cmpi slt, %xor3A_485, %lt3A_487 : vector<16xi32>
        %add3A_489 = arith.constant 16 : i32
        %add3A_490 = vector.broadcast %add3A_489 : i32 to vector<16xi32>
        %add3A_491 = arith.addi %xor3A_485, %add3A_490 : vector<16xi32>
        %select_n3A_492 = arith.select %lt3A_488, %add3A_491, %xor3A_485 : vector<16xi1>, vector<16xi32>
        %broadcast_in_dim3A_493 = vector.shape_cast %select_n3A_492 : vector<16xi32> to vector<16x1xi32>
        %gather3A_494 = vector.shape_cast %broadcast_in_dim3A_493 : vector<16x1xi32> to vector<16xi32>
        %gather3A_495 = tpu.dynamic_gather %max3A_482[%gather3A_494] in [0] : vector<16xf32>, vector<16xi32> -> vector<16xf32>
        %max3A_496 = arith.maximumf %max3A_482, %gather3A_495 : vector<16xf32>
        %xor3A_497 = arith.constant 1 : i32
        %xor3A_498 = vector.broadcast %xor3A_497 : i32 to vector<16xi32>
        %xor3A_499 = arith.xori %iota3A, %xor3A_498 : vector<16xi32>
        %lt3A_500 = arith.constant 0 : i32
        %lt3A_501 = vector.broadcast %lt3A_500 : i32 to vector<16xi32>
        %lt3A_502 = arith.cmpi slt, %xor3A_499, %lt3A_501 : vector<16xi32>
        %add3A_503 = arith.constant 16 : i32
        %add3A_504 = vector.broadcast %add3A_503 : i32 to vector<16xi32>
        %add3A_505 = arith.addi %xor3A_499, %add3A_504 : vector<16xi32>
        %select_n3A_506 = arith.select %lt3A_502, %add3A_505, %xor3A_499 : vector<16xi1>, vector<16xi32>
        %broadcast_in_dim3A_507 = vector.shape_cast %select_n3A_506 : vector<16xi32> to vector<16x1xi32>
        %gather3A_508 = vector.shape_cast %broadcast_in_dim3A_507 : vector<16x1xi32> to vector<16xi32>
        %gather3A_509 = tpu.dynamic_gather %max3A_496[%gather3A_508] in [0] : vector<16xf32>, vector<16xi32> -> vector<16xf32>
        %max3A_510 = arith.maximumf %max3A_496, %gather3A_509 : vector<16xf32>
        %sub3A_511 = arith.subf %mul3A_452, %max3A_510 : vector<16xf32>
        %mul3A_512 = arith.constant 0.0883883461 : f32
        %mul3A_513 = vector.broadcast %mul3A_512 : f32 to vector<16xf32>
        %mul3A_514 = arith.mulf %sub3A_511, %mul3A_513 : vector<16xf32>
        %exp3A_515 = math.exp %mul3A_514 : vector<16xf32>
        %sub3A_516 = arith.subf %mul3A_453, %max3A_510 : vector<16xf32>
        %mul3A_517 = arith.constant 0.0883883461 : f32
        %mul3A_518 = vector.broadcast %mul3A_517 : f32 to vector<16xf32>
        %mul3A_519 = arith.mulf %sub3A_516, %mul3A_518 : vector<16xf32>
        %exp3A_520 = math.exp %mul3A_519 : vector<16xf32>
        %add3A_521 = arith.addf %exp3A_515, %exp3A_520 : vector<16xf32>
        %xor3A_522 = arith.constant 8 : i32
        %xor3A_523 = vector.broadcast %xor3A_522 : i32 to vector<16xi32>
        %xor3A_524 = arith.xori %iota3A, %xor3A_523 : vector<16xi32>
        %lt3A_525 = arith.constant 0 : i32
        %lt3A_526 = vector.broadcast %lt3A_525 : i32 to vector<16xi32>
        %lt3A_527 = arith.cmpi slt, %xor3A_524, %lt3A_526 : vector<16xi32>
        %add3A_528 = arith.constant 16 : i32
        %add3A_529 = vector.broadcast %add3A_528 : i32 to vector<16xi32>
        %add3A_530 = arith.addi %xor3A_524, %add3A_529 : vector<16xi32>
        %select_n3A_531 = arith.select %lt3A_527, %add3A_530, %xor3A_524 : vector<16xi1>, vector<16xi32>
        %broadcast_in_dim3A_532 = vector.shape_cast %select_n3A_531 : vector<16xi32> to vector<16x1xi32>
        %gather3A_533 = vector.shape_cast %broadcast_in_dim3A_532 : vector<16x1xi32> to vector<16xi32>
        %gather3A_534 = tpu.dynamic_gather %add3A_521[%gather3A_533] in [0] : vector<16xf32>, vector<16xi32> -> vector<16xf32>
        %add3A_535 = arith.addf %add3A_521, %gather3A_534 : vector<16xf32>
        %xor3A_536 = arith.constant 4 : i32
        %xor3A_537 = vector.broadcast %xor3A_536 : i32 to vector<16xi32>
        %xor3A_538 = arith.xori %iota3A, %xor3A_537 : vector<16xi32>
        %lt3A_539 = arith.constant 0 : i32
        %lt3A_540 = vector.broadcast %lt3A_539 : i32 to vector<16xi32>
        %lt3A_541 = arith.cmpi slt, %xor3A_538, %lt3A_540 : vector<16xi32>
        %add3A_542 = arith.constant 16 : i32
        %add3A_543 = vector.broadcast %add3A_542 : i32 to vector<16xi32>
        %add3A_544 = arith.addi %xor3A_538, %add3A_543 : vector<16xi32>
        %select_n3A_545 = arith.select %lt3A_541, %add3A_544, %xor3A_538 : vector<16xi1>, vector<16xi32>
        %broadcast_in_dim3A_546 = vector.shape_cast %select_n3A_545 : vector<16xi32> to vector<16x1xi32>
        %gather3A_547 = vector.shape_cast %broadcast_in_dim3A_546 : vector<16x1xi32> to vector<16xi32>
        %gather3A_548 = tpu.dynamic_gather %add3A_535[%gather3A_547] in [0] : vector<16xf32>, vector<16xi32> -> vector<16xf32>
        %add3A_549 = arith.addf %add3A_535, %gather3A_548 : vector<16xf32>
        %xor3A_550 = arith.constant 2 : i32
        %xor3A_551 = vector.broadcast %xor3A_550 : i32 to vector<16xi32>
        %xor3A_552 = arith.xori %iota3A, %xor3A_551 : vector<16xi32>
        %lt3A_553 = arith.constant 0 : i32
        %lt3A_554 = vector.broadcast %lt3A_553 : i32 to vector<16xi32>
        %lt3A_555 = arith.cmpi slt, %xor3A_552, %lt3A_554 : vector<16xi32>
        %add3A_556 = arith.constant 16 : i32
        %add3A_557 = vector.broadcast %add3A_556 : i32 to vector<16xi32>
        %add3A_558 = arith.addi %xor3A_552, %add3A_557 : vector<16xi32>
        %select_n3A_559 = arith.select %lt3A_555, %add3A_558, %xor3A_552 : vector<16xi1>, vector<16xi32>
        %broadcast_in_dim3A_560 = vector.shape_cast %select_n3A_559 : vector<16xi32> to vector<16x1xi32>
        %gather3A_561 = vector.shape_cast %broadcast_in_dim3A_560 : vector<16x1xi32> to vector<16xi32>
        %gather3A_562 = tpu.dynamic_gather %add3A_549[%gather3A_561] in [0] : vector<16xf32>, vector<16xi32> -> vector<16xf32>
        %add3A_563 = arith.addf %add3A_549, %gather3A_562 : vector<16xf32>
        %xor3A_564 = arith.constant 1 : i32
        %xor3A_565 = vector.broadcast %xor3A_564 : i32 to vector<16xi32>
        %xor3A_566 = arith.xori %iota3A, %xor3A_565 : vector<16xi32>
        %lt3A_567 = arith.constant 0 : i32
        %lt3A_568 = vector.broadcast %lt3A_567 : i32 to vector<16xi32>
        %lt3A_569 = arith.cmpi slt, %xor3A_566, %lt3A_568 : vector<16xi32>
        %add3A_570 = arith.constant 16 : i32
        %add3A_571 = vector.broadcast %add3A_570 : i32 to vector<16xi32>
        %add3A_572 = arith.addi %xor3A_566, %add3A_571 : vector<16xi32>
        %select_n3A_573 = arith.select %lt3A_569, %add3A_572, %xor3A_566 : vector<16xi1>, vector<16xi32>
        %broadcast_in_dim3A_574 = vector.shape_cast %select_n3A_573 : vector<16xi32> to vector<16x1xi32>
        %gather3A_575 = vector.shape_cast %broadcast_in_dim3A_574 : vector<16x1xi32> to vector<16xi32>
        %gather3A_576 = tpu.dynamic_gather %add3A_563[%gather3A_575] in [0] : vector<16xf32>, vector<16xi32> -> vector<16xf32>
        %add3A_577 = arith.addf %add3A_563, %gather3A_576 : vector<16xf32>
        %div3A_578 = arith.divf %exp3A_515, %add3A_577 : vector<16xf32>
        %div3A_579 = arith.divf %exp3A_520, %add3A_577 : vector<16xf32>
        %scan3A_580 = arith.constant 0 : i32
        %scan3A_581 = arith.constant 16 : i32
        %scan3A_582 = arith.addi %scan3A_580, %scan3A_581 : i32
        %scan3A_583 = arith.constant 1 : i32
        %scan3A_584:8 = scf.for %scan3A_650 = %scan3A_580 to %scan3A_582 step %scan3A_583 iter_args(%scan3A_651 = %broadcast_in_dim3A_284, %scan3A_652 = %broadcast_in_dim3A_284, %scan3A_653 = %broadcast_in_dim3A_284, %scan3A_654 = %broadcast_in_dim3A_284, %scan3A_655 = %broadcast_in_dim3A_284, %scan3A_656 = %broadcast_in_dim3A_284, %scan3A_657 = %broadcast_in_dim3A_284, %scan3A_658 = %broadcast_in_dim3A_284) -> (vector<16xf32>, vector<16xf32>, vector<16xf32>, vector<16xf32>, vector<16xf32>, vector<16xf32>, vector<16xf32>, vector<16xf32>)  : i32 {
          %broadcast_in_dim3A_659 = arith.constant 0 : i32
          %broadcast_in_dim3A_660 = vector.broadcast %broadcast_in_dim3A_659 : i32 to vector<16xi32>
          %add3A_661 = vector.broadcast %scan3A_650 : i32 to vector<16xi32>
          %add3A_662 = arith.addi %broadcast_in_dim3A_660, %add3A_661 : vector<16xi32>
          %lt3A_663 = arith.constant 0 : i32
          %lt3A_664 = vector.broadcast %lt3A_663 : i32 to vector<16xi32>
          %lt3A_665 = arith.cmpi slt, %add3A_662, %lt3A_664 : vector<16xi32>
          %add3A_666 = arith.constant 16 : i32
          %add3A_667 = vector.broadcast %add3A_666 : i32 to vector<16xi32>
          %add3A_668 = arith.addi %add3A_662, %add3A_667 : vector<16xi32>
          %select_n3A_669 = arith.select %lt3A_665, %add3A_668, %add3A_662 : vector<16xi1>, vector<16xi32>
          %broadcast_in_dim3A_670 = vector.shape_cast %select_n3A_669 : vector<16xi32> to vector<16x1xi32>
          %gather3A_671 = vector.shape_cast %broadcast_in_dim3A_670 : vector<16x1xi32> to vector<16xi32>
          %gather3A_672 = tpu.dynamic_gather %div3A_578[%gather3A_671] in [0] : vector<16xf32>, vector<16xi32> -> vector<16xf32>
          %mul3A_673 = arith.constant 32 : i32
          %mul3A_674 = arith.muli %scan3A_142, %mul3A_673 : i32
          %add3A_675 = arith.addi %mul3A_674, %scan3A_650 : i32
          %get3A_676 = arith.index_cast %add3A_675 : i32 to index
          %get3A_677 = arith.constant 0 : index
          %get3A_678 = tpu.vector_load %arg22[%get3A_676, %get3A_677] {strides = array<i32>} : memref<128x128xf32, #tpu.memory_space<vmem>>, vector<16xf32>,
          %mul3A_679 = arith.mulf %gather3A_672, %get3A_678 : vector<16xf32>
          %add3A_680 = arith.addf %scan3A_651, %mul3A_679 : vector<16xf32>
          %get3A_681 = arith.index_cast %add3A_675 : i32 to index
          %get3A_682 = arith.constant 16 : index
          %get3A_683 = tpu.vector_load %arg22[%get3A_681, %get3A_682] {strides = array<i32>} : memref<128x128xf32, #tpu.memory_space<vmem>>, vector<16xf32>,
          %mul3A_684 = arith.mulf %gather3A_672, %get3A_683 : vector<16xf32>
          %add3A_685 = arith.addf %scan3A_652, %mul3A_684 : vector<16xf32>
          %get3A_686 = arith.index_cast %add3A_675 : i32 to index
          %get3A_687 = arith.constant 32 : index
          %get3A_688 = tpu.vector_load %arg22[%get3A_686, %get3A_687] {strides = array<i32>} : memref<128x128xf32, #tpu.memory_space<vmem>>, vector<16xf32>,
          %mul3A_689 = arith.mulf %gather3A_672, %get3A_688 : vector<16xf32>
          %add3A_690 = arith.addf %scan3A_653, %mul3A_689 : vector<16xf32>
          %get3A_691 = arith.index_cast %add3A_675 : i32 to index
          %get3A_692 = arith.constant 48 : index
          %get3A_693 = tpu.vector_load %arg22[%get3A_691, %get3A_692] {strides = array<i32>} : memref<128x128xf32, #tpu.memory_space<vmem>>, vector<16xf32>,
          %mul3A_694 = arith.mulf %gather3A_672, %get3A_693 : vector<16xf32>
          %add3A_695 = arith.addf %scan3A_654, %mul3A_694 : vector<16xf32>
          %get3A_696 = arith.index_cast %add3A_675 : i32 to index
          %get3A_697 = arith.constant 64 : index
          %get3A_698 = tpu.vector_load %arg22[%get3A_696, %get3A_697] {strides = array<i32>} : memref<128x128xf32, #tpu.memory_space<vmem>>, vector<16xf32>,
          %mul3A_699 = arith.mulf %gather3A_672, %get3A_698 : vector<16xf32>
          %add3A_700 = arith.addf %scan3A_655, %mul3A_699 : vector<16xf32>
          %get3A_701 = arith.index_cast %add3A_675 : i32 to index
          %get3A_702 = arith.constant 80 : index
          %get3A_703 = tpu.vector_load %arg22[%get3A_701, %get3A_702] {strides = array<i32>} : memref<128x128xf32, #tpu.memory_space<vmem>>, vector<16xf32>,
          %mul3A_704 = arith.mulf %gather3A_672, %get3A_703 : vector<16xf32>
          %add3A_705 = arith.addf %scan3A_656, %mul3A_704 : vector<16xf32>
          %get3A_706 = arith.index_cast %add3A_675 : i32 to index
          %get3A_707 = arith.constant 96 : index
          %get3A_708 = tpu.vector_load %arg22[%get3A_706, %get3A_707] {strides = array<i32>} : memref<128x128xf32, #tpu.memory_space<vmem>>, vector<16xf32>,
          %mul3A_709 = arith.mulf %gather3A_672, %get3A_708 : vector<16xf32>
          %add3A_710 = arith.addf %scan3A_657, %mul3A_709 : vector<16xf32>
          %get3A_711 = arith.index_cast %add3A_675 : i32 to index
          %get3A_712 = arith.constant 112 : index
          %get3A_713 = tpu.vector_load %arg22[%get3A_711, %get3A_712] {strides = array<i32>} : memref<128x128xf32, #tpu.memory_space<vmem>>, vector<16xf32>,
          %mul3A_714 = arith.mulf %gather3A_672, %get3A_713 : vector<16xf32>
          %add3A_715 = arith.addf %scan3A_658, %mul3A_714 : vector<16xf32>
          scf.yield %add3A_680, %add3A_685, %add3A_690, %add3A_695, %add3A_700, %add3A_705, %add3A_710, %add3A_715 : vector<16xf32>, vector<16xf32>, vector<16xf32>, vector<16xf32>, vector<16xf32>, vector<16xf32>, vector<16xf32>, vector<16xf32>
        }
        %scan3A_585 = arith.constant 16 : i32
        %scan3A_586 = arith.constant 0 : i32
        %scan3A_587 = arith.constant 16 : i32
        %scan3A_588 = arith.addi %scan3A_586, %scan3A_587 : i32
        %scan3A_589 = arith.constant 1 : i32
        %scan3A_590:8 = scf.for %scan3A_650 = %scan3A_586 to %scan3A_588 step %scan3A_589 iter_args(%scan3A_651 = %scan3A_584#0, %scan3A_652 = %scan3A_584#1, %scan3A_653 = %scan3A_584#2, %scan3A_654 = %scan3A_584#3, %scan3A_655 = %scan3A_584#4, %scan3A_656 = %scan3A_584#5, %scan3A_657 = %scan3A_584#6, %scan3A_658 = %scan3A_584#7) -> (vector<16xf32>, vector<16xf32>, vector<16xf32>, vector<16xf32>, vector<16xf32>, vector<16xf32>, vector<16xf32>, vector<16xf32>)  : i32 {
          %broadcast_in_dim3A_659 = arith.constant 0 : i32
          %broadcast_in_dim3A_660 = vector.broadcast %broadcast_in_dim3A_659 : i32 to vector<16xi32>
          %add3A_661 = vector.broadcast %scan3A_650 : i32 to vector<16xi32>
          %add3A_662 = arith.addi %broadcast_in_dim3A_660, %add3A_661 : vector<16xi32>
          %lt3A_663 = arith.constant 0 : i32
          %lt3A_664 = vector.broadcast %lt3A_663 : i32 to vector<16xi32>
          %lt3A_665 = arith.cmpi slt, %add3A_662, %lt3A_664 : vector<16xi32>
          %add3A_666 = arith.constant 16 : i32
          %add3A_667 = vector.broadcast %add3A_666 : i32 to vector<16xi32>
          %add3A_668 = arith.addi %add3A_662, %add3A_667 : vector<16xi32>
          %select_n3A_669 = arith.select %lt3A_665, %add3A_668, %add3A_662 : vector<16xi1>, vector<16xi32>
          %broadcast_in_dim3A_670 = vector.shape_cast %select_n3A_669 : vector<16xi32> to vector<16x1xi32>
          %gather3A_671 = vector.shape_cast %broadcast_in_dim3A_670 : vector<16x1xi32> to vector<16xi32>
          %gather3A_672 = tpu.dynamic_gather %div3A_579[%gather3A_671] in [0] : vector<16xf32>, vector<16xi32> -> vector<16xf32>
          %mul3A_673 = arith.constant 32 : i32
          %mul3A_674 = arith.muli %scan3A_142, %mul3A_673 : i32
          %add3A_675 = arith.constant 16 : i32
          %add3A_676 = arith.addi %mul3A_674, %add3A_675 : i32
          %add3A_677 = arith.addi %add3A_676, %scan3A_650 : i32
          %get3A_678 = arith.index_cast %add3A_677 : i32 to index
          %get3A_679 = arith.constant 0 : index
          %get3A_680 = tpu.vector_load %arg22[%get3A_678, %get3A_679] {strides = array<i32>} : memref<128x128xf32, #tpu.memory_space<vmem>>, vector<16xf32>,
          %mul3A_681 = arith.mulf %gather3A_672, %get3A_680 : vector<16xf32>
          %add3A_682 = arith.addf %scan3A_651, %mul3A_681 : vector<16xf32>
          %get3A_683 = arith.index_cast %add3A_677 : i32 to index
          %get3A_684 = arith.constant 16 : index
          %get3A_685 = tpu.vector_load %arg22[%get3A_683, %get3A_684] {strides = array<i32>} : memref<128x128xf32, #tpu.memory_space<vmem>>, vector<16xf32>,
          %mul3A_686 = arith.mulf %gather3A_672, %get3A_685 : vector<16xf32>
          %add3A_687 = arith.addf %scan3A_652, %mul3A_686 : vector<16xf32>
          %get3A_688 = arith.index_cast %add3A_677 : i32 to index
          %get3A_689 = arith.constant 32 : index
          %get3A_690 = tpu.vector_load %arg22[%get3A_688, %get3A_689] {strides = array<i32>} : memref<128x128xf32, #tpu.memory_space<vmem>>, vector<16xf32>,
          %mul3A_691 = arith.mulf %gather3A_672, %get3A_690 : vector<16xf32>
          %add3A_692 = arith.addf %scan3A_653, %mul3A_691 : vector<16xf32>
          %get3A_693 = arith.index_cast %add3A_677 : i32 to index
          %get3A_694 = arith.constant 48 : index
          %get3A_695 = tpu.vector_load %arg22[%get3A_693, %get3A_694] {strides = array<i32>} : memref<128x128xf32, #tpu.memory_space<vmem>>, vector<16xf32>,
          %mul3A_696 = arith.mulf %gather3A_672, %get3A_695 : vector<16xf32>
          %add3A_697 = arith.addf %scan3A_654, %mul3A_696 : vector<16xf32>
          %get3A_698 = arith.index_cast %add3A_677 : i32 to index
          %get3A_699 = arith.constant 64 : index
          %get3A_700 = tpu.vector_load %arg22[%get3A_698, %get3A_699] {strides = array<i32>} : memref<128x128xf32, #tpu.memory_space<vmem>>, vector<16xf32>,
          %mul3A_701 = arith.mulf %gather3A_672, %get3A_700 : vector<16xf32>
          %add3A_702 = arith.addf %scan3A_655, %mul3A_701 : vector<16xf32>
          %get3A_703 = arith.index_cast %add3A_677 : i32 to index
          %get3A_704 = arith.constant 80 : index
          %get3A_705 = tpu.vector_load %arg22[%get3A_703, %get3A_704] {strides = array<i32>} : memref<128x128xf32, #tpu.memory_space<vmem>>, vector<16xf32>,
          %mul3A_706 = arith.mulf %gather3A_672, %get3A_705 : vector<16xf32>
          %add3A_707 = arith.addf %scan3A_656, %mul3A_706 : vector<16xf32>
          %get3A_708 = arith.index_cast %add3A_677 : i32 to index
          %get3A_709 = arith.constant 96 : index
          %get3A_710 = tpu.vector_load %arg22[%get3A_708, %get3A_709] {strides = array<i32>} : memref<128x128xf32, #tpu.memory_space<vmem>>, vector<16xf32>,
          %mul3A_711 = arith.mulf %gather3A_672, %get3A_710 : vector<16xf32>
          %add3A_712 = arith.addf %scan3A_657, %mul3A_711 : vector<16xf32>
          %get3A_713 = arith.index_cast %add3A_677 : i32 to index
          %get3A_714 = arith.constant 112 : index
          %get3A_715 = tpu.vector_load %arg22[%get3A_713, %get3A_714] {strides = array<i32>} : memref<128x128xf32, #tpu.memory_space<vmem>>, vector<16xf32>,
          %mul3A_716 = arith.mulf %gather3A_672, %get3A_715 : vector<16xf32>
          %add3A_717 = arith.addf %scan3A_658, %mul3A_716 : vector<16xf32>
          scf.yield %add3A_682, %add3A_687, %add3A_692, %add3A_697, %add3A_702, %add3A_707, %add3A_712, %add3A_717 : vector<16xf32>, vector<16xf32>, vector<16xf32>, vector<16xf32>, vector<16xf32>, vector<16xf32>, vector<16xf32>, vector<16xf32>
        }
        %scan3A_591 = arith.constant 16 : i32
        %swap3A_592 = arith.index_cast %add3A_149 : i32 to index
        %swap3A_593 = arith.constant 0 : index
        %swap3A_594 = tpu.vector_load %arg25[%swap3A_592, %swap3A_593] {strides = array<i32>} : memref<64x128xf32, #tpu.memory_space<vmem>>, vector<16xf32>,
        tpu.vector_store %arg25[%swap3A_592, %swap3A_593], %scan3A_590#0 {strides = array<i32>} : memref<64x128xf32, #tpu.memory_space<vmem>>, vector<16xf32>,
        %swap3A_595 = arith.index_cast %add3A_149 : i32 to index
        %swap3A_596 = arith.constant 16 : index
        %swap3A_597 = tpu.vector_load %arg25[%swap3A_595, %swap3A_596] {strides = array<i32>} : memref<64x128xf32, #tpu.memory_space<vmem>>, vector<16xf32>,
        tpu.vector_store %arg25[%swap3A_595, %swap3A_596], %scan3A_590#1 {strides = array<i32>} : memref<64x128xf32, #tpu.memory_space<vmem>>, vector<16xf32>,
        %swap3A_598 = arith.index_cast %add3A_149 : i32 to index
        %swap3A_599 = arith.constant 32 : index
        %swap3A_600 = tpu.vector_load %arg25[%swap3A_598, %swap3A_599] {strides = array<i32>} : memref<64x128xf32, #tpu.memory_space<vmem>>, vector<16xf32>,
        tpu.vector_store %arg25[%swap3A_598, %swap3A_599], %scan3A_590#2 {strides = array<i32>} : memref<64x128xf32, #tpu.memory_space<vmem>>, vector<16xf32>,
        %swap3A_601 = arith.index_cast %add3A_149 : i32 to index
        %swap3A_602 = arith.constant 48 : index
        %swap3A_603 = tpu.vector_load %arg25[%swap3A_601, %swap3A_602] {strides = array<i32>} : memref<64x128xf32, #tpu.memory_space<vmem>>, vector<16xf32>,
        tpu.vector_store %arg25[%swap3A_601, %swap3A_602], %scan3A_590#3 {strides = array<i32>} : memref<64x128xf32, #tpu.memory_space<vmem>>, vector<16xf32>,
        %swap3A_604 = arith.index_cast %add3A_149 : i32 to index
        %swap3A_605 = arith.constant 64 : index
        %swap3A_606 = tpu.vector_load %arg25[%swap3A_604, %swap3A_605] {strides = array<i32>} : memref<64x128xf32, #tpu.memory_space<vmem>>, vector<16xf32>,
        tpu.vector_store %arg25[%swap3A_604, %swap3A_605], %scan3A_590#4 {strides = array<i32>} : memref<64x128xf32, #tpu.memory_space<vmem>>, vector<16xf32>,
        %swap3A_607 = arith.index_cast %add3A_149 : i32 to index
        %swap3A_608 = arith.constant 80 : index
        %swap3A_609 = tpu.vector_load %arg25[%swap3A_607, %swap3A_608] {strides = array<i32>} : memref<64x128xf32, #tpu.memory_space<vmem>>, vector<16xf32>,
        tpu.vector_store %arg25[%swap3A_607, %swap3A_608], %scan3A_590#5 {strides = array<i32>} : memref<64x128xf32, #tpu.memory_space<vmem>>, vector<16xf32>,
        %swap3A_610 = arith.index_cast %add3A_149 : i32 to index
        %swap3A_611 = arith.constant 96 : index
        %swap3A_612 = tpu.vector_load %arg25[%swap3A_610, %swap3A_611] {strides = array<i32>} : memref<64x128xf32, #tpu.memory_space<vmem>>, vector<16xf32>,
        tpu.vector_store %arg25[%swap3A_610, %swap3A_611], %scan3A_590#6 {strides = array<i32>} : memref<64x128xf32, #tpu.memory_space<vmem>>, vector<16xf32>,
        %swap3A_613 = arith.index_cast %add3A_149 : i32 to index
        %swap3A_614 = arith.constant 112 : index
        %swap3A_615 = tpu.vector_load %arg25[%swap3A_613, %swap3A_614] {strides = array<i32>} : memref<64x128xf32, #tpu.memory_space<vmem>>, vector<16xf32>,
        tpu.vector_store %arg25[%swap3A_613, %swap3A_614], %scan3A_590#7 {strides = array<i32>} : memref<64x128xf32, #tpu.memory_space<vmem>>, vector<16xf32>,
        %add3A_616 = arith.addf %max3A_348, %max3A_510 : vector<16xf32>
        %mul3A_617 = arith.constant 5.000000e-01 : f32
        %mul3A_618 = vector.broadcast %mul3A_617 : f32 to vector<16xf32>
        %mul3A_619 = arith.mulf %add3A_616, %mul3A_618 : vector<16xf32>
        %and3A = arith.constant 15 : i32
        %and3A_620 = arith.andi %add3A_149, %and3A : i32
        %shift_right_arithmetic3A_621 = arith.constant 4 : i32
        %shift_right_arithmetic3A_622 = arith.shrsi %add3A_149, %shift_right_arithmetic3A_621 : i32
        %eq3A = vector.broadcast %and3A_620 : i32 to vector<16xi32>
        %eq3A_623 = arith.cmpi eq, %iota3A, %eq3A : vector<16xi32>
        %eq3A_624 = arith.constant 0 : i32
        %eq3A_625 = arith.cmpi eq, %shift_right_arithmetic3A_622, %eq3A_624 : i32
        %and3A_626 = vector.broadcast %eq3A_625 : i1 to vector<16xi1>
        %and3A_627 = arith.andi %eq3A_623, %and3A_626 : vector<16xi1>
        %select_n3A_628 = arith.select %and3A_627, %mul3A_619, %scan3A_143 : vector<16xi1>, vector<16xf32>
        %eq3A_629 = vector.broadcast %and3A_620 : i32 to vector<16xi32>
        %eq3A_630 = arith.cmpi eq, %iota3A, %eq3A_629 : vector<16xi32>
        %eq3A_631 = arith.constant 1 : i32
        %eq3A_632 = arith.cmpi eq, %shift_right_arithmetic3A_622, %eq3A_631 : i32
        %and3A_633 = vector.broadcast %eq3A_632 : i1 to vector<16xi1>
        %and3A_634 = arith.andi %eq3A_630, %and3A_633 : vector<16xi1>
        %select_n3A_635 = arith.select %and3A_634, %mul3A_619, %scan3A_144 : vector<16xi1>, vector<16xf32>
        %eq3A_636 = vector.broadcast %and3A_620 : i32 to vector<16xi32>
        %eq3A_637 = arith.cmpi eq, %iota3A, %eq3A_636 : vector<16xi32>
        %eq3A_638 = arith.constant 2 : i32
        %eq3A_639 = arith.cmpi eq, %shift_right_arithmetic3A_622, %eq3A_638 : i32
        %and3A_640 = vector.broadcast %eq3A_639 : i1 to vector<16xi1>
        %and3A_641 = arith.andi %eq3A_637, %and3A_640 : vector<16xi1>
        %select_n3A_642 = arith.select %and3A_641, %mul3A_619, %scan3A_145 : vector<16xi1>, vector<16xf32>
        %eq3A_643 = vector.broadcast %and3A_620 : i32 to vector<16xi32>
        %eq3A_644 = arith.cmpi eq, %iota3A, %eq3A_643 : vector<16xi32>
        %eq3A_645 = arith.constant 3 : i32
        %eq3A_646 = arith.cmpi eq, %shift_right_arithmetic3A_622, %eq3A_645 : i32
        %and3A_647 = vector.broadcast %eq3A_646 : i1 to vector<16xi1>
        %and3A_648 = arith.andi %eq3A_644, %and3A_647 : vector<16xi1>
        %select_n3A_649 = arith.select %and3A_648, %mul3A_619, %scan3A_146 : vector<16xi1>, vector<16xf32>
        scf.yield %select_n3A_628, %select_n3A_635, %select_n3A_642, %select_n3A_649 : vector<16xf32>, vector<16xf32>, vector<16xf32>, vector<16xf32>
      }
      %scan3A_141 = arith.constant 4 : i32
      scf.yield %scan3A_140#0, %scan3A_140#1, %scan3A_140#2, %scan3A_140#3 : vector<16xf32>, vector<16xf32>, vector<16xf32>, vector<16xf32>
    }
    %scan3A_53 = arith.constant 8 : i32
    %swap3A = arith.constant 0 : index
    %swap3A_54 = tpu.vector_load %arg26[%swap3A] {strides = array<i32>} : memref<64xf32, #tpu.memory_space<vmem>>, vector<16xf32>,
    tpu.vector_store %arg26[%swap3A], %scan3A_52#0 {strides = array<i32>} : memref<64xf32, #tpu.memory_space<vmem>>, vector<16xf32>,
    %swap3A_55 = arith.constant 16 : index
    %swap3A_56 = tpu.vector_load %arg26[%swap3A_55] {strides = array<i32>} : memref<64xf32, #tpu.memory_space<vmem>>, vector<16xf32>,
    tpu.vector_store %arg26[%swap3A_55], %scan3A_52#1 {strides = array<i32>} : memref<64xf32, #tpu.memory_space<vmem>>, vector<16xf32>,
    %swap3A_57 = arith.constant 32 : index
    %swap3A_58 = tpu.vector_load %arg26[%swap3A_57] {strides = array<i32>} : memref<64xf32, #tpu.memory_space<vmem>>, vector<16xf32>,
    tpu.vector_store %arg26[%swap3A_57], %scan3A_52#2 {strides = array<i32>} : memref<64xf32, #tpu.memory_space<vmem>>, vector<16xf32>,
    %swap3A_59 = arith.constant 48 : index
    %swap3A_60 = tpu.vector_load %arg26[%swap3A_59] {strides = array<i32>} : memref<64xf32, #tpu.memory_space<vmem>>, vector<16xf32>,
    tpu.vector_store %arg26[%swap3A_59], %scan3A_52#3 {strides = array<i32>} : memref<64xf32, #tpu.memory_space<vmem>>, vector<16xf32>,
    "tpu.region"() ({
      %run_scoped3A = tpu.sem_alloc : memref<!tpu.dma_semaphore, #tpu.memory_space<semaphore_mem>>
      %dma_start3A_61 = arith.constant 0 : i32
      %dma_start3A_62 = tpu.memref_slice %arg8[%mul3A_2, %dma_start3A_61] : memref<2048x128xf32, #tpu.memory_space<hbm>> -> memref<64x128xf32, #tpu.memory_space<hbm>>
      %dma_start3A_63 = arith.constant 0 : i32
      %dma_start3A_64 = tpu.memref_slice %arg8[%mul3A_2, %dma_start3A_63] : memref<2048x128xf32, #tpu.memory_space<hbm>> -> memref<64x128xf32, #tpu.memory_space<hbm>>
      tpu.enqueue_dma source(%arg24 : memref<64x128xf32, #tpu.memory_space<vmem>>) target(%dma_start3A_64 : memref<64x128xf32, #tpu.memory_space<hbm>>) target_semaphore(%run_scoped3A : memref<!tpu.dma_semaphore, #tpu.memory_space<semaphore_mem>>)
      %dma_wait3A = arith.constant 0 : i32
      %dma_wait3A_65 = tpu.memref_slice %arg8[%mul3A_2, %dma_wait3A] : memref<2048x128xf32, #tpu.memory_space<hbm>> -> memref<64x128xf32, #tpu.memory_space<hbm>>
      %dma_wait3A_66 = arith.constant 0 : i32
      %dma_wait3A_67 = tpu.memref_slice %arg8[%mul3A_2, %dma_wait3A_66] : memref<2048x128xf32, #tpu.memory_space<hbm>> -> memref<64x128xf32, #tpu.memory_space<hbm>>
      tpu.wait_dma2 semaphore(%run_scoped3A : memref<!tpu.dma_semaphore, #tpu.memory_space<semaphore_mem>>) src(%arg24 : memref<64x128xf32, #tpu.memory_space<vmem>>) dst(%dma_wait3A_67 : memref<64x128xf32, #tpu.memory_space<hbm>>)
      tpu.yield
    }) : () -> ()
    "tpu.region"() ({
      %run_scoped3A = tpu.sem_alloc : memref<!tpu.dma_semaphore, #tpu.memory_space<semaphore_mem>>
      %dma_start3A_61 = arith.constant 0 : i32
      %dma_start3A_62 = tpu.memref_slice %arg9[%mul3A_2, %dma_start3A_61] : memref<2048x128xf32, #tpu.memory_space<hbm>> -> memref<64x128xf32, #tpu.memory_space<hbm>>
      %dma_start3A_63 = arith.constant 0 : i32
      %dma_start3A_64 = tpu.memref_slice %arg9[%mul3A_2, %dma_start3A_63] : memref<2048x128xf32, #tpu.memory_space<hbm>> -> memref<64x128xf32, #tpu.memory_space<hbm>>
      tpu.enqueue_dma source(%arg25 : memref<64x128xf32, #tpu.memory_space<vmem>>) target(%dma_start3A_64 : memref<64x128xf32, #tpu.memory_space<hbm>>) target_semaphore(%run_scoped3A : memref<!tpu.dma_semaphore, #tpu.memory_space<semaphore_mem>>)
      %dma_wait3A = arith.constant 0 : i32
      %dma_wait3A_65 = tpu.memref_slice %arg9[%mul3A_2, %dma_wait3A] : memref<2048x128xf32, #tpu.memory_space<hbm>> -> memref<64x128xf32, #tpu.memory_space<hbm>>
      %dma_wait3A_66 = arith.constant 0 : i32
      %dma_wait3A_67 = tpu.memref_slice %arg9[%mul3A_2, %dma_wait3A_66] : memref<2048x128xf32, #tpu.memory_space<hbm>> -> memref<64x128xf32, #tpu.memory_space<hbm>>
      tpu.wait_dma2 semaphore(%run_scoped3A : memref<!tpu.dma_semaphore, #tpu.memory_space<semaphore_mem>>) src(%arg25 : memref<64x128xf32, #tpu.memory_space<vmem>>) dst(%dma_wait3A_67 : memref<64x128xf32, #tpu.memory_space<hbm>>)
      tpu.yield
    }) : () -> ()
    "tpu.region"() ({
      %run_scoped3A = tpu.sem_alloc : memref<!tpu.dma_semaphore, #tpu.memory_space<semaphore_mem>>
      %dma_start3A_61 = tpu.memref_slice %arg10[%mul3A_2] : memref<2048xf32, #tpu.memory_space<hbm>> -> memref<64xf32, #tpu.memory_space<hbm>>
      %dma_start3A_62 = tpu.memref_slice %arg10[%mul3A_2] : memref<2048xf32, #tpu.memory_space<hbm>> -> memref<64xf32, #tpu.memory_space<hbm>>
      tpu.enqueue_dma source(%arg26 : memref<64xf32, #tpu.memory_space<vmem>>) target(%dma_start3A_62 : memref<64xf32, #tpu.memory_space<hbm>>) target_semaphore(%run_scoped3A : memref<!tpu.dma_semaphore, #tpu.memory_space<semaphore_mem>>)
      %dma_wait3A = tpu.memref_slice %arg10[%mul3A_2] : memref<2048xf32, #tpu.memory_space<hbm>> -> memref<64xf32, #tpu.memory_space<hbm>>
      %dma_wait3A_63 = tpu.memref_slice %arg10[%mul3A_2] : memref<2048xf32, #tpu.memory_space<hbm>> -> memref<64xf32, #tpu.memory_space<hbm>>
      tpu.wait_dma2 semaphore(%run_scoped3A : memref<!tpu.dma_semaphore, #tpu.memory_space<semaphore_mem>>) src(%arg26 : memref<64xf32, #tpu.memory_space<vmem>>) dst(%dma_wait3A_63 : memref<64xf32, #tpu.memory_space<hbm>>)
      tpu.yield
    }) : () -> ()
    return
  }
}

module attributes {stable_mosaic.version = 14 : i64} {
  func.func @_gate_body(%arg0: memref<2048x128xf32, #tpu.memory_space<vmem>>, %arg1: memref<2048x128xf32, #tpu.memory_space<vmem>>, %arg2: memref<256x128xf32, #tpu.memory_space<vmem>>, %arg3: memref<1x128xf32, #tpu.memory_space<vmem>>, %arg4: memref<2048x128xf32, #tpu.memory_space<vmem>>) attributes {dimension_semantics = [], scalar_prefetch = 0 : i64, scratch_operands = 0 : i64, tpu.core_type = #tpu.core_type<tc>} {
    %get3A = arith.constant 0 : index
    %get3A_0 = arith.constant 0 : index
    %get3A_1 = vector.load %arg0[%get3A, %get3A_0] : memref<2048x128xf32, #tpu.memory_space<vmem>>, vector<2048x128xf32>
    %get3A_2 = arith.constant 0 : index
    %get3A_3 = arith.constant 0 : index
    %get3A_4 = vector.load %arg1[%get3A_2, %get3A_3] : memref<2048x128xf32, #tpu.memory_space<vmem>>, vector<2048x128xf32>
    %get3A_5 = arith.constant 0 : index
    %get3A_6 = arith.constant 0 : index
    %get3A_7 = vector.load %arg2[%get3A_5, %get3A_6] : memref<256x128xf32, #tpu.memory_space<vmem>>, vector<128x128xf32>
    %dot_general3A = arith.constant dense<0.000000e+00> : vector<2048x128xf32>
    %dot_general3A_8 = tpu.matmul %get3A_1, %get3A_7, %dot_general3A {dimension_numbers = #tpu.dot_dimension_numbers<[1], [0], [0], [1], [0, 0, 1, 1], [], []>, transpose_lhs_hint = false} : vector<2048x128xf32>, vector<128x128xf32>, vector<2048x128xf32> -> vector<2048x128xf32>
    %get3A_9 = arith.constant 128 : index
    %get3A_10 = arith.constant 0 : index
    %get3A_11 = vector.load %arg2[%get3A_9, %get3A_10] : memref<256x128xf32, #tpu.memory_space<vmem>>, vector<128x128xf32>
    %dot_general3A_12 = arith.constant dense<0.000000e+00> : vector<2048x128xf32>
    %dot_general3A_13 = tpu.matmul %get3A_4, %get3A_11, %dot_general3A_12 {dimension_numbers = #tpu.dot_dimension_numbers<[1], [0], [0], [1], [0, 0, 1, 1], [], []>, transpose_lhs_hint = false} : vector<2048x128xf32>, vector<128x128xf32>, vector<2048x128xf32> -> vector<2048x128xf32>
    %add3A = arith.addf %dot_general3A_8, %dot_general3A_13 : vector<2048x128xf32>
    %get3A_14 = arith.constant 0 : index
    %get3A_15 = arith.constant 0 : index
    %get3A_16 = vector.load %arg3[%get3A_14, %get3A_15] : memref<1x128xf32, #tpu.memory_space<vmem>>, vector<1x128xf32>
    %add3A_17 = vector.broadcast %get3A_16 : vector<1x128xf32> to vector<2048x128xf32>
    %add3A_18 = arith.addf %add3A, %add3A_17 : vector<2048x128xf32>
    %neg3A = arith.constant 0.000000e+00 : f32
    %neg3A_19 = vector.broadcast %neg3A : f32 to vector<2048x128xf32>
    %neg3A_20 = arith.subf %neg3A_19, %add3A_18 : vector<2048x128xf32>
    %exp3A = math.exp %neg3A_20 : vector<2048x128xf32>
    %add3A_21 = arith.constant 1.000000e+00 : f32
    %add3A_22 = vector.broadcast %add3A_21 : f32 to vector<2048x128xf32>
    %add3A_23 = arith.addf %add3A_22, %exp3A : vector<2048x128xf32>
    %div3A = arith.constant 1.000000e+00 : f32
    %div3A_24 = vector.broadcast %div3A : f32 to vector<2048x128xf32>
    %div3A_25 = arith.divf %div3A_24, %add3A_23 : vector<2048x128xf32>
    %sub3A = arith.subf %get3A_1, %get3A_4 : vector<2048x128xf32>
    %mul3A = arith.mulf %div3A_25, %sub3A : vector<2048x128xf32>
    %add3A_26 = arith.addf %get3A_4, %mul3A : vector<2048x128xf32>
    %swap3A = arith.constant 0 : index
    %swap3A_27 = arith.constant 0 : index
    %swap3A_28 = vector.load %arg4[%swap3A, %swap3A_27] : memref<2048x128xf32, #tpu.memory_space<vmem>>, vector<2048x128xf32>
    tpu.vector_store %arg4[%swap3A, %swap3A_27], %add3A_26 {strides = array<i32>} : memref<2048x128xf32, #tpu.memory_space<vmem>>, vector<2048x128xf32>,
    return
  }
}

</mosaic_0001>

<sc_bundles>
// kernel: kernel.4.cloned.1.call-start
scs
__scs_entry_jumppad:
0x0: {  	(pc) =	sbr.rel $0x88, $3  }
0x1: {  	(tag) =	ssettag $0x0;
	lr =	simm.s32 $0x1  }
0x2: {  	[smem:$0x3F99] =	sst lr;
	_ =	strace $0xD0000000  }
0x3: {  	_ = 	snop  }
0x4: {  	_ = 	snop  }
0x5: {  	_ = 	snop  }
0x6: {  	_ = 	snop  }
0x7: {  	_ = 	snop  }
__scs_overlays_trampoline_lowered:
0x8: {  	[smem:$0x3FA8] =	sst s0  }
0x9: {  	[smem:$0x3FA9] =	sst s1  }
0xa: {  	[smem:$0x3FAA] =	sst s2  }
0xb: {  	[smem:$0x3FAB] =	sst s3  }
0xc: {  	[smem:$0x3FAC] =	sst s4  }
0xd: {  	[smem:$0x3FAD] =	sst s5  }
0xe: {  	[smem:$0x3FAE] =	sst s6  }
0xf: {  	[smem:$0x3FAF] =	sst s7  }
0x10: {  	[smem:$0x3FB0] =	sst s8  }
0x11: {  	[smem:$0x3FB1] =	sst s9;
	s0 =	simm.s32 @!p0 $0x0  }
0x12: {  	s1 =	sld [smem:$0x3F97];
	s0 =	simm.s32 @p0 $0x1  }
0x13: {  	[smem:$0x3FB2] =	sst s0;
	s0 =	simm.s32 @!p1 $0x0  }
0x14: {  	s2 =	sld [smem:$0x3F96];
	s0 =	simm.s32 @p1 $0x1  }
0x15: {  	[smem:$0x3FB3] =	sst s0;
	s0 =	simm.s32 @!p2 $0x0  }
0x16: {  	s3 =	sld [smem:$0x3FDB];
	s0 =	simm.s32 @p2 $0x1  }
0x17: {  	s4 =	simm.s32 $0x1BF5;
	[smem:$0x3FB5] =	sst s0  }
0x18: {  	s0 =	sld [smem:$0x3F98];
	_ =	swait.ge [sflag:s4], $0x0  }
0x19: {  	s7 =	sld [smem:$0x3F99]  }
0x1a: {  	s8 =	sadd.s32 $0xFFFFE003, lr  }
0x1b: {  	s9 =	sadd.s32 $0xFFFFFEF7, lr;
	s5 =	simm.s32 $0xFFFFFFFF;
	p2 =	slt.u32 s8, $0xFFFFF086  }
0x1c: {  	p1 =	slt.u32 s9, $0xF7A;
	s5 =	simm.s32 @!p2 $0x0  }
0x1d: {  	s5 =	simm.s32 @p1 $0x1;
	p0 =	seq.s32 s7, s2  }
0x1e: {  	s7 =	smul.u32 @!p0 $0xF7A, s2;
	p2 =	seq.s32 @!p0 s5, $0x0  }
0x1f: {  	s9 =	smul.u32 $0xF7A, s1;
	s8 =	simm.s32 @!p0 $0x1BF5;
	p2 =	por !p2, p0  }
0x20: {  	[sflag:s8] =	ssyncset.s32 @!p0 $0xFFFFF086;
	s6 =	sadd.s32 @!p0 s3, s7;
	s7 =	simm.s32 @!p0 $0x108  }
0x21: {  	s3 =	sadd.s32 s3, s9;
	s6 =	sadd.s32 @!p0 $0x88, s6;
	s7 =	simm.s32 @p2 $0x1082  }
0x22: {  	[simem:s7], [sflag:s8] =	dma.local @!p0 [hbm:s6], $0xF7A  }
0x23: {  	s9 =	sor.u32 $0xD0000000, s2;
	s6 =	simm.s32 $0x108;
	_ =	swait.ge @!p0 [sflag:s8], $0x0  }
0x24: {  	s3 =	sadd.s32 $0x88, s3;
	s6 =	simm.s32 @!p1 $0x1082;
	[sflag:s4] =	ssyncset.s32 $0xFFFFF086  }
0x25: {  	[simem:s6], [sflag:s4] =	dma.local [hbm:s3], $0xF7A  }
0x26: {  	[smem:$0x3F99] =	sst s1;
	(tag) =	ssettag s2;
	_ =	strace s9  }
0x27: {  	s1 =	sld [smem:$0x3FA9]  }
0x28: {  	s2 =	sld [smem:$0x3FAA]  }
0x29: {  	s4 =	sld [smem:$0x3FAC]  }
0x2a: {  	p0 =	seq.s32 s5, $0x0;
	s5 =	sld [smem:$0x3FAD]  }
0x2b: {  	s6 =	sld [smem:$0x3FAE]  }
0x2c: {  	s7 =	sld [smem:$0x3FAF]  }
0x2d: {  	s3 =	simm.s32 $0x108;
	s8 =	sld [smem:$0x3FB0]  }
0x2e: {  	s3 =	simm.s32 @!p0 $0x1082;
	s9 =	sld [smem:$0x3FB1]  }
0x2f: {  	lr =	sadd.s32 s0, s3;
	s0 =	sld [smem:$0x3FA8]  }
0x30: {  	s3 =	sld [smem:$0x3FAB]  }
0x31: {  	[smem:$0x3FB4] =	sst s10  }
0x32: {  	s10 =	sld [smem:$0x3FB2];
	_ =	sdelay $0x3  }
0x33: {  	p0 =	seq.s32 s10, $0x1;
	s10 =	sld [smem:$0x3FB4];
	_ =	sdelay $0x3  }
0x34: {  	[smem:$0x3FB4] =	sst s10  }
0x35: {  	s10 =	sld [smem:$0x3FB3];
	_ =	sdelay $0x3  }
0x36: {  	p1 =	seq.s32 s10, $0x1;
	s10 =	sld [smem:$0x3FB4];
	_ =	sdelay $0x3  }
0x37: {  	[smem:$0x3FB4] =	sst s10  }
0x38: {  	s10 =	sld [smem:$0x3FB5]  }
0x39: {  	_ = 	snop;
	(pc) =	sbr.ind lr, $3  }
0x3a: {  	_ = 	snop  }
0x3b: {  	_ = 	snop  }
0x3c: {  	p2 =	seq.s32 s10, $0x1;
	s10 =	sld [smem:$0x3FB4]  }
0x3d: {  	_ =	shalt  }
0x3e: {  	_ =	shalt  }
0x3f: {  	_ =	shalt  }
0x40: {  	_ =	shalt  }
0x41: {  	_ =	shalt  }
0x42: {  	_ =	shalt  }
0x43: {  	_ =	shalt  }
0x44: {  	_ =	shalt  }
0x45: {  	_ =	shalt  }
0x46: {  	_ =	shalt  }
0x47: {  	_ =	shalt  }
0x48: {  	_ =	shalt  }
0x49: {  	_ =	shalt  }
0x4a: {  	_ =	shalt  }
0x4b: {  	_ =	shalt  }
0x4c: {  	_ =	shalt  }
0x4d: {  	_ =	shalt  }
0x4e: {  	_ =	shalt  }
0x4f: {  	_ =	shalt  }
0x50: {  	_ =	shalt  }
0x51: {  	_ =	shalt  }
0x52: {  	_ =	shalt  }
0x53: {  	_ =	shalt  }
0x54: {  	_ =	shalt  }
0x55: {  	_ =	shalt  }
0x56: {  	_ =	shalt  }
0x57: {  	_ =	shalt  }
0x58: {  	_ =	shalt  }
0x59: {  	_ =	shalt  }
0x5a: {  	_ =	shalt  }
0x5b: {  	_ =	shalt  }
0x5c: {  	_ =	shalt  }
0x5d: {  	_ =	shalt  }
0x5e: {  	_ =	shalt  }
0x5f: {  	_ =	shalt  }
0x60: {  	_ =	shalt  }
0x61: {  	_ =	shalt  }
0x62: {  	_ =	shalt  }
0x63: {  	_ =	shalt  }
0x64: {  	_ =	shalt  }
0x65: {  	_ =	shalt  }
0x66: {  	_ =	shalt  }
0x67: {  	_ =	shalt  }
0x68: {  	_ =	shalt  }
0x69: {  	_ =	shalt  }
0x6a: {  	_ =	shalt  }
0x6b: {  	_ =	shalt  }
0x6c: {  	_ =	shalt  }
0x6d: {  	_ =	shalt  }
0x6e: {  	_ =	shalt  }
0x6f: {  	_ =	shalt  }
0x70: {  	_ =	shalt  }
0x71: {  	_ =	shalt  }
0x72: {  	_ =	shalt  }
0x73: {  	_ =	shalt  }
0x74: {  	_ =	shalt  }
0x75: {  	_ =	shalt  }
0x76: {  	_ =	shalt  }
0x77: {  	_ =	shalt  }
0x78: {  	_ =	shalt  }
0x79: {  	_ =	shalt  }
0x7a: {  	_ =	shalt  }
0x7b: {  	_ =	shalt  }
0x7c: {  	_ =	shalt  }
0x7d: {  	_ =	shalt  }
0x7e: {  	_ =	shalt  }
0x7f: {  	_ =	shalt  }
0x80: {  	_ =	shalt  }
0x81: {  	_ =	shalt  }
0x82: {  	_ =	shalt  }
0x83: {  	_ =	shalt  }
0x84: {  	_ =	shalt  }
0x85: {  	_ =	shalt  }
0x86: {  	_ =	shalt  }
0x87: {  	_ =	shalt  }
.Lfunc_end0:
.L_simem_size_0:
called_computation_lowered:
.L_overlay_start_0:
0x88: {  	s2 =	sld [smem:$0x3FD9]  }
0x89: {  	s3 =	sld [smem:$0x3FFE];
	_ =	sdelay $0x1  }
0x8a: {  	s1 =	srdreg.scid  }
0x8b: {  	s0 =	sand.u32 $0x1, s1  }
0x8c: {  	s14 =	sshll.u32 s0, $0xA;
	s2 =	sadd.s32 s3, s2  }
0x8d: {  	s2 =	sadd.s32 s2, s14  }
0x8e: {  	[smem:$0x3FC0] =	sst s2  }
0x8f: {  	_ = 	snop  }
0x90: {  	s2 =	sld [smem:$0x3FC9]  }
0x91: {  	s15 =	sld [smem:$0x3FC7]  }
0x92: {  	s4 =	sld [smem:$0x3FD0]  }
0x93: {  	s5 =	sld [smem:$0x3FC6]  }
0x94: {  	s6 =	sld [smem:$0x3FC5]  }
0x95: {  	s8 =	simm.s32 $0xA;
	s9 =	simm.s32 $0x10;
	s7 =	sld [smem:$0x3FC4]  }
0x96: {  	[smem:s9], [sflag:s8] =	dma.local [hbm:s4], $0x1  }
0x97: {  	_ =	swait.eq [sflag:s8], $0x1  }
0x98: {  	[sflag:s8] =	ssyncset.done $0x0  }
0x99: {  	s16 =	sld [smem:$0x10];
	[sflag:s8] =	ssyncadd.s32 $0xFFFFFFFF  }
0x9a: {  	s17 =	sld [smem:$0x11];
	(tm) =	ssettm $0x1  }
0x9b: {  	s18 =	sld [smem:$0x3FFB];
	_ =	sdelay $0x3  }
0x9c: {  	_ =	strace s18  }
0x9d: {  	s9 =	sld [smem:$0x3FFC];
	_ =	sdelay $0x3  }
0x9e: {  	_ =	strace s9  }
0x9f: {  	s9 =	sld [smem:$0x3FFD];
	_ =	sdelay $0x3  }
0xa0: {  	_ =	strace s9  }
0xa1: {  	_ =	strace $0x8FFFFFFF  }
0xa2: {  	s19 =	sld [smem:$0x3FDB];
	_ =	sdelay $0x1  }
0xa3: {  	s10 =	simm.s32 $_scs_section_size  }
0xa4: {  	s11 =	simm.s32 $_size__tile_overlayer_lowered;
	s12 =	simm.s32 $_tile_overlayer_lowered  }
0xa5: {  	s22 =	simm.s32 $0x1BFF;
	s21 =	sshll.u32 s12, $0x1;
	s9 =	sadd.s32 s10, s19  }
0xa6: {  	s13 =	simm.s32 $0x0;
	s20 =	sshll.u32 s11, $0x1;
	s11 =	sadd.s32 s21, s9  }
0xa7: {  	[timem:s13], [sflag:s22] =	dma.local [hbm:s11], s20  }
0xa8: {  	_ =	swait.ge [sflag:s22], s20  }
0xa9: {  	s10 =	ssub.s32 $0x0, s20;
	[sflag:s22] =	ssyncset.done $0x0  }
0xaa: {  	[sflag:s22] =	ssyncadd.s32 s10;
	_ =	sdelay $0x1  }
0xab: {  	s23 =	simm.s32 $0x1B8B  }
0xac: {  	_ =	swait.ge [sflag:s23], $0x1  }
0xad: {  	[sflag:s23] =	ssyncset.done $0x0  }
0xae: {  	s25 =	simm.s32 $0x1B8E;
	s24 =	sld [smem:$0x3FFE];
	[sflag:s23] =	ssyncadd.s32 $0xFFFFFFFF  }
0xaf: {  	s26 =	simm.s32 $execute0_lowered;
	[smem:$0x3FD2] =	sst s25  }
0xb0: {  	s11 =	sshll.u32 s26, $0x1;
	_ =	strace $0x80000046;
	[dreg:$0x1] =	wrdreg $0xFFFFFFFF  }
0xb1: {  	s28 =	simm.s32 $_size_execute0_lowered;
	s9 =	sadd.s32 s9, s11;
	[dreg:$0x0] =	wrdreg $0x0  }
0xb2: {  	s11 =	sshll.u32 s28, $0x1;
	[dreg:$0x2] =	wrdreg s9  }
0xb3: {  	[dreg:$0x3] =	wrdreg s11  }
0xb4: {  	[dreg:$0x4] =	wrdreg $0xC0  }
0xb5: {  	_ =	task [dreg:s13], $0x5FFFF  }
0xb6: {  	[dreg:$0x1] =	wrdreg $0xFFFFFFFF  }
0xb7: {  	[dreg:$0x0] =	wrdreg $0x60  }
0xb8: {  	[dreg:$0x2] =	wrdreg s2  }
0xb9: {  	[dreg:$0x3] =	wrdreg s17  }
0xba: {  	[dreg:$0x4] =	wrdreg s15  }
0xbb: {  	[dreg:$0x5] =	wrdreg s5  }
0xbc: {  	[dreg:$0x6] =	wrdreg s6  }
0xbd: {  	[dreg:$0x7] =	wrdreg s7  }
0xbe: {  	[dreg:$0x8] =	wrdreg s16  }
0xbf: {  	[dreg:$0x9] =	wrdreg s24  }
0xc0: {  	[dreg:$0xa] =	wrdreg $0x9  }
0xc1: {  	_ =	task.clear_ibuf [dreg:s13], $0xBFFFF;
	_ =	strace $0x90000046  }
0xc2: {  	s29 =	simm.s32 $0x9;
	_ =	strace $0x80000048  }
0xc3: {  	_ =	swait.ge [sflag:s29], $0x1  }
0xc4: {  	[sflag:s29] =	ssyncadd.s32 $0xFFFFFFFF  }
0xc5: {  	_ =	strace $0x90000048  }
0xc6: {  	_ =	sfence  }
0xc7: {  	s30 =	sld [smem:$0x0];
	_ =	sdelay $0x2  }
0xc8: {  	s31 =	sshll.u32 s1, $0xD;
	s1 =	sshrl.u32 s1, $0x2  }
0xc9: {  	s3 =	sand.u32 $0x4000, s31;
	s1 =	sadd.s32 s1, s30  }
0xca: {  	s0 =	sor.u32 s3, s0;
	s1 =	sshll.u32 s1, $0x11  }
0xcb: {  	s0 =	sor.u32 s1, s0  }
0xcc: {  	s0 =	sadd.s32 $0x8F2B, s0  }
0xcd: {  	[sflag:s0] =	ssyncadd.remote.s32 $0x1  }
0xce: {  	_ =	sfence.sel $0xFFFF  }
0xcf: {  	[dreg:$0x0] =	wrdreg $0xFFFFFFFF;
	(pc) =	sbr.abs _section_cstart, $3  }
0xd0: {  	[dreg:$0x1] =	wrdreg $0xFFFFFFFF  }
0xd1: {  	_ =	task.clear_ibuf [dreg:s13], $0x2FFFF;
	_ =	strace $0x9FFFFFFF  }
0xd2: {  	(tm) =	ssettm $0x7FFFFFFF  }
0xd3: {  	_ =	shalt  }
tec
execute0_lowered:
.L_overlay_start_1:
0x0: {  	(tag) =	ssettag $0x1  }
0x1: {  	s0 =	rddreg [dreg:$0x0]  }
0x2: {  	s1 =	rddreg [dreg:$0x1]  }
0x3: {  	s31 =	rddreg [dreg:$0x2]  }
0x4: {  	s2 =	rddreg [dreg:$0x6]  }
0x5: {  	s3 =	rddreg [dreg:$0x7];
	s4 =	srdreg.scid;
	v0 =	vimm.s32 $0xFEDCBA98;
	v1 =	vimm.s32 $0x76543210;
	v3 =	vimm.s32 $0x32107654  }
0x6: {  	s9 =	simm.s32 $0x0;
	s5 =	stileid.u32;
	v4 =	vimm.s32 $0xDCFE98BA;
	v5 =	vimm.s32 $0x54761032;
	s4 =	sand.u32 $0x1, s4;
	v0 =	vunpack.c.l.s4.s8 v0  }
0x7: {  	v6 =	vimm.s32 $0xEFCDAB89;
	v7 =	vimm.s32 $0x67452301;
	s14 =	simm.s32 $0x2000;
	s5 =	sshll.u32 s5, $0x7;
	s6 =	sshll.u32 s4, $0x6  }
0x8: {  	s23 =	simm.s32 $0x1;
	[smem:$0x7FF] =	sst s9;
	v1 =	vunpack.c.l.s4.s8 v1;
	s5 =	sor.u32 s6, s5;
	v2 =	vunpack.c.0.s8.s32 v0;
	v0 =	vimm.s32 $0xBA98FEDC  }
0x9: {  	s29 =	simm.s32 $0x2;
	v3 =	vunpack.c.l.s4.s8 v3;
	v4 =	vunpack.c.l.s4.s8 v4;
	_ =	strace $0x80000047;
	s6 =	sshll.u32 s5, $0x4;
	v0 =	vunpack.c.l.s4.s8 v0  }
0xa: {  	v5 =	vunpack.c.l.s4.s8 v5;
	v6 =	vunpack.c.l.s4.s8 v6;
	v7 =	vunpack.c.l.s4.s8 v7;
	s4 =	ssub.s32 $0x2, s4;
	s5 =	sshrl.u32 s5, $0x3;
	s0 =	sadd.s32 s0, s6  }
0xb: {  	s8 =	sshrl.u32 s4, $0x1;
	v3 =	vunpack.c.0.s8.s32 v3;
	v4 =	vunpack.c.0.s8.s32 v4;
	s26 =	sadd.s32 s1, s5;
	[dreg:$0xb] =	wrdreg s0;
	v8 =	vunpack.c.0.s8.s32 v0  }
0xc: {  	v5 =	vunpack.c.0.s8.s32 v5;
	v6 =	vunpack.c.0.s8.s32 v6;
	v7 =	vunpack.c.0.s8.s32 v7;
	s4 =	ssub.s32 s4, s8;
	s28 =	sadd.s32 s2, s6;
	[dreg:$0xc] =	wrdreg s26  }
0xd: {  	v9 =	vunpack.c.0.s8.s32 v1;
	s7 =	sadd.s32 s6, s3;
	s30 =	smax.u32 s4, $0x1;
	[dreg:$0xd] =	wrdreg s28;
	v0 =	vlaneseq.u32;
	v1 =	vcombine.low v3, v8  }
0xe: {  	s3 =	sadd.s32 s5, s3;
	s7 =	sadd.s32 $0x1200, s7;
	[dreg:$0xe] =	wrdreg s30;
	v8 =	vand.u32 $0xF, v2;
	v2 =	vcombine.low v5, v4;
	v3 =	vcombine.low v7, v6  }
0xf: {  	vm0 =	vmxor vm0, vm0;
	s1 =	simm.s32 $0x3;
	s3 =	sadd.s32 $0x1000, s3;
	[dreg:$0x9] =	wrdreg s7;
	v4 =	vand.u32 $0x3, v0;
	v5 =	vcombine.low v8, v9  }
0x10: {  	s4 =	simm.s32 $0x2080;
	s2 =	simm.s32 $0x0;
	[dreg:$0xa] =	wrdreg s3;
	v6 =	vand.u32 $0xF, v1;
	v7 =	vand.u32 $0xF, v2;
	v8 =	vand.u32 $0xF, v3  }
.LBB2_1:
0x11: {  	[dreg:$0xf] =	wrdreg s2  }
0x12: {  	s0 =	rddreg [dreg:$0xb]  }
0x13: {  	[tilespmem:s9], [sflag:$0x3] =	stream.linear.gather [hbm4b:s0+s9], $0x2000, $0x38;
	[tilespmem:$0x19100] =	vst v63  }
0x14: {  	_ =	swait.ge [sflag:s1], $0x2000  }
0x15: {  	v9 =	vor.u32 s9, v0;
	[sflag:s1] =	ssyncset.done $0x0  }
0x16: {  	v9 =	vshrl.u32 v9, $0x2;
	s26 =	rddreg [dreg:$0xc];
	[sflag:s1] =	ssyncadd.s32 $0xFFFFE000  }
0x17: {  	[tilespmem:s14], [sflag:$0x3] =	stream.linear.gather [hbm4b:s26+s9], $0x40, $0x38;
	[tilespmem:$0x19100] =	vst v63  }
0x18: {  	_ =	swait.ge [sflag:s1], $0x40  }
0x19: {  	[sflag:s1] =	ssyncset.done $0x0  }
0x1a: {  	[sflag:s1] =	ssyncadd.s32 $0xFFFFFFC0  }
0x1b: {  	v9 =	vld.idx.msk [tilespmem:v9+s14+$0x0], $0xffff;
	_ =	sdelay $0x1  }
0x1c: {  	s28 =	simm.s32 $0x10  }
0x1d: {  	v10 =	vor.u32 s28, v0  }
0x1e: {  	v10 =	vshrl.u32 v10, $0x2  }
0x1f: {  	v9 =	vshll.u32 v9, $0x2  }
0x20: {  	v9 =	vand.u32 $0xFFFC, v9  }
0x21: {  	v9 =	vor.u32 v4, v9  }
0x22: {  	[tilespmem:s4+$0x0] =	vst v9  }
0x23: {  	v9 =	vld.idx.msk [tilespmem:v10+s14+$0x0], $0xffff;
	_ =	sdelay $0x1  }
0x24: {  	s30 =	simm.s32 $0x20  }
0x25: {  	s0 =	simm.s32 $0x2080;
	s1 =	simm.s32 $0x30;
	v10 =	vor.u32 s30, v0  }
.LBB2_2:
0x26: {  	p0 =	sne.s32 s1, $0xF0;
	v10 =	vshrl.u32 v10, $0x2  }
0x27: {  	v9 =	vshll.u32 v9, $0x2  }
0x28: {  	v9 =	vand.u32 $0xFFFC, v9  }
0x29: {  	s0 =	sadd.s32 $0x80, s0;
	v9 =	vor.u32 v4, v9  }
0x2a: {  	[tilespmem:s0+$0x0] =	vst v9  }
.Ltmp0:
0x2b: {  	v9 =	vld.idx.msk [tilespmem:v10+s14+$0x0], $0xffff;
	(pc) =	sbr.rel @p0 .LBB2_2-.Ltmp0, $2  }
0x2c: {  	_ =	sdelay $0x2  }
0x2d: {  	v10 =	vor.u32 s1, v0;
	s1 =	sadd.s32 $0x10, s1  }
0x2e: {  	v10 =	vshrl.u32 v10, $0x2  }
0x2f: {  	v9 =	vshll.u32 v9, $0x2  }
0x30: {  	v9 =	vand.u32 $0xFFFC, v9  }
0x31: {  	s1 =	sadd.s32 $0x80, s0;
	v9 =	vor.u32 v4, v9  }
0x32: {  	[tilespmem:s1+$0x0] =	vst v9  }
0x33: {  	v9 =	vld.idx.msk [tilespmem:v10+s14+$0x0], $0xffff;
	_ =	sdelay $0x1  }
0x34: {  	s0 =	simm.s32 $0x0  }
0x35: {  	v10 =	vmov s0  }
0x36: {  	v10 =	vshrl.u32 v10, $0x5  }
0x37: {  	v9 =	vshll.u32 v9, $0x2  }
0x38: {  	v9 =	vand.u32 $0xFFFC, v9  }
0x39: {  	s1 =	sadd.s32 $0x80, s1;
	v9 =	vor.u32 v4, v9  }
0x3a: {  	[tilespmem:s1+$0x0] =	vst v9  }
0x3b: {  	v9 =	vld.idx.msk [tilespmem:v10+s14+$0x0], $0xffff;
	_ =	sdelay $0x1  }
0x3c: {  	s1 =	simm.s32 $0x10  }
0x3d: {  	s2 =	simm.s32 $0x20;
	v10 =	vmov s1  }
.LBB2_4:
0x3e: {  	p0 =	sne.s32 s2, $0x7F0;
	v10 =	vshrl.u32 v10, $0x5  }
0x3f: {  	v11 =	vor.u32 s0, v0;
	v9 =	vshll.u32 v9, $0x5  }
0x40: {  	v9 =	vand.u32 $0xFFE0, v9;
	v11 =	vand.u32 $0x1F, v11  }
0x41: {  	s3 =	sand.u32 $0x7F0, s0;
	s0 =	smov.u32 s1;
	s1 =	smov.u32 s2;
	v9 =	vor.u32 v11, v9  }
0x42: {  	[tilespmem:s3+$0x2880] =	vst v9  }
.Ltmp1:
0x43: {  	v9 =	vld.idx.msk [tilespmem:v10+s14+$0x0], $0xffff;
	(pc) =	sbr.rel @p0 .LBB2_4-.Ltmp1, $2  }
0x44: {  	_ =	sdelay $0x2  }
0x45: {  	s2 =	sadd.s32 $0x10, s2;
	v10 =	vmov s1  }
0x46: {  	v10 =	vshrl.u32 v10, $0x5  }
0x47: {  	v11 =	vor.u32 s0, v0;
	v9 =	vshll.u32 v9, $0x5  }
0x48: {  	v9 =	vand.u32 $0xFFE0, v9;
	v11 =	vand.u32 $0x1F, v11  }
0x49: {  	s18 =	sand.u32 $0x7F0, s0;
	v9 =	vor.u32 v11, v9  }
0x4a: {  	[tilespmem:s18+$0x2880] =	vst v9  }
0x4b: {  	v9 =	vld.idx.msk [tilespmem:v10+s14+$0x0], $0xffff;
	_ =	sdelay $0x4  }
0x4c: {  	v10 =	vor.u32 s1, v0;
	v9 =	vshll.u32 v9, $0x5  }
0x4d: {  	v10 =	vand.u32 $0x1F, v10;
	v9 =	vand.u32 $0xFFE0, v9  }
0x4e: {  	s19 =	sand.u32 $0x7F0, s1;
	v9 =	vor.u32 v10, v9  }
0x4f: {  	s20 =	simm.s32 $0x10;
	s21 =	simm.s32 $0x3080;
	s22 =	rddreg [dreg:$0x3];
	[tilespmem:s19+$0x2880] =	vst v9  }
0x50: {  	[tilespmem:s21], [sflag:$0x1] =	stream.indirect.gather [hbm4b:s31+s20], $0x80, s4, s20, $0xb8;
	[tilespmem:$0x19100] =	vst v63  }
0x51: {  	s2 =	simm.s32 $0x3880;
	s24 =	rddreg [dreg:$0x4]  }
0x52: {  	[tilespmem:s2], [sflag:$0x1] =	stream.indirect.gather [hbm4b:s22+s20], $0x80, s4, s20, $0xb8;
	[tilespmem:$0x19100] =	vst v63  }
0x53: {  	s25 =	simm.s32 $0x80;
	s26 =	simm.s32 $0x2880;
	s3 =	simm.s32 $0x4080  }
0x54: {  	[tilespmem:s3], [sflag:$0x1] =	stream.indirect.gather [hbm4b:s24+s25], $0x80, s26, s25, $0xb8;
	[tilespmem:$0x19100] =	vst v63  }
0x55: {  	s28 =	rddreg [dreg:$0x5];
	s30 =	simm.s32 $0x8080;
	s17 =	simm.s32 $0x0;
	v12 =	vimm.f32 $0.0e+00  }
0x56: {  	v11 =	vimm.f32 $0.0e+00;
	v10 =	vimm.f32 $0.0e+00;
	v9 =	vimm.f32 $0.0e+00;
	[tilespmem:s30], [sflag:$0x1] =	stream.indirect.gather [hbm4b:s28+s25], $0x80, s26, s25, $0xb8;
	[tilespmem:$0x19100] =	vst v63  }
.LBB2_6:
0x57: {  	_ =	swait.ge [sflag:s23], $0x800  }
0x58: {  	[sflag:s23] =	ssyncset.done $0x0  }
0x59: {  	[sflag:s23] =	ssyncadd.s32 $0xFFFFF800  }
0x5a: {  	_ =	swait.ge [sflag:s23], $0x800  }
0x5b: {  	s18 =	sshllo.u32 s17, $0x1;
	[sflag:s23] =	ssyncset.done $0x0  }
0x5c: {  	s19 =	smov.u32 s31;
	s3 =	simm.s32 $0x10;
	[sflag:s23] =	ssyncadd.s32 $0xFFFFF800  }
0x5d: {  	s2 =	simm.s32 $0xC080;
	s4 =	simm.s32 $0xC880;
	_ =	swait.ge [sflag:s23], $0x4000  }
0x5e: {  	s22 =	simm.s32 $0x80;
	s24 =	simm.s32 $0xD080;
	[sflag:s23] =	ssyncset.done $0x0  }
0x5f: {  	s26 =	simm.s32 $0x11080;
	s28 =	sshrl.u32 s17, $0x1;
	[sflag:s23] =	ssyncadd.s32 $0xFFFFC000  }
0x60: {  	s30 =	simm.s32 $0x38C0;
	s7 =	simm.s32 $0x88F0;
	_ =	swait.ge [sflag:s23], $0x4000  }
0x61: {  	s8 =	simm.s32 $0x0;
	s0 =	sshll.u32 s18, $0x7;
	[sflag:s23] =	ssyncset.done $0x0  }
0x62: {  	p0 =	seq.s32 s28, $0x0;
	s1 =	sadd.s32 $0x2080, s0;
	[sflag:s23] =	ssyncadd.s32 $0xFFFFC000  }
0x63: {  	[tilespmem:s2], [sflag:$0x2] =	stream.indirect.gather [hbm4b:s31+s3], $0x80, s1, s3, $0xb8;
	[tilespmem:$0x19100] =	vst v63  }
0x64: {  	p1 =	seq.s32 s28, $0x1;
	p2 =	seq.s32 s28, $0x2;
	s20 =	rddreg [dreg:$0x3]  }
0x65: {  	[tilespmem:s4], [sflag:$0x2] =	stream.indirect.gather [hbm4b:s20+s3], $0x80, s1, s3, $0xb8;
	[tilespmem:$0x19100] =	vst v63  }
0x66: {  	p3 =	seq.s32 s28, $0x3;
	s0 =	sadd.s32 $0x2880, s0;
	s21 =	rddreg [dreg:$0x4]  }
0x67: {  	[tilespmem:s24], [sflag:$0x2] =	stream.indirect.gather [hbm4b:s21+s22], $0x80, s0, s22, $0xb8;
	[tilespmem:$0x19100] =	vst v63  }
0x68: {  	vm1 =	vmmov vm0;
	vm2 =	vmmov vm0;
	s25 =	rddreg [dreg:$0x5];
	s31 =	simm.s32 $0x40C0;
	s20 =	simm.s32 $0x80C0  }
0x69: {  	vm3 =	vmmov vm0;
	vm4 =	vmmov vm0;
	vm1 =	vmneg @p0 vm1;
	[tilespmem:s26], [sflag:$0x2] =	stream.indirect.gather [hbm4b:s25+s22], $0x80, s0, s22, $0xb8;
	[tilespmem:$0x19100] =	vst v63  }
0x6a: {  	vm2 =	vmneg @p1 vm2;
	vm3 =	vmneg @p2 vm3;
	vm4 =	vmneg @p3 vm4;
	s21 =	sshll.u32 s17, $0x3;
	s22 =	simm.s32 $0x30C0;
	s0 =	simm.s32 $0x48F0  }
.LBB2_7:
0x6b: {  	s9 =	sadd.s32 s21, s8  }
0x6c: {  	s10 =	sshll.u32 s9, $0x7  }
0x6d: {  	v14 =	vld [tilespmem:s10+$0x0]  }
0x6e: {  	v21 =	vld [tilespmem:s10+$0x10]  }
0x6f: {  	v15 =	vld [tilespmem:s10+$0x20]  }
0x70: {  	v16 =	vld [tilespmem:s10+$0x30]  }
0x71: {  	v17 =	vld [tilespmem:s10+$0x40]  }
0x72: {  	v18 =	vld [tilespmem:s10+$0x50]  }
0x73: {  	v19 =	vld [tilespmem:s10+$0x60]  }
0x74: {  	v20 =	vld [tilespmem:s10+$0x70]  }
0x75: {  	v13 =	vmul.f32 v14, v14  }
0x76: {  	v22 =	vmul.f32 v21, v21;
	v23 =	vmul.f32 v15, v15  }
0x77: {  	v24 =	vmul.f32 v16, v16;
	v25 =	vmul.f32 v17, v17  }
0x78: {  	v29 =	vld [tilespmem:s22+$0xFFFFFFC0];
	v26 =	vmul.f32 v18, v18;
	v27 =	vmul.f32 v19, v19  }
0x79: {  	v28 =	vmul.f32 v20, v20;
	v13 =	vadd.f32 v22, v13;
	v22 =	vadd.f32 v24, v23;
	v23 =	vld [tilespmem:s22+$0xFFFFFFD0]  }
0x7a: {  	v24 =	vadd.f32 v26, v25;
	v26 =	vld [tilespmem:s22+$0xFFFFFFE0]  }
0x7b: {  	v25 =	vadd.f32 v28, v27;
	v27 =	vld [tilespmem:s22+$0xFFFFFFF0]  }
0x7c: {  	v28 =	vld [tilespmem:s22+$0x30]  }
0x7d: {  	v13 =	vadd.f32 v22, v13;
	v22 =	vadd.f32 v25, v24;
	v24 =	vld [tilespmem:s22+$0x0]  }
0x7e: {  	v25 =	vld [tilespmem:s22+$0x10]  }
0x7f: {  	v13 =	vadd.f32 v22, v13;
	v22 =	vld [tilespmem:s22+$0x20]  }
0x80: {  	v29 =	vmul.f32 v29, v14  }
0x81: {  	v23 =	vmul.f32 v23, v21;
	v26 =	vmul.f32 v26, v15  }
0x82: {  	v27 =	vmul.f32 v27, v16;
	v30 =	vperm.xlane v13, v5  }
0x83: {  	v28 =	vmul.f32 v28, v20;
	v24 =	vmul.f32 v24, v17  }
0x84: {  	v25 =	vmul.f32 v25, v18;
	v13 =	vadd.f32 v13, v30;
	v22 =	vmul.f32 v22, v19  }
0x85: {  	v29 =	vadd.f32 v23, v29;
	v26 =	vadd.f32 v27, v26  }
0x86: {  	s3 =	sadd.s32 $0x80, s22;
	v25 =	vadd.f32 v25, v24;
	v30 =	vperm.xlane v13, v1;
	v22 =	vadd.f32 v28, v22  }
0x87: {  	v31 =	vld [tilespmem:s3+$0x20];
	v26 =	vadd.f32 v26, v29  }
0x88: {  	v23 =	vld [tilespmem:s3+$0xFFFFFFC0];
	v13 =	vadd.f32 v13, v30;
	v22 =	vadd.f32 v22, v25  }
0x89: {  	v27 =	vld [tilespmem:s3+$0xFFFFFFF0]  }
0x8a: {  	v24 =	vld [tilespmem:s3+$0xFFFFFFD0];
	v29 =	vperm.xlane v13, v2;
	v33 =	vadd.f32 v22, v26  }
0x8b: {  	s2 =	simm.s32 $0x0;
	v28 =	vld [tilespmem:s3+$0x0]  }
0x8c: {  	s1 =	simm.s32 $0x1;
	s4 =	simm.s32 $0x2;
	s24 =	sor.u32 $0x10, s10;
	v25 =	vld [tilespmem:s3+$0xFFFFFFE0];
	v22 =	vadd.f32 v13, v29;
	v29 =	vperm.xlane v33, v5  }
0x8d: {  	s13 =	sor.u32 $0x20, s10;
	s5 =	sor.u32 $0x30, s10;
	s16 =	sor.u32 $0x40, s10;
	v30 =	vld [tilespmem:s3+$0x10]  }
0x8e: {  	v32 =	vld [tilespmem:s3+$0x30];
	s6 =	sor.u32 $0x50, s10;
	s12 =	sor.u32 $0x60, s10;
	s11 =	sor.u32 $0x70, s10;
	v13 =	vimm.f32 $-1.000000020e+30;
	v26 =	vperm.xlane v22, v3;
	v29 =	vadd.f32 v33, v29  }
.LBB2_8:
0x8f: {  	p0 =	sne.s32 s4, $0x3;
	v23 =	vmul.f32 v23, v14  }
0x90: {  	v24 =	vmul.f32 v24, v21;
	v33 =	vperm.xlane v29, v1  }
0x91: {  	v25 =	vmul.f32 v25, v15;
	v27 =	vmul.f32 v27, v16  }
0x92: {  	v28 =	vmul.f32 v28, v17;
	v30 =	vmul.f32 v30, v18;
	v29 =	vadd.f32 v29, v33  }
0x93: {  	v31 =	vmul.f32 v31, v19;
	v32 =	vmul.f32 v32, v20  }
0x94: {  	v25 =	vadd.f32 v27, v25;
	v33 =	vadd.f32 v24, v23;
	v24 =	vperm.xlane v29, v2  }
0x95: {  	s3 =	sadd.s32 $0x80, s3;
	v27 =	vadd.f32 v30, v28;
	v28 =	vadd.f32 v32, v31  }
0x96: {  	v23 =	vld [tilespmem:s3+$0xFFFFFFC0];
	v29 =	vadd.f32 v29, v24  }
0x97: {  	v30 =	vadd.f32 v25, v33;
	v24 =	vld [tilespmem:s3+$0xFFFFFFD0];
	v28 =	vadd.f32 v28, v27  }
0x98: {  	v25 =	vld [tilespmem:s3+$0xFFFFFFE0];
	v31 =	vperm.xlane v29, v3  }
.Ltmp2:
0x99: {  	v27 =	vld [tilespmem:s3+$0xFFFFFFF0];
	v33 =	vadd.f32 v28, v30;
	(pc) =	sbr.rel @p0 .LBB2_8-.Ltmp2, $4  }
0x9a: {  	v28 =	vld [tilespmem:s3+$0x0];
	v29 =	vadd.f32 v29, v31;
	v31 =	vmov s2;
	s2 =	smov.u32 s1;
	s1 =	smov.u32 s4  }
0x9b: {  	v30 =	vld [tilespmem:s3+$0x10];
	v34 =	vperm.xlane v33, v5;
	vm5 =	veq.s32 v31, v0  }
0x9c: {  	v31 =	vld [tilespmem:s3+$0x20];
	v13 =	vsel vm5, v29, v13  }
0x9d: {  	s4 =	sadd.s32 $0x1, s4;
	v32 =	vld [tilespmem:s3+$0x30];
	v29 =	vadd.f32 v33, v34  }
0x9e: {  	v22 =	vadd.f32 v22, v26;
	_ =	sdelay $0x1  }
0x9f: {  	v26 =	vshra.s32 v22, $0x1;
	v33 =	vmul.f32 $5.000000000e-01, v22  }
0xa0: {  	v26 =	vsub.s32 $0x5F3759DF, v26  }
0xa1: {  	v34 =	vmul.f32 v26, v33;
	_ =	sdelay $0x1  }
0xa2: {  	v34 =	vmul.f32 v26, v34;
	_ =	sdelay $0x1  }
0xa3: {  	v34 =	vsub.f32 $1.500000000e+00, v34;
	_ =	sdelay $0x1  }
0xa4: {  	v26 =	vmul.f32 v26, v34;
	_ =	sdelay $0x1  }
0xa5: {  	v34 =	vmul.f32 v26, v33  }
0xa6: {  	v23 =	vmul.f32 v23, v14  }
0xa7: {  	v24 =	vmul.f32 v24, v21;
	v34 =	vmul.f32 v34, v26  }
0xa8: {  	v25 =	vmul.f32 v25, v15;
	v27 =	vmul.f32 v27, v16  }
0xa9: {  	v28 =	vmul.f32 v28, v17;
	v30 =	vmul.f32 v30, v18;
	v34 =	vsub.f32 $1.500000000e+00, v34  }
0xaa: {  	v31 =	vmul.f32 v31, v19;
	v32 =	vmul.f32 v32, v20  }
0xab: {  	v23 =	vadd.f32 v24, v23;
	v24 =	vadd.f32 v27, v25;
	v26 =	vmul.f32 v34, v26  }
0xac: {  	v25 =	vadd.f32 v30, v28;
	v27 =	vadd.f32 v32, v31  }
0xad: {  	v28 =	vmul.f32 v26, v33  }
0xae: {  	v23 =	vadd.f32 v24, v23;
	v24 =	vadd.f32 v27, v25  }
0xaf: {  	v25 =	vmul.f32 v28, v26  }
0xb0: {  	v23 =	vadd.f32 v24, v23  }
0xb1: {  	v24 =	vsub.f32 $1.500000000e+00, v25  }
0xb2: {  	v25 =	vperm.xlane v23, v5  }
0xb3: {  	v24 =	vmul.f32 v24, v26  }
0xb4: {  	v23 =	vadd.f32 v23, v25  }
0xb5: {  	v24 =	vmul.f32 v24, v22  }
0xb6: {  	v26 =	vperm.xlane v23, v1  }
0xb7: {  	v25 =	vperm.xlane v29, v1;
	v24 =	vadd.f32 $9.999999970e-07, v24  }
0xb8: {  	vm5 =	vgt.f32 v22, $0.0e+00;
	v22 =	vadd.f32 v23, v26  }
0xb9: {  	v25 =	vadd.f32 v29, v25;
	v23 =	vnsel vm5, $0x358637BD, v24  }
0xba: {  	(erf) = vrcp.f32 v23;
	v23 =	vperm.xlane v22, v2  }
0xbb: {  	v24 =	vperm.xlane v25, v2  }
0xbc: {  	v22 =	vadd.f32 v22, v23  }
0xbd: {  	v24 =	vadd.f32 v25, v24  }
0xbe: {  	v25 =	vperm.xlane v22, v3  }
0xbf: {  	v23 =	vperm.xlane v24, v3  }
0xc0: {  	v22 =	vadd.f32 v22, v25  }
0xc1: {  	v23 =	vadd.f32 v24, v23;
	v24 =	vmov s2  }
0xc2: {  	vm5 =	veq.s32 v24, v0;
	v24 =	vmov s1  }
0xc3: {  	v13 =	vsel vm5, v23, v13;
	vm5 =	veq.s32 v24, v0  }
0xc4: {  	v13 =	vsel vm5, v22, v13;
	v22 =	vpop (erf)  }
0xc5: {  	v23 =	vmul.f32 v13, v22;
	_ =	sdelay $0x1  }
0xc6: {  	v13 =	vperm.xlane v23, v5;
	_ =	sdelay $0x1  }
0xc7: {  	v13 =	vmax.f32 v23, v13  }
0xc8: {  	v24 =	vperm.xlane v13, v6;
	_ =	sdelay $0x1  }
0xc9: {  	v13 =	vmax.f32 v13, v24  }
0xca: {  	v24 =	vperm.xlane v13, v7;
	_ =	sdelay $0x1  }
0xcb: {  	v13 =	vmax.f32 v13, v24  }
0xcc: {  	v24 =	vperm.xlane v13, v8;
	_ =	sdelay $0x1  }
0xcd: {  	v13 =	vmax.f32 v13, v24  }
0xce: {  	v23 =	vsub.f32 v23, v13;
	_ =	sdelay $0x1  }
0xcf: {  	v23 =	vmul.f32 $4.419417310e-02, v23;
	_ =	sdelay $0x1  }
0xd0: {  	v23 =	vmul.f32 $1.442695020e+00, v23;
	_ =	sdelay $0x1  }
0xd1: {  	(erf) = vpow2.f32 v23;
	_ =	sdelay $0x8  }
0xd2: {  	v23 =	vpop (erf)  }
0xd3: {  	v24 =	vperm.xlane v23, v5;
	_ =	sdelay $0x1  }
0xd4: {  	v24 =	vadd.f32 v23, v24;
	_ =	sdelay $0x1  }
0xd5: {  	v25 =	vperm.xlane v24, v6;
	_ =	sdelay $0x1  }
0xd6: {  	v24 =	vadd.f32 v24, v25;
	_ =	sdelay $0x1  }
0xd7: {  	v25 =	vperm.xlane v24, v7;
	_ =	sdelay $0x1  }
0xd8: {  	v24 =	vadd.f32 v24, v25;
	_ =	sdelay $0x1  }
0xd9: {  	v25 =	vperm.xlane v24, v8;
	_ =	sdelay $0x1  }
0xda: {  	v24 =	vadd.f32 v24, v25;
	_ =	sdelay $0x1  }
0xdb: {  	(erf) = vrcp.f32 v24;
	_ =	sdelay $0x6  }
0xdc: {  	v27 =	vld [tilespmem:s30+$0xFFFFFFC0]  }
0xdd: {  	v28 =	vld [tilespmem:s30+$0xFFFFFFD0]  }
0xde: {  	v25 =	vld [tilespmem:s30+$0x30];
	v24 =	vpop (erf)  }
0xdf: {  	s28 =	simm.s32 $0x0;
	v29 =	vld [tilespmem:s30+$0xFFFFFFE0];
	v26 =	vmul.f32 v24, v23  }
0xe0: {  	v23 =	vmov s28  }
0xe1: {  	v36 =	vld [tilespmem:s30+$0xFFFFFFF0];
	v24 =	vperm.xlane v26, v23  }
0xe2: {  	v37 =	vld [tilespmem:s30+$0x0];
	v35 =	vimm.f32 $0.0e+00;
	v30 =	vimm.f32 $0.0e+00;
	v34 =	vimm.f32 $0.0e+00  }
0xe3: {  	v31 =	vld [tilespmem:s30+$0x10];
	v33 =	vimm.f32 $0.0e+00;
	v23 =	vmul.f32 v25, v24;
	v25 =	vmul.f32 v27, v24  }
0xe4: {  	v32 =	vld [tilespmem:s30+$0x20];
	s1 =	sadd.s32 $0x80, s30;
	v38 =	vmul.f32 v28, v24;
	v39 =	vmul.f32 v29, v24;
	v28 =	vimm.f32 $0.0e+00  }
0xe5: {  	s3 =	simm.s32 $0x2;
	s2 =	simm.s32 $0x1;
	v29 =	vld [tilespmem:s1+$0x30];
	v23 =	vadd.f32 v23, v30;
	v27 =	vadd.f32 v25, v30;
	v25 =	vimm.f32 $0.0e+00  }
.LBB2_10:
0xe6: {  	p0 =	sne.s32 s3, $0x3;
	v40 =	vld [tilespmem:s1+$0xFFFFFFC0];
	v30 =	vadd.f32 v38, v30;
	v36 =	vmul.f32 v36, v24  }
0xe7: {  	v38 =	vmov s2;
	s2 =	smov.u32 s3;
	v41 =	vld [tilespmem:s1+$0xFFFFFFD0];
	v33 =	vadd.f32 v39, v33;
	v37 =	vmul.f32 v37, v24  }
0xe8: {  	v38 =	vperm.xlane v26, v38;
	v39 =	vld [tilespmem:s1+$0xFFFFFFE0];
	v34 =	vadd.f32 v36, v34;
	v31 =	vmul.f32 v31, v24  }
.Ltmp3:
0xe9: {  	v36 =	vld [tilespmem:s1+$0xFFFFFFF0];
	v35 =	vadd.f32 v37, v35;
	v32 =	vmul.f32 v32, v24;
	(pc) =	sbr.rel @p0 .LBB2_10-.Ltmp3, $4  }
0xea: {  	v24 =	vmov v38;
	v37 =	vld [tilespmem:s1+$0x0];
	v29 =	vmul.f32 v29, v38;
	v28 =	vadd.f32 v31, v28  }
0xeb: {  	v40 =	vmul.f32 v40, v24;
	v31 =	vld [tilespmem:s1+$0x10];
	v25 =	vadd.f32 v32, v25  }
0xec: {  	v38 =	vmul.f32 v41, v24;
	v32 =	vld [tilespmem:s1+$0x20];
	v23 =	vadd.f32 v29, v23;
	s1 =	sadd.s32 $0x80, s1  }
0xed: {  	s3 =	sadd.s32 $0x1, s3;
	v29 =	vld [tilespmem:s1+$0x30];
	v27 =	vadd.f32 v40, v27;
	v39 =	vmul.f32 v39, v24  }
0xee: {  	v40 =	vld [tilespmem:s1+$0xFFFFFFC0]  }
0xef: {  	v41 =	vld [tilespmem:s1+$0xFFFFFFD0]  }
0xf0: {  	v42 =	vmov s2;
	v43 =	vld [tilespmem:s1+$0xFFFFFFE0]  }
0xf1: {  	v59 =	vld [tilespmem:s1+$0xFFFFFFF0];
	v26 =	vperm.xlane v26, v42  }
0xf2: {  	v36 =	vmul.f32 v36, v24;
	v44 =	vld [tilespmem:s1+$0x0]  }
0xf3: {  	v30 =	vadd.f32 v38, v30;
	v61 =	vld [tilespmem:s1+$0x10];
	v37 =	vmul.f32 v37, v24;
	v60 =	vmul.f32 v40, v26  }
0xf4: {  	v63 =	vld [tilespmem:s1+$0x20];
	v33 =	vadd.f32 v39, v33;
	v34 =	vadd.f32 v36, v34;
	v62 =	vmul.f32 v41, v26  }
0xf5: {  	v31 =	vmul.f32 v31, v24;
	v41 =	vmul.f32 v43, v26;
	v27 =	vadd.f32 v60, v27  }
0xf6: {  	v35 =	vadd.f32 v37, v35;
	v42 =	vmul.f32 v59, v26;
	v30 =	vadd.f32 v62, v30  }
0xf7: {  	v24 =	vmul.f32 v32, v24;
	v44 =	vmul.f32 v44, v26;
	v43 =	vadd.f32 v41, v33;
	[tilespmem:s10+$0x15080] =	vst v27  }
0xf8: {  	v27 =	vadd.f32 v31, v28;
	v28 =	vadd.f32 v42, v34;
	v31 =	vmul.f32 v61, v26;
	[tilespmem:s24+$0x15080] =	vst v30  }
0xf9: {  	v24 =	vadd.f32 v24, v25;
	v25 =	vadd.f32 v44, v35;
	v30 =	vmul.f32 v63, v26;
	[tilespmem:s13+$0x15080] =	vst v43  }
0xfa: {  	v26 =	vmul.f32 v29, v26;
	v27 =	vadd.f32 v31, v27;
	[tilespmem:s5+$0x15080] =	vst v28  }
0xfb: {  	v24 =	vadd.f32 v30, v24;
	[tilespmem:s16+$0x15080] =	vst v25  }
0xfc: {  	v23 =	vadd.f32 v26, v23;
	[tilespmem:s6+$0x15080] =	vst v27  }
0xfd: {  	[tilespmem:s12+$0x15080] =	vst v24  }
0xfe: {  	[tilespmem:s11+$0x15080] =	vst v23  }
0xff: {  	v23 =	vld [tilespmem:s31+$0xFFFFFFC0]  }
0x100: {  	v24 =	vld [tilespmem:s31+$0xFFFFFFD0]  }
0x101: {  	v25 =	vld [tilespmem:s31+$0xFFFFFFE0]  }
0x102: {  	v26 =	vld [tilespmem:s31+$0xFFFFFFF0]  }
0x103: {  	v27 =	vld [tilespmem:s31+$0x0]  }
0x104: {  	v28 =	vld [tilespmem:s31+$0x10]  }
0x105: {  	v29 =	vld [tilespmem:s31+$0x20]  }
0x106: {  	v30 =	vld [tilespmem:s31+$0x30]  }
0x107: {  	s25 =	sadd.s32 $0x80, s31  }
0x108: {  	v31 =	vld [tilespmem:s25+$0xFFFFFFC0];
	v23 =	vmul.f32 v23, v14;
	v24 =	vmul.f32 v24, v21  }
0x109: {  	v32 =	vld [tilespmem:s25+$0xFFFFFFD0];
	v25 =	vmul.f32 v25, v15;
	v26 =	vmul.f32 v26, v16  }
0x10a: {  	v45 =	vld [tilespmem:s25+$0xFFFFFFE0];
	v27 =	vmul.f32 v27, v17;
	v28 =	vmul.f32 v28, v18  }
0x10b: {  	v46 =	vld [tilespmem:s25+$0xFFFFFFF0];
	v29 =	vmul.f32 v29, v19;
	v30 =	vmul.f32 v30, v20  }
0x10c: {  	v23 =	vadd.f32 v24, v23;
	v24 =	vld [tilespmem:s25+$0x0];
	v25 =	vadd.f32 v26, v25  }
0x10d: {  	v26 =	vld [tilespmem:s25+$0x10];
	v27 =	vadd.f32 v28, v27;
	v28 =	vadd.f32 v30, v29  }
0x10e: {  	v29 =	vld [tilespmem:s25+$0x20]  }
0x10f: {  	s1 =	sadd.s32 $0x80, s25;
	v23 =	vadd.f32 v25, v23;
	v25 =	vld [tilespmem:s25+$0x30];
	v27 =	vadd.f32 v28, v27  }
0x110: {  	v49 =	vld [tilespmem:s1+$0xFFFFFFE0];
	v47 =	vmul.f32 v45, v15  }
0x111: {  	v51 =	vld [tilespmem:s1+$0xFFFFFFF0];
	v48 =	vmul.f32 v46, v16;
	v28 =	vmul.f32 v31, v14;
	v23 =	vadd.f32 v27, v23  }
0x112: {  	v30 =	vld [tilespmem:s1+$0xFFFFFFC0];
	v31 =	vmul.f32 v32, v21;
	v24 =	vmul.f32 v24, v17  }
0x113: {  	v52 =	vld [tilespmem:s1+$0x10];
	v26 =	vmul.f32 v26, v18;
	v50 =	vperm.xlane v23, v5  }
0x114: {  	v32 =	vadd.f32 v48, v47;
	v27 =	vld [tilespmem:s1+$0xFFFFFFD0];
	v29 =	vmul.f32 v29, v19;
	v25 =	vmul.f32 v25, v20  }
0x115: {  	v28 =	vadd.f32 v31, v28;
	v31 =	vld [tilespmem:s1+$0x0];
	v23 =	vadd.f32 v23, v50  }
0x116: {  	v53 =	vld [tilespmem:s1+$0x30];
	v24 =	vadd.f32 v26, v24;
	v25 =	vadd.f32 v25, v29  }
0x117: {  	s3 =	sadd.s32 $0x80, s1;
	v26 =	vld [tilespmem:s1+$0x20];
	v29 =	vmul.f32 v30, v14;
	v30 =	vperm.xlane v23, v1  }
0x118: {  	v57 =	vld [tilespmem:s3+$0xFFFFFFD0];
	v54 =	vmul.f32 v51, v16;
	v28 =	vadd.f32 v32, v28;
	v24 =	vadd.f32 v25, v24  }
0x119: {  	v33 =	vmul.f32 v52, v18;
	v27 =	vmul.f32 v27, v21;
	v30 =	vadd.f32 v23, v30  }
0x11a: {  	v31 =	vmul.f32 v31, v17;
	v25 =	vmul.f32 v49, v15;
	v56 =	vadd.f32 v24, v28  }
0x11b: {  	v55 =	vld [tilespmem:s3+$0xFFFFFFC0];
	v61 =	vadd.f32 v27, v29;
	v27 =	vmul.f32 v53, v20;
	v58 =	vperm.xlane v30, v2  }
0x11c: {  	v31 =	vadd.f32 v33, v31;
	v59 =	vmul.f32 v26, v19;
	v26 =	vld [tilespmem:s3+$0xFFFFFFE0];
	v60 =	vperm.xlane v56, v5  }
0x11d: {  	s26 =	simm.s32 $0x0;
	v33 =	vmul.f32 v57, v21;
	v23 =	vimm.f32 $0.0e+00;
	v28 =	vld [tilespmem:s3+$0xFFFFFFF0];
	v62 =	vadd.f32 v30, v58  }
0x11e: {  	v29 =	vld [tilespmem:s3+$0x0];
	v24 =	vmov s26;
	v25 =	vadd.f32 v54, v25;
	v32 =	vadd.f32 v56, v60  }
0x11f: {  	s28 =	simm.s32 $0x1;
	vm5 =	veq.s32 v24, v0;
	v39 =	vadd.f32 v27, v59;
	v30 =	vld [tilespmem:s3+$0x10];
	v63 =	vperm.xlane v62, v3  }
0x120: {  	s15 =	simm.s32 $0x4;
	s4 =	simm.s32 $0x1;
	s2 =	simm.s32 $0x2;
	v34 =	vld [tilespmem:s3+$0x20];
	v27 =	vmul.f32 v55, v14;
	v36 =	vadd.f32 v25, v61;
	v37 =	vperm.xlane v32, v1  }
0x121: {  	v35 =	vld [tilespmem:s3+$0x30];
	s25 =	simm.s32 $0x3;
	s1 =	simm.s32 $0x3;
	s26 =	simm.s32 $0x2;
	v25 =	vimm.f32 $0.0e+00;
	v38 =	vadd.f32 v39, v31;
	v31 =	vadd.f32 v62, v63  }
.LBB2_12:
0x122: {  	p0 =	sne.s32 s15, $0xF;
	v39 =	vmul.f32 v26, v15;
	v40 =	vmul.f32 v28, v16;
	s3 =	sadd.s32 $0x80, s3;
	v32 =	vadd.f32 v32, v37  }
0x123: {  	v37 =	vld [tilespmem:s3+$0xFFFFFFC0];
	v41 =	vmul.f32 v29, v17;
	v36 =	vadd.f32 v38, v36;
	v25 =	vsel vm5, v31, v25  }
0x124: {  	v31 =	vld [tilespmem:s3+$0xFFFFFFD0];
	v38 =	vmul.f32 v30, v18;
	v29 =	vperm.xlane v32, v2  }
0x125: {  	v42 =	vmov s4;
	s4 =	smov.u32 s2;
	s2 =	smov.u32 s1;
	s1 =	smov.u32 s15;
	v26 =	vld [tilespmem:s3+$0xFFFFFFE0];
	v34 =	vmul.f32 v34, v19;
	v30 =	vperm.xlane v36, v5  }
.Ltmp4:
0x126: {  	v33 =	vadd.f32 v33, v27;
	v28 =	vld [tilespmem:s3+$0xFFFFFFF0];
	v35 =	vmul.f32 v35, v20;
	v43 =	vadd.f32 v32, v29;
	(pc) =	sbr.rel @p0 .LBB2_12-.Ltmp4, $4  }
0x127: {  	vm5 =	veq.s32 v42, v0;
	v39 =	vadd.f32 v40, v39;
	v29 =	vld [tilespmem:s3+$0x0];
	v32 =	vadd.f32 v36, v30  }
0x128: {  	v38 =	vadd.f32 v38, v41;
	v30 =	vld [tilespmem:s3+$0x10];
	v40 =	vadd.f32 v35, v34;
	v41 =	vperm.xlane v43, v3  }
0x129: {  	v36 =	vadd.f32 v39, v33;
	v27 =	vmul.f32 v37, v14;
	v34 =	vld [tilespmem:s3+$0x20];
	v37 =	vperm.xlane v32, v1  }
0x12a: {  	s15 =	sadd.s32 $0x1, s15;
	v33 =	vmul.f32 v31, v21;
	v35 =	vld [tilespmem:s3+$0x30];
	v38 =	vadd.f32 v40, v38;
	v31 =	vadd.f32 v43, v41  }
0x12b: {  	v46 =	vld [tilespmem:s0+$0xFFFFFF90]  }
0x12c: {  	v26 =	vmul.f32 v26, v15;
	v47 =	vld [tilespmem:s0+$0xFFFFFFA0];
	v36 =	vadd.f32 v38, v36  }
0x12d: {  	v28 =	vmul.f32 v28, v16;
	v48 =	vld [tilespmem:s0+$0xFFFFFFB0];
	v29 =	vmul.f32 v29, v17  }
0x12e: {  	v32 =	vadd.f32 v32, v37;
	v50 =	vld [tilespmem:s0+$0xFFFFFFC0];
	v30 =	vmul.f32 v30, v18;
	v45 =	vperm.xlane v36, v5  }
0x12f: {  	v51 =	vld [tilespmem:s0+$0xFFFFFFE0];
	v27 =	vadd.f32 v33, v27;
	v34 =	vmul.f32 v34, v19;
	v35 =	vmul.f32 v35, v20  }
0x130: {  	v52 =	vld [tilespmem:s0+$0x0];
	s3 =	sadd.s32 $0x80, s0;
	v26 =	vadd.f32 v28, v26;
	v28 =	vadd.f32 v36, v45  }
0x131: {  	v57 =	vld [tilespmem:s3+$0xFFFFFFA0];
	v29 =	vadd.f32 v30, v29;
	v30 =	vadd.f32 v35, v34  }
0x132: {  	v39 =	vmov s4;
	v58 =	vld [tilespmem:s3+$0xFFFFFFB0];
	v26 =	vadd.f32 v26, v27;
	v27 =	vperm.xlane v28, v1  }
0x133: {  	v25 =	vsel vm5, v31, v25;
	v49 =	vperm.xlane v32, v2;
	v29 =	vadd.f32 v30, v29;
	v30 =	vld [tilespmem:s0+$0xFFFFFFD0]  }
0x134: {  	v31 =	vmul.f32 v46, v14;
	v53 =	vmul.f32 v47, v21;
	v27 =	vadd.f32 v28, v27;
	v28 =	vld [tilespmem:s0+$0xFFFFFFF0]  }
0x135: {  	v32 =	vadd.f32 v32, v49;
	v55 =	vmul.f32 v48, v15;
	v56 =	vmul.f32 v50, v16  }
0x136: {  	v61 =	vld [tilespmem:s3+$0xFFFFFFD0];
	v38 =	vmul.f32 v52, v20;
	v35 =	vmul.f32 v51, v18;
	v26 =	vadd.f32 v29, v26  }
0x137: {  	vm5 =	veq.s32 v39, v0;
	v63 =	vld [tilespmem:s3+$0xFFFFFFF0];
	s15 =	sadd.s32 $0x80, s3;
	v45 =	vmul.f32 v57, v21;
	v29 =	vperm.xlane v32, v3  }
0x138: {  	v47 =	vld [tilespmem:s15+$0xFFFFFF90];
	v46 =	vmul.f32 v58, v15;
	v31 =	vadd.f32 v53, v31;
	v41 =	vperm.xlane v26, v5  }
0x139: {  	v44 =	vld [tilespmem:s3+$0x0];
	v29 =	vadd.f32 v32, v29;
	v30 =	vmul.f32 v30, v17;
	v28 =	vmul.f32 v28, v19  }
0x13a: {  	v40 =	vperm.xlane v27, v2;
	v32 =	vadd.f32 v56, v55;
	v26 =	vadd.f32 v26, v41  }
0x13b: {  	v54 =	vld [tilespmem:s3+$0xFFFFFF90];
	v34 =	vmul.f32 v61, v17;
	v30 =	vadd.f32 v35, v30;
	v28 =	vadd.f32 v38, v28  }
0x13c: {  	v59 =	vld [tilespmem:s3+$0xFFFFFFC0];
	v33 =	vmul.f32 v63, v19;
	v27 =	vadd.f32 v27, v40;
	v60 =	vperm.xlane v26, v1  }
0x13d: {  	v62 =	vld [tilespmem:s3+$0xFFFFFFE0];
	v39 =	vmul.f32 v47, v14;
	v31 =	vadd.f32 v32, v31;
	v28 =	vadd.f32 v28, v30  }
0x13e: {  	v48 =	vld [tilespmem:s15+$0xFFFFFFA0];
	v25 =	vsel vm5, v29, v25;
	v32 =	vmul.f32 v44, v20;
	v26 =	vadd.f32 v26, v60  }
0x13f: {  	v29 =	vmov s2;
	v43 =	vperm.xlane v27, v3;
	v28 =	vadd.f32 v28, v31  }
0x140: {  	v51 =	vld [tilespmem:s15+$0xFFFFFFC0];
	vm5 =	veq.s32 v29, v0;
	v32 =	vadd.f32 v32, v33;
	v29 =	vperm.xlane v26, v2  }
0x141: {  	v27 =	vadd.f32 v27, v43;
	v30 =	vmul.f32 v54, v14;
	v50 =	vperm.xlane v28, v5  }
0x142: {  	v53 =	vld [tilespmem:s15+$0xFFFFFFD0];
	v31 =	vmul.f32 v59, v16;
	v26 =	vadd.f32 v26, v29;
	v29 =	vmul.f32 v62, v18  }
0x143: {  	v49 =	vld [tilespmem:s15+$0xFFFFFFB0];
	v57 =	vmul.f32 v48, v21;
	v30 =	vadd.f32 v45, v30;
	v28 =	vadd.f32 v28, v50  }
0x144: {  	v25 =	vsel vm5, v27, v25;
	v27 =	vld [tilespmem:s15+$0xFFFFFFE0];
	v31 =	vadd.f32 v31, v46;
	v29 =	vadd.f32 v29, v34  }
0x145: {  	v36 =	vmul.f32 v51, v16;
	v55 =	vld [tilespmem:s15+$0xFFFFFFF0];
	v56 =	vperm.xlane v28, v1  }
0x146: {  	v52 =	vperm.xlane v26, v3;
	v30 =	vadd.f32 v31, v30;
	v31 =	vld [tilespmem:s15+$0x0];
	v29 =	vadd.f32 v32, v29  }
0x147: {  	v40 =	vmul.f32 v53, v17;
	v54 =	vmov s1;
	s1 =	sadd.s32 $0x80, s15;
	v37 =	vadd.f32 v28, v56  }
0x148: {  	v35 =	vmul.f32 v49, v15;
	v58 =	vld [tilespmem:s1+$0xFFFFFF90];
	v26 =	vadd.f32 v26, v52;
	v30 =	vadd.f32 v29, v30  }
0x149: {  	vm5 =	veq.s32 v54, v0;
	v59 =	vld [tilespmem:s1+$0xFFFFFFA0];
	v60 =	vmul.f32 v27, v18;
	v27 =	vperm.xlane v37, v2  }
0x14a: {  	v35 =	vadd.f32 v36, v35;
	v25 =	vsel vm5, v26, v25;
	v26 =	vld [tilespmem:s1+$0xFFFFFFB0];
	v42 =	vperm.xlane v30, v5  }
0x14b: {  	v34 =	vmul.f32 v55, v19;
	v28 =	vld [tilespmem:s1+$0xFFFFFFC0];
	v43 =	vmul.f32 v31, v20;
	v61 =	vadd.f32 v37, v27  }
0x14c: {  	v32 =	vadd.f32 v57, v39;
	v29 =	vld [tilespmem:s1+$0xFFFFFFD0];
	vm5 =	veq.s32 v24, v0;
	v27 =	vadd.f32 v30, v42  }
0x14d: {  	v31 =	vld [tilespmem:s1+$0xFFFFFFE0];
	v62 =	vadd.f32 v43, v34;
	v30 =	vadd.f32 v60, v40;
	v63 =	vperm.xlane v61, v3  }
0x14e: {  	v33 =	vld [tilespmem:s1+$0xFFFFFFF0];
	v24 =	vmul.f32 v58, v14;
	v36 =	vadd.f32 v35, v32;
	v35 =	vperm.xlane v27, v1  }
0x14f: {  	s2 =	simm.s32 $0x4;
	v32 =	vmul.f32 v59, v21;
	v34 =	vld [tilespmem:s1+$0x0];
	v37 =	vadd.f32 v62, v30;
	v30 =	vadd.f32 v61, v63  }
.LBB2_14:
0x150: {  	p0 =	sne.s32 s2, $0xF;
	v38 =	vmul.f32 v26, v15;
	v39 =	vmul.f32 v28, v16;
	s1 =	sadd.s32 $0x80, s1;
	v27 =	vadd.f32 v27, v35  }
0x151: {  	v35 =	vld [tilespmem:s1+$0xFFFFFF90];
	v40 =	vmul.f32 v29, v17;
	v36 =	vadd.f32 v37, v36;
	v23 =	vsel vm5, v30, v23  }
0x152: {  	v30 =	vld [tilespmem:s1+$0xFFFFFFA0];
	v37 =	vmul.f32 v31, v18;
	v29 =	vperm.xlane v27, v2  }
0x153: {  	v41 =	vmov s28;
	s28 =	smov.u32 s26;
	s26 =	smov.u32 s25;
	s25 =	smov.u32 s2;
	v26 =	vld [tilespmem:s1+$0xFFFFFFB0];
	v33 =	vmul.f32 v33, v19;
	v31 =	vperm.xlane v36, v5  }
.Ltmp5:
0x154: {  	v32 =	vadd.f32 v32, v24;
	v28 =	vld [tilespmem:s1+$0xFFFFFFC0];
	v34 =	vmul.f32 v34, v20;
	v42 =	vadd.f32 v27, v29;
	(pc) =	sbr.rel @p0 .LBB2_14-.Ltmp5, $4  }
0x155: {  	vm5 =	veq.s32 v41, v0;
	v38 =	vadd.f32 v39, v38;
	v29 =	vld [tilespmem:s1+$0xFFFFFFD0];
	v27 =	vadd.f32 v36, v31  }
0x156: {  	v37 =	vadd.f32 v37, v40;
	v31 =	vld [tilespmem:s1+$0xFFFFFFE0];
	v39 =	vadd.f32 v34, v33;
	v40 =	vperm.xlane v42, v3  }
0x157: {  	v36 =	vadd.f32 v38, v32;
	v24 =	vmul.f32 v35, v14;
	v33 =	vld [tilespmem:s1+$0xFFFFFFF0];
	v35 =	vperm.xlane v27, v1  }
0x158: {  	s2 =	sadd.s32 $0x1, s2;
	v32 =	vmul.f32 v30, v21;
	v34 =	vld [tilespmem:s1+$0x0];
	v37 =	vadd.f32 v39, v37;
	v30 =	vadd.f32 v42, v40  }
0x159: {  	_ =	sdelay $0x1  }
0x15a: {  	v14 =	vmul.f32 v26, v15;
	v15 =	vmul.f32 v28, v16  }
0x15b: {  	v16 =	vmul.f32 v29, v17;
	v17 =	vmul.f32 v31, v18  }
0x15c: {  	v18 =	vmul.f32 v33, v19;
	v19 =	vmul.f32 v34, v20  }
0x15d: {  	v14 =	vadd.f32 v15, v14;
	v20 =	vadd.f32 v32, v24  }
0x15e: {  	v15 =	vadd.f32 v17, v16;
	v16 =	vadd.f32 v19, v18;
	_ =	sdelay $0x1  }
0x15f: {  	v14 =	vadd.f32 v14, v20;
	v15 =	vadd.f32 v16, v15  }
0x160: {  	v16 =	vadd.f32 v37, v36  }
0x161: {  	v14 =	vadd.f32 v15, v14  }
0x162: {  	v15 =	vperm.xlane v16, v5  }
0x163: {  	v17 =	vperm.xlane v14, v5  }
0x164: {  	v15 =	vadd.f32 v16, v15  }
0x165: {  	v14 =	vadd.f32 v14, v17  }
0x166: {  	v16 =	vadd.f32 v27, v35;
	v17 =	vperm.xlane v15, v1  }
0x167: {  	v18 =	vperm.xlane v14, v1  }
0x168: {  	v19 =	vperm.xlane v16, v2;
	v15 =	vadd.f32 v15, v17  }
0x169: {  	v14 =	vadd.f32 v14, v18  }
0x16a: {  	v16 =	vadd.f32 v16, v19;
	v17 =	vperm.xlane v15, v2  }
0x16b: {  	v18 =	vperm.xlane v14, v2  }
0x16c: {  	v19 =	vperm.xlane v16, v3;
	v15 =	vadd.f32 v15, v17  }
0x16d: {  	v14 =	vadd.f32 v14, v18  }
0x16e: {  	v17 =	vmov s28;
	v16 =	vadd.f32 v16, v19;
	v18 =	vperm.xlane v15, v3  }
0x16f: {  	v19 =	vsel vm5, v30, v23;
	vm5 =	veq.s32 v17, v0;
	v17 =	vperm.xlane v14, v3  }
0x170: {  	v16 =	vsel vm5, v16, v19;
	v19 =	vmov s26;
	v15 =	vadd.f32 v15, v18  }
0x171: {  	vm5 =	veq.s32 v19, v0;
	v18 =	vmov s25;
	v14 =	vadd.f32 v14, v17  }
0x172: {  	v15 =	vsel vm5, v15, v16;
	vm5 =	veq.s32 v18, v0  }
0x173: {  	v14 =	vsel vm5, v14, v15  }
0x174: {  	v15 =	vmul.f32 v25, v22;
	v16 =	vmul.f32 v14, v22;
	_ =	sdelay $0x1  }
0x175: {  	v14 =	vmax.f32 v15, v16  }
0x176: {  	v17 =	vperm.xlane v14, v5;
	_ =	sdelay $0x1  }
0x177: {  	v14 =	vmax.f32 v14, v17  }
0x178: {  	v17 =	vperm.xlane v14, v6;
	_ =	sdelay $0x1  }
0x179: {  	v14 =	vmax.f32 v14, v17  }
0x17a: {  	v17 =	vperm.xlane v14, v7;
	_ =	sdelay $0x1  }
0x17b: {  	v14 =	vmax.f32 v14, v17  }
0x17c: {  	v17 =	vperm.xlane v14, v8;
	_ =	sdelay $0x1  }
0x17d: {  	v14 =	vmax.f32 v14, v17  }
0x17e: {  	v15 =	vsub.f32 v15, v14  }
0x17f: {  	v16 =	vsub.f32 v16, v14  }
0x180: {  	v15 =	vmul.f32 $8.838834610e-02, v15  }
0x181: {  	v16 =	vmul.f32 $8.838834610e-02, v16  }
0x182: {  	v15 =	vmul.f32 $1.442695020e+00, v15  }
0x183: {  	v16 =	vmul.f32 $1.442695020e+00, v16  }
0x184: {  	(erf) = vpow2.f32 v15  }
0x185: {  	(erf) = vpow2.f32 v16;
	_ =	sdelay $0x7  }
0x186: {  	v17 =	vpop (erf)  }
0x187: {  	v15 =	vpop (erf)  }
0x188: {  	v16 =	vadd.f32 v15, v17;
	_ =	sdelay $0x1  }
0x189: {  	v18 =	vperm.xlane v16, v5;
	_ =	sdelay $0x1  }
0x18a: {  	v16 =	vadd.f32 v16, v18;
	_ =	sdelay $0x1  }
0x18b: {  	v18 =	vperm.xlane v16, v6;
	_ =	sdelay $0x1  }
0x18c: {  	v16 =	vadd.f32 v16, v18;
	_ =	sdelay $0x1  }
0x18d: {  	v18 =	vperm.xlane v16, v7;
	_ =	sdelay $0x1  }
0x18e: {  	v16 =	vadd.f32 v16, v18;
	_ =	sdelay $0x1  }
0x18f: {  	v18 =	vperm.xlane v16, v8;
	_ =	sdelay $0x1  }
0x190: {  	v16 =	vadd.f32 v16, v18;
	_ =	sdelay $0x1  }
0x191: {  	(erf) = vrcp.f32 v16;
	_ =	sdelay $0x6  }
0x192: {  	v23 =	vld [tilespmem:s20+$0xFFFFFFE0]  }
0x193: {  	v19 =	vld [tilespmem:s20+$0xFFFFFFC0]  }
0x194: {  	v18 =	vld [tilespmem:s20+$0x30];
	v16 =	vpop (erf)  }
0x195: {  	s1 =	simm.s32 $0x0;
	v22 =	vld [tilespmem:s20+$0xFFFFFFD0];
	v17 =	vmul.f32 v16, v17  }
0x196: {  	v21 =	vmov s1  }
0x197: {  	v30 =	vld [tilespmem:s20+$0xFFFFFFF0];
	v21 =	vperm.xlane v17, v21  }
0x198: {  	v28 =	vld [tilespmem:s20+$0x0];
	v26 =	vimm.f32 $0.0e+00;
	v24 =	vimm.f32 $0.0e+00;
	v20 =	vimm.f32 $0.0e+00  }
0x199: {  	v27 =	vld [tilespmem:s20+$0x10];
	v25 =	vimm.f32 $0.0e+00;
	v18 =	vmul.f32 v18, v21;
	v19 =	vmul.f32 v19, v21  }
0x19a: {  	v29 =	vld [tilespmem:s20+$0x20];
	s1 =	sadd.s32 $0x80, s20;
	v32 =	vmul.f32 v22, v21;
	v33 =	vmul.f32 v23, v21;
	v22 =	vimm.f32 $0.0e+00  }
0x19b: {  	s2 =	simm.s32 $0x1;
	s3 =	simm.s32 $0x2;
	v31 =	vld [tilespmem:s1+$0x30];
	v23 =	vimm.f32 $0.0e+00;
	v18 =	vadd.f32 v18, v20;
	v19 =	vadd.f32 v19, v20  }
.LBB2_16:
0x19c: {  	p0 =	seq.s32 s3, $0xF;
	v34 =	vld [tilespmem:s1+$0xFFFFFFC0];
	v20 =	vadd.f32 v32, v20;
	v30 =	vmul.f32 v30, v21  }
0x19d: {  	v32 =	vmov s2;
	s2 =	smov.u32 s3;
	v35 =	vld [tilespmem:s1+$0xFFFFFFD0];
	v26 =	vadd.f32 v33, v26;
	v28 =	vmul.f32 v28, v21  }
0x19e: {  	v32 =	vperm.xlane v17, v32;
	v33 =	vld [tilespmem:s1+$0xFFFFFFE0];
	v24 =	vadd.f32 v30, v24;
	v27 =	vmul.f32 v27, v21  }
.Ltmp6:
0x19f: {  	v30 =	vld [tilespmem:s1+$0xFFFFFFF0];
	v25 =	vadd.f32 v28, v25;
	v29 =	vmul.f32 v29, v21;
	(pc) =	sbr.rel @!p0 .LBB2_16-.Ltmp6, $4  }
0x1a0: {  	v21 =	vmov v32;
	v28 =	vld [tilespmem:s1+$0x0];
	v31 =	vmul.f32 v31, v32;
	v22 =	vadd.f32 v27, v22  }
0x1a1: {  	v34 =	vmul.f32 v34, v21;
	v27 =	vld [tilespmem:s1+$0x10];
	v23 =	vadd.f32 v29, v23  }
0x1a2: {  	v32 =	vmul.f32 v35, v21;
	v29 =	vld [tilespmem:s1+$0x20];
	v18 =	vadd.f32 v31, v18;
	s1 =	sadd.s32 $0x80, s1  }
0x1a3: {  	s3 =	sadd.s32 $0x1, s3;
	v31 =	vld [tilespmem:s1+$0x30];
	v19 =	vadd.f32 v34, v19;
	v33 =	vmul.f32 v33, v21  }
0x1a4: {  	v34 =	vld [tilespmem:s1+$0xFFFFFFC0]  }
0x1a5: {  	v35 =	vld [tilespmem:s1+$0xFFFFFFD0]  }
0x1a6: {  	v36 =	vld [tilespmem:s1+$0xFFFFFFE0]  }
0x1a7: {  	v37 =	vld [tilespmem:s1+$0xFFFFFFF0];
	v30 =	vmul.f32 v30, v21;
	v61 =	vmov s2;
	v16 =	vmul.f32 v16, v15  }
0x1a8: {  	v20 =	vadd.f32 v32, v20;
	v38 =	vld [tilespmem:s1+$0x0];
	v28 =	vmul.f32 v28, v21;
	v17 =	vperm.xlane v17, v61  }
0x1a9: {  	v62 =	vld [tilespmem:s1+$0x10];
	v30 =	vadd.f32 v30, v24;
	v24 =	vmul.f32 v27, v21;
	v21 =	vmul.f32 v29, v21  }
0x1aa: {  	v26 =	vadd.f32 v33, v26;
	v27 =	vld [tilespmem:s1+$0x20];
	v25 =	vadd.f32 v28, v25;
	v28 =	vmul.f32 v31, v17  }
0x1ab: {  	v31 =	vadd.f32 v24, v22;
	v29 =	vmul.f32 v34, v17;
	v23 =	vadd.f32 v21, v23  }
0x1ac: {  	v21 =	vmul.f32 v35, v17;
	v28 =	vadd.f32 v28, v18;
	v18 =	vmul.f32 v36, v17  }
0x1ad: {  	v24 =	vadd.f32 v29, v19;
	v19 =	vmul.f32 v37, v17;
	v29 =	vmul.f32 v38, v17  }
0x1ae: {  	v15 =	vld [tilespmem:s7+$0x0];
	v20 =	vadd.f32 v21, v20;
	v21 =	vadd.f32 v18, v26;
	v18 =	vmul.f32 v62, v17  }
0x1af: {  	v17 =	vmul.f32 v27, v17;
	v22 =	vadd.f32 v19, v30;
	v19 =	vadd.f32 v29, v25;
	v25 =	vld [tilespmem:s7+$0xFFFFFF90]  }
0x1b0: {  	s28 =	simm.s32 $0x0;
	v30 =	vld [tilespmem:s7+$0xFFFFFFA0]  }
0x1b1: {  	v18 =	vadd.f32 v18, v31;
	v17 =	vadd.f32 v17, v23;
	v23 =	vmov s28;
	v31 =	vld [tilespmem:s7+$0xFFFFFFB0]  }
0x1b2: {  	v29 =	vld [tilespmem:s7+$0xFFFFFFC0];
	v23 =	vperm.xlane v16, v23  }
0x1b3: {  	v26 =	vld [tilespmem:s7+$0xFFFFFFD0]  }
0x1b4: {  	v27 =	vld [tilespmem:s7+$0xFFFFFFE0];
	v15 =	vmul.f32 v15, v23;
	v63 =	vmul.f32 v25, v23  }
0x1b5: {  	s1 =	sadd.s32 $0x80, s7;
	v30 =	vmul.f32 v30, v23;
	v25 =	vld [tilespmem:s7+$0xFFFFFFF0]  }
0x1b6: {  	s2 =	simm.s32 $0x1;
	s3 =	simm.s32 $0x2;
	v15 =	vadd.f32 v15, v28;
	v28 =	vld [tilespmem:s1+$0x0];
	v31 =	vmul.f32 v31, v23;
	v24 =	vadd.f32 v63, v24  }
.LBB2_18:
0x1b7: {  	p0 =	sne.s32 s3, $0xF;
	v32 =	vld [tilespmem:s1+$0xFFFFFF90];
	v20 =	vadd.f32 v30, v20;
	v29 =	vmul.f32 v29, v23  }
0x1b8: {  	v30 =	vmov s2;
	s2 =	smov.u32 s3;
	v33 =	vld [tilespmem:s1+$0xFFFFFFA0];
	v21 =	vadd.f32 v31, v21;
	v26 =	vmul.f32 v26, v23  }
0x1b9: {  	v30 =	vperm.xlane v16, v30;
	v31 =	vld [tilespmem:s1+$0xFFFFFFB0];
	v22 =	vadd.f32 v29, v22;
	v27 =	vmul.f32 v27, v23  }
.Ltmp7:
0x1ba: {  	v29 =	vld [tilespmem:s1+$0xFFFFFFC0];
	v19 =	vadd.f32 v26, v19;
	v25 =	vmul.f32 v25, v23;
	(pc) =	sbr.rel @p0 .LBB2_18-.Ltmp7, $4  }
0x1bb: {  	v23 =	vmov v30;
	v26 =	vld [tilespmem:s1+$0xFFFFFFD0];
	v28 =	vmul.f32 v28, v30;
	v18 =	vadd.f32 v27, v18  }
0x1bc: {  	v32 =	vmul.f32 v32, v23;
	v27 =	vld [tilespmem:s1+$0xFFFFFFE0];
	v17 =	vadd.f32 v25, v17  }
0x1bd: {  	v30 =	vmul.f32 v33, v23;
	v25 =	vld [tilespmem:s1+$0xFFFFFFF0];
	v15 =	vadd.f32 v28, v15;
	s1 =	sadd.s32 $0x80, s1  }
0x1be: {  	s3 =	sadd.s32 $0x1, s3;
	v28 =	vld [tilespmem:s1+$0x0];
	v24 =	vadd.f32 v32, v24;
	v31 =	vmul.f32 v31, v23  }
0x1bf: {  	v32 =	vld [tilespmem:s1+$0xFFFFFF90]  }
0x1c0: {  	v33 =	vld [tilespmem:s1+$0xFFFFFFA0]  }
0x1c1: {  	v34 =	vmov s2;
	v35 =	vld [tilespmem:s1+$0xFFFFFFB0]  }
0x1c2: {  	v52 =	vld [tilespmem:s1+$0xFFFFFFC0];
	v16 =	vperm.xlane v16, v34  }
0x1c3: {  	v29 =	vmul.f32 v29, v23;
	v20 =	vadd.f32 v30, v20;
	v53 =	vld [tilespmem:s1+$0xFFFFFFD0];
	v13 =	vadd.f32 v14, v13  }
0x1c4: {  	v55 =	vld [tilespmem:s1+$0xFFFFFFE0];
	v21 =	vadd.f32 v31, v21;
	v26 =	vmul.f32 v26, v23;
	v54 =	vmul.f32 v32, v16  }
0x1c5: {  	v58 =	vld [tilespmem:s1+$0xFFFFFFF0];
	v22 =	vadd.f32 v29, v22;
	v27 =	vmul.f32 v27, v23;
	v57 =	vmul.f32 v33, v16  }
0x1c6: {  	v19 =	vadd.f32 v26, v19;
	v59 =	vmul.f32 v35, v16;
	v24 =	vadd.f32 v54, v24  }
0x1c7: {  	v56 =	vmul.f32 v25, v23;
	v60 =	vmul.f32 v52, v16;
	v20 =	vadd.f32 v57, v20  }
0x1c8: {  	v28 =	vmul.f32 v28, v16;
	v61 =	vmul.f32 v53, v16;
	v21 =	vadd.f32 v59, v21;
	[tilespmem:s10+$0x17080] =	vst v24  }
0x1c9: {  	s8 =	sadd.s32 $0x1, s8;
	v18 =	vadd.f32 v27, v18;
	v62 =	vmul.f32 v55, v16;
	v22 =	vadd.f32 v60, v22;
	[tilespmem:s24+$0x17080] =	vst v20  }
0x1ca: {  	s28 =	sand.u32 $0xB, s9;
	p0 =	sne.s32 s8, $0x4;
	v17 =	vadd.f32 v56, v17;
	v16 =	vmul.f32 v58, v16;
	v14 =	vadd.f32 v61, v19;
	[tilespmem:s13+$0x17080] =	vst v21  }
.Ltmp8:
0x1cb: {  	v63 =	vmov s28;
	v18 =	vadd.f32 v62, v18;
	[tilespmem:s5+$0x17080] =	vst v22;
	(pc) =	sbr.rel @p0 .LBB2_7-.Ltmp8, $4  }
0x1cc: {  	v13 =	vmul.f32 $5.000000000e-01, v13;
	vm5 =	veq.s32 v63, v0;
	v16 =	vadd.f32 v16, v17;
	[tilespmem:s16+$0x17080] =	vst v14  }
0x1cd: {  	vm6 =	vmand vm1, vm5;
	vm7 =	vmand vm3, vm5;
	v14 =	vadd.f32 v28, v15;
	[tilespmem:s6+$0x17080] =	vst v18  }
0x1ce: {  	s22 =	sadd.s32 $0x200, s22;
	s30 =	sadd.s32 $0x200, s30;
	s31 =	sadd.s32 $0x1000, s31;
	v12 =	vsel vm6, v13, v12;
	vm6 =	vmand vm2, vm5;
	vm5 =	vmand vm4, vm5;
	[tilespmem:s12+$0x17080] =	vst v16  }
0x1cf: {  	s0 =	sadd.s32 $0x1000, s0;
	s20 =	sadd.s32 $0x1000, s20;
	s7 =	sadd.s32 $0x1000, s7;
	v10 =	vsel vm7, v13, v10;
	v11 =	vsel vm6, v13, v11;
	v9 =	vsel vm5, v13, v9;
	[tilespmem:s11+$0x17080] =	vst v14  }
0x1d0: {  	_ =	swait.ge [sflag:s29], $0x800  }
0x1d1: {  	[sflag:s29] =	ssyncset.done $0x0  }
0x1d2: {  	[sflag:s29] =	ssyncadd.s32 $0xFFFFF800  }
0x1d3: {  	_ =	swait.ge [sflag:s29], $0x800  }
0x1d4: {  	[sflag:s29] =	ssyncset.done $0x0  }
0x1d5: {  	[sflag:s29] =	ssyncadd.s32 $0xFFFFF800  }
0x1d6: {  	_ =	swait.ge [sflag:s29], $0x4000  }
0x1d7: {  	p0 =	seq.s32 s17, $0x7;
	s31 =	smov.u32 s19;
	[sflag:s29] =	ssyncset.done $0x0  }
0x1d8: {  	s18 =	sshll.u32 s18, $0x2;
	s21 =	simm.s32 $0xC0C0;
	[sflag:s29] =	ssyncadd.s32 $0xFFFFC000  }
0x1d9: {  	s22 =	simm.s32 $0xC8C0;
	s30 =	simm.s32 $0xD0C0;
	_ =	swait.ge [sflag:s29], $0x4000  }
0x1da: {  	s0 =	sshll.u32 @!p0 s17, $0x8;
	s2 =	simm.s32 @!p0 $0x10;
	[sflag:s29] =	ssyncset.done $0x0  }
0x1db: {  	s3 =	simm.s32 @!p0 $0x3080;
	s1 =	sadd.s32 @!p0 $0x2180, s0;
	[sflag:s29] =	ssyncadd.s32 $0xFFFFC000  }
0x1dc: {  	[tilespmem:s3], [sflag:$0x1] =	stream.indirect.gather @!p0 [hbm4b:s19+s2], $0x80, s1, s2, $0xb8;
	[tilespmem:$0x19100] =	vst v63  }
0x1dd: {  	s0 =	sadd.s32 @!p0 $0x2980, s0;
	s3 =	simm.s32 @!p0 $0x3880;
	s4 =	rddreg [dreg:$0x3]  }
0x1de: {  	[tilespmem:s3], [sflag:$0x1] =	stream.indirect.gather @!p0 [hbm4b:s4+s2], $0x80, s1, s2, $0xb8;
	[tilespmem:$0x19100] =	vst v63  }
0x1df: {  	s1 =	simm.s32 @!p0 $0x80;
	s2 =	simm.s32 @!p0 $0x4080;
	s3 =	rddreg [dreg:$0x4]  }
0x1e0: {  	[tilespmem:s2], [sflag:$0x1] =	stream.indirect.gather @!p0 [hbm4b:s3+s1], $0x80, s0, s1, $0xb8;
	[tilespmem:$0x19100] =	vst v63  }
0x1e1: {  	s20 =	simm.s32 $0xD8F0;
	s2 =	simm.s32 @!p0 $0x8080;
	s3 =	rddreg [dreg:$0x5]  }
0x1e2: {  	[tilespmem:s2], [sflag:$0x1] =	stream.indirect.gather @!p0 [hbm4b:s3+s1], $0x80, s0, s1, $0xb8;
	[tilespmem:$0x19100] =	vst v63  }
0x1e3: {  	s7 =	simm.s32 $0x110C0;
	s8 =	simm.s32 $0x118F0;
	s0 =	simm.s32 $0x0  }
.LBB2_21:
0x1e4: {  	s9 =	sadd.s32 s18, s0  }
0x1e5: {  	s10 =	sshll.u32 s9, $0x7  }
0x1e6: {  	v14 =	vld [tilespmem:s10+$0x0]  }
0x1e7: {  	v21 =	vld [tilespmem:s10+$0x10]  }
0x1e8: {  	v15 =	vld [tilespmem:s10+$0x20]  }
0x1e9: {  	v16 =	vld [tilespmem:s10+$0x30]  }
0x1ea: {  	v17 =	vld [tilespmem:s10+$0x40]  }
0x1eb: {  	v18 =	vld [tilespmem:s10+$0x50]  }
0x1ec: {  	v19 =	vld [tilespmem:s10+$0x60]  }
0x1ed: {  	v20 =	vld [tilespmem:s10+$0x70]  }
0x1ee: {  	v13 =	vmul.f32 v14, v14  }
0x1ef: {  	v22 =	vmul.f32 v21, v21;
	v23 =	vmul.f32 v15, v15  }
0x1f0: {  	v24 =	vmul.f32 v16, v16;
	v25 =	vmul.f32 v17, v17  }
0x1f1: {  	v29 =	vld [tilespmem:s21+$0xFFFFFFC0];
	v26 =	vmul.f32 v18, v18;
	v27 =	vmul.f32 v19, v19  }
0x1f2: {  	v28 =	vmul.f32 v20, v20;
	v13 =	vadd.f32 v22, v13;
	v22 =	vadd.f32 v24, v23;
	v23 =	vld [tilespmem:s21+$0xFFFFFFD0]  }
0x1f3: {  	v24 =	vadd.f32 v26, v25;
	v26 =	vld [tilespmem:s21+$0xFFFFFFE0]  }
0x1f4: {  	v25 =	vadd.f32 v28, v27;
	v27 =	vld [tilespmem:s21+$0xFFFFFFF0]  }
0x1f5: {  	v28 =	vld [tilespmem:s21+$0x30]  }
0x1f6: {  	v13 =	vadd.f32 v22, v13;
	v22 =	vadd.f32 v25, v24;
	v24 =	vld [tilespmem:s21+$0x0]  }
0x1f7: {  	v25 =	vld [tilespmem:s21+$0x10]  }
0x1f8: {  	v13 =	vadd.f32 v22, v13;
	v22 =	vld [tilespmem:s21+$0x20]  }
0x1f9: {  	v29 =	vmul.f32 v29, v14  }
0x1fa: {  	v23 =	vmul.f32 v23, v21;
	v26 =	vmul.f32 v26, v15  }
0x1fb: {  	v27 =	vmul.f32 v27, v16;
	v30 =	vperm.xlane v13, v5  }
0x1fc: {  	v28 =	vmul.f32 v28, v20;
	v24 =	vmul.f32 v24, v17  }
0x1fd: {  	v25 =	vmul.f32 v25, v18;
	v13 =	vadd.f32 v13, v30;
	v22 =	vmul.f32 v22, v19  }
0x1fe: {  	v29 =	vadd.f32 v23, v29;
	v26 =	vadd.f32 v27, v26  }
0x1ff: {  	s3 =	sadd.s32 $0x80, s21;
	v25 =	vadd.f32 v25, v24;
	v30 =	vperm.xlane v13, v1;
	v22 =	vadd.f32 v28, v22  }
0x200: {  	v31 =	vld [tilespmem:s3+$0x20];
	v26 =	vadd.f32 v26, v29  }
0x201: {  	v23 =	vld [tilespmem:s3+$0xFFFFFFC0];
	v13 =	vadd.f32 v13, v30;
	v22 =	vadd.f32 v22, v25  }
0x202: {  	v27 =	vld [tilespmem:s3+$0xFFFFFFF0]  }
0x203: {  	v24 =	vld [tilespmem:s3+$0xFFFFFFD0];
	v29 =	vperm.xlane v13, v2;
	v33 =	vadd.f32 v22, v26  }
0x204: {  	s1 =	simm.s32 $0x1;
	v28 =	vld [tilespmem:s3+$0x0]  }
0x205: {  	s4 =	simm.s32 $0x2;
	s2 =	simm.s32 $0x0;
	s24 =	sor.u32 $0x10, s10;
	v25 =	vld [tilespmem:s3+$0xFFFFFFE0];
	v22 =	vadd.f32 v13, v29;
	v29 =	vperm.xlane v33, v5  }
0x206: {  	s13 =	sor.u32 $0x20, s10;
	s5 =	sor.u32 $0x30, s10;
	s16 =	sor.u32 $0x40, s10;
	v30 =	vld [tilespmem:s3+$0x10]  }
0x207: {  	v32 =	vld [tilespmem:s3+$0x30];
	s6 =	sor.u32 $0x50, s10;
	s12 =	sor.u32 $0x60, s10;
	s11 =	sor.u32 $0x70, s10;
	v13 =	vimm.f32 $-1.000000020e+30;
	v26 =	vperm.xlane v22, v3;
	v29 =	vadd.f32 v33, v29  }
.LBB2_22:
0x208: {  	p0 =	sne.s32 s4, $0x3;
	v23 =	vmul.f32 v23, v14  }
0x209: {  	v24 =	vmul.f32 v24, v21;
	v33 =	vperm.xlane v29, v1  }
0x20a: {  	v25 =	vmul.f32 v25, v15;
	v27 =	vmul.f32 v27, v16  }
0x20b: {  	v28 =	vmul.f32 v28, v17;
	v30 =	vmul.f32 v30, v18;
	v29 =	vadd.f32 v29, v33  }
0x20c: {  	v31 =	vmul.f32 v31, v19;
	v32 =	vmul.f32 v32, v20  }
0x20d: {  	v25 =	vadd.f32 v27, v25;
	v33 =	vadd.f32 v24, v23;
	v24 =	vperm.xlane v29, v2  }
0x20e: {  	s3 =	sadd.s32 $0x80, s3;
	v27 =	vadd.f32 v30, v28;
	v28 =	vadd.f32 v32, v31  }
0x20f: {  	v23 =	vld [tilespmem:s3+$0xFFFFFFC0];
	v29 =	vadd.f32 v29, v24  }
0x210: {  	v30 =	vadd.f32 v25, v33;
	v24 =	vld [tilespmem:s3+$0xFFFFFFD0];
	v28 =	vadd.f32 v28, v27  }
0x211: {  	v25 =	vld [tilespmem:s3+$0xFFFFFFE0];
	v31 =	vperm.xlane v29, v3  }
.Ltmp9:
0x212: {  	v27 =	vld [tilespmem:s3+$0xFFFFFFF0];
	v33 =	vadd.f32 v28, v30;
	(pc) =	sbr.rel @p0 .LBB2_22-.Ltmp9, $4  }
0x213: {  	v28 =	vld [tilespmem:s3+$0x0];
	v29 =	vadd.f32 v29, v31;
	v31 =	vmov s2;
	s2 =	smov.u32 s1;
	s1 =	smov.u32 s4  }
0x214: {  	v30 =	vld [tilespmem:s3+$0x10];
	v34 =	vperm.xlane v33, v5;
	vm5 =	veq.s32 v31, v0  }
0x215: {  	v31 =	vld [tilespmem:s3+$0x20];
	v13 =	vsel vm5, v29, v13  }
0x216: {  	s4 =	sadd.s32 $0x1, s4;
	v32 =	vld [tilespmem:s3+$0x30];
	v29 =	vadd.f32 v33, v34  }
0x217: {  	v22 =	vadd.f32 v22, v26;
	_ =	sdelay $0x1  }
0x218: {  	v26 =	vshra.s32 v22, $0x1;
	v33 =	vmul.f32 $5.000000000e-01, v22  }
0x219: {  	v26 =	vsub.s32 $0x5F3759DF, v26  }
0x21a: {  	v34 =	vmul.f32 v26, v33;
	_ =	sdelay $0x1  }
0x21b: {  	v34 =	vmul.f32 v26, v34;
	_ =	sdelay $0x1  }
0x21c: {  	v34 =	vsub.f32 $1.500000000e+00, v34;
	_ =	sdelay $0x1  }
0x21d: {  	v26 =	vmul.f32 v26, v34;
	_ =	sdelay $0x1  }
0x21e: {  	v34 =	vmul.f32 v26, v33  }
0x21f: {  	v23 =	vmul.f32 v23, v14  }
0x220: {  	v24 =	vmul.f32 v24, v21;
	v34 =	vmul.f32 v34, v26  }
0x221: {  	v25 =	vmul.f32 v25, v15;
	v27 =	vmul.f32 v27, v16  }
0x222: {  	v28 =	vmul.f32 v28, v17;
	v30 =	vmul.f32 v30, v18;
	v34 =	vsub.f32 $1.500000000e+00, v34  }
0x223: {  	v31 =	vmul.f32 v31, v19;
	v32 =	vmul.f32 v32, v20  }
0x224: {  	v23 =	vadd.f32 v24, v23;
	v24 =	vadd.f32 v27, v25;
	v26 =	vmul.f32 v34, v26  }
0x225: {  	v25 =	vadd.f32 v30, v28;
	v27 =	vadd.f32 v32, v31  }
0x226: {  	v28 =	vmul.f32 v26, v33  }
0x227: {  	v23 =	vadd.f32 v24, v23;
	v24 =	vadd.f32 v27, v25  }
0x228: {  	v25 =	vmul.f32 v28, v26  }
0x229: {  	v23 =	vadd.f32 v24, v23  }
0x22a: {  	v24 =	vsub.f32 $1.500000000e+00, v25  }
0x22b: {  	v25 =	vperm.xlane v23, v5  }
0x22c: {  	v24 =	vmul.f32 v24, v26  }
0x22d: {  	v23 =	vadd.f32 v23, v25  }
0x22e: {  	v24 =	vmul.f32 v24, v22  }
0x22f: {  	v26 =	vperm.xlane v23, v1  }
0x230: {  	v25 =	vperm.xlane v29, v1;
	v24 =	vadd.f32 $9.999999970e-07, v24  }
0x231: {  	vm5 =	vgt.f32 v22, $0.0e+00;
	v22 =	vadd.f32 v23, v26  }
0x232: {  	v25 =	vadd.f32 v29, v25;
	v23 =	vnsel vm5, $0x358637BD, v24  }
0x233: {  	(erf) = vrcp.f32 v23;
	v23 =	vperm.xlane v22, v2  }
0x234: {  	v24 =	vperm.xlane v25, v2  }
0x235: {  	v22 =	vadd.f32 v22, v23  }
0x236: {  	v24 =	vadd.f32 v25, v24  }
0x237: {  	v25 =	vperm.xlane v22, v3  }
0x238: {  	v23 =	vperm.xlane v24, v3  }
0x239: {  	v22 =	vadd.f32 v22, v25  }
0x23a: {  	v23 =	vadd.f32 v24, v23;
	v24 =	vmov s2  }
0x23b: {  	vm5 =	veq.s32 v24, v0;
	v24 =	vmov s1  }
0x23c: {  	v13 =	vsel vm5, v23, v13;
	vm5 =	veq.s32 v24, v0  }
0x23d: {  	v13 =	vsel vm5, v22, v13;
	v22 =	vpop (erf)  }
0x23e: {  	v23 =	vmul.f32 v13, v22;
	_ =	sdelay $0x1  }
0x23f: {  	v13 =	vperm.xlane v23, v5;
	_ =	sdelay $0x1  }
0x240: {  	v13 =	vmax.f32 v23, v13  }
0x241: {  	v24 =	vperm.xlane v13, v6;
	_ =	sdelay $0x1  }
0x242: {  	v13 =	vmax.f32 v13, v24  }
0x243: {  	v24 =	vperm.xlane v13, v7;
	_ =	sdelay $0x1  }
0x244: {  	v13 =	vmax.f32 v13, v24  }
0x245: {  	v24 =	vperm.xlane v13, v8;
	_ =	sdelay $0x1  }
0x246: {  	v13 =	vmax.f32 v13, v24  }
0x247: {  	v23 =	vsub.f32 v23, v13;
	_ =	sdelay $0x1  }
0x248: {  	v23 =	vmul.f32 $4.419417310e-02, v23;
	_ =	sdelay $0x1  }
0x249: {  	v23 =	vmul.f32 $1.442695020e+00, v23;
	_ =	sdelay $0x1  }
0x24a: {  	(erf) = vpow2.f32 v23;
	_ =	sdelay $0x8  }
0x24b: {  	v23 =	vpop (erf)  }
0x24c: {  	v24 =	vperm.xlane v23, v5;
	_ =	sdelay $0x1  }
0x24d: {  	v24 =	vadd.f32 v23, v24;
	_ =	sdelay $0x1  }
0x24e: {  	v25 =	vperm.xlane v24, v6;
	_ =	sdelay $0x1  }
0x24f: {  	v24 =	vadd.f32 v24, v25;
	_ =	sdelay $0x1  }
0x250: {  	v25 =	vperm.xlane v24, v7;
	_ =	sdelay $0x1  }
0x251: {  	v24 =	vadd.f32 v24, v25;
	_ =	sdelay $0x1  }
0x252: {  	v25 =	vperm.xlane v24, v8;
	_ =	sdelay $0x1  }
0x253: {  	v24 =	vadd.f32 v24, v25;
	_ =	sdelay $0x1  }
0x254: {  	(erf) = vrcp.f32 v24;
	_ =	sdelay $0x6  }
0x255: {  	v27 =	vld [tilespmem:s22+$0xFFFFFFC0]  }
0x256: {  	v28 =	vld [tilespmem:s22+$0xFFFFFFD0]  }
0x257: {  	v25 =	vld [tilespmem:s22+$0x30];
	v24 =	vpop (erf)  }
0x258: {  	s28 =	simm.s32 $0x0;
	v29 =	vld [tilespmem:s22+$0xFFFFFFE0];
	v26 =	vmul.f32 v24, v23  }
0x259: {  	v23 =	vmov s28  }
0x25a: {  	v36 =	vld [tilespmem:s22+$0xFFFFFFF0];
	v24 =	vperm.xlane v26, v23  }
0x25b: {  	v37 =	vld [tilespmem:s22+$0x0];
	v35 =	vimm.f32 $0.0e+00;
	v30 =	vimm.f32 $0.0e+00;
	v34 =	vimm.f32 $0.0e+00  }
0x25c: {  	v31 =	vld [tilespmem:s22+$0x10];
	v33 =	vimm.f32 $0.0e+00;
	v23 =	vmul.f32 v25, v24;
	v25 =	vmul.f32 v27, v24  }
0x25d: {  	v32 =	vld [tilespmem:s22+$0x20];
	s1 =	sadd.s32 $0x80, s22;
	v38 =	vmul.f32 v28, v24;
	v39 =	vmul.f32 v29, v24;
	v28 =	vimm.f32 $0.0e+00  }
0x25e: {  	s3 =	simm.s32 $0x2;
	s2 =	simm.s32 $0x1;
	v29 =	vld [tilespmem:s1+$0x30];
	v23 =	vadd.f32 v23, v30;
	v27 =	vadd.f32 v25, v30;
	v25 =	vimm.f32 $0.0e+00  }
.LBB2_24:
0x25f: {  	p0 =	sne.s32 s3, $0x3;
	v40 =	vld [tilespmem:s1+$0xFFFFFFC0];
	v30 =	vadd.f32 v38, v30;
	v36 =	vmul.f32 v36, v24  }
0x260: {  	v38 =	vmov s2;
	s2 =	smov.u32 s3;
	v41 =	vld [tilespmem:s1+$0xFFFFFFD0];
	v33 =	vadd.f32 v39, v33;
	v37 =	vmul.f32 v37, v24  }
0x261: {  	v38 =	vperm.xlane v26, v38;
	v39 =	vld [tilespmem:s1+$0xFFFFFFE0];
	v34 =	vadd.f32 v36, v34;
	v31 =	vmul.f32 v31, v24  }
.Ltmp10:
0x262: {  	v36 =	vld [tilespmem:s1+$0xFFFFFFF0];
	v35 =	vadd.f32 v37, v35;
	v32 =	vmul.f32 v32, v24;
	(pc) =	sbr.rel @p0 .LBB2_24-.Ltmp10, $4  }
0x263: {  	v24 =	vmov v38;
	v37 =	vld [tilespmem:s1+$0x0];
	v29 =	vmul.f32 v29, v38;
	v28 =	vadd.f32 v31, v28  }
0x264: {  	v40 =	vmul.f32 v40, v24;
	v31 =	vld [tilespmem:s1+$0x10];
	v25 =	vadd.f32 v32, v25  }
0x265: {  	v38 =	vmul.f32 v41, v24;
	v32 =	vld [tilespmem:s1+$0x20];
	v23 =	vadd.f32 v29, v23;
	s1 =	sadd.s32 $0x80, s1  }
0x266: {  	s3 =	sadd.s32 $0x1, s3;
	v29 =	vld [tilespmem:s1+$0x30];
	v27 =	vadd.f32 v40, v27;
	v39 =	vmul.f32 v39, v24  }
0x267: {  	v40 =	vld [tilespmem:s1+$0xFFFFFFC0]  }
0x268: {  	v41 =	vld [tilespmem:s1+$0xFFFFFFD0]  }
0x269: {  	v42 =	vmov s2;
	v43 =	vld [tilespmem:s1+$0xFFFFFFE0]  }
0x26a: {  	v59 =	vld [tilespmem:s1+$0xFFFFFFF0];
	v26 =	vperm.xlane v26, v42  }
0x26b: {  	v36 =	vmul.f32 v36, v24;
	v44 =	vld [tilespmem:s1+$0x0]  }
0x26c: {  	v30 =	vadd.f32 v38, v30;
	v61 =	vld [tilespmem:s1+$0x10];
	v37 =	vmul.f32 v37, v24;
	v60 =	vmul.f32 v40, v26  }
0x26d: {  	v63 =	vld [tilespmem:s1+$0x20];
	v33 =	vadd.f32 v39, v33;
	v34 =	vadd.f32 v36, v34;
	v62 =	vmul.f32 v41, v26  }
0x26e: {  	v31 =	vmul.f32 v31, v24;
	v41 =	vmul.f32 v43, v26;
	v27 =	vadd.f32 v60, v27  }
0x26f: {  	v35 =	vadd.f32 v37, v35;
	v42 =	vmul.f32 v59, v26;
	v30 =	vadd.f32 v62, v30  }
0x270: {  	v24 =	vmul.f32 v32, v24;
	v44 =	vmul.f32 v44, v26;
	v43 =	vadd.f32 v41, v33;
	[tilespmem:s10+$0x15080] =	vst v27  }
0x271: {  	v27 =	vadd.f32 v31, v28;
	v28 =	vadd.f32 v42, v34;
	v31 =	vmul.f32 v61, v26;
	[tilespmem:s24+$0x15080] =	vst v30  }
0x272: {  	v24 =	vadd.f32 v24, v25;
	v25 =	vadd.f32 v44, v35;
	v30 =	vmul.f32 v63, v26;
	[tilespmem:s13+$0x15080] =	vst v43  }
0x273: {  	v26 =	vmul.f32 v29, v26;
	v27 =	vadd.f32 v31, v27;
	[tilespmem:s5+$0x15080] =	vst v28  }
0x274: {  	v24 =	vadd.f32 v30, v24;
	[tilespmem:s16+$0x15080] =	vst v25  }
0x275: {  	v23 =	vadd.f32 v26, v23;
	[tilespmem:s6+$0x15080] =	vst v27  }
0x276: {  	[tilespmem:s12+$0x15080] =	vst v24  }
0x277: {  	[tilespmem:s11+$0x15080] =	vst v23  }
0x278: {  	v23 =	vld [tilespmem:s30+$0xFFFFFFC0]  }
0x279: {  	v24 =	vld [tilespmem:s30+$0xFFFFFFD0]  }
0x27a: {  	v25 =	vld [tilespmem:s30+$0xFFFFFFE0]  }
0x27b: {  	v26 =	vld [tilespmem:s30+$0xFFFFFFF0]  }
0x27c: {  	v27 =	vld [tilespmem:s30+$0x0]  }
0x27d: {  	v28 =	vld [tilespmem:s30+$0x10]  }
0x27e: {  	v29 =	vld [tilespmem:s30+$0x20]  }
0x27f: {  	v30 =	vld [tilespmem:s30+$0x30]  }
0x280: {  	s25 =	sadd.s32 $0x80, s30  }
0x281: {  	v31 =	vld [tilespmem:s25+$0xFFFFFFC0];
	v23 =	vmul.f32 v23, v14;
	v24 =	vmul.f32 v24, v21  }
0x282: {  	v32 =	vld [tilespmem:s25+$0xFFFFFFD0];
	v25 =	vmul.f32 v25, v15;
	v26 =	vmul.f32 v26, v16  }
0x283: {  	v45 =	vld [tilespmem:s25+$0xFFFFFFE0];
	v27 =	vmul.f32 v27, v17;
	v28 =	vmul.f32 v28, v18  }
0x284: {  	v46 =	vld [tilespmem:s25+$0xFFFFFFF0];
	v29 =	vmul.f32 v29, v19;
	v30 =	vmul.f32 v30, v20  }
0x285: {  	v23 =	vadd.f32 v24, v23;
	v24 =	vld [tilespmem:s25+$0x0];
	v25 =	vadd.f32 v26, v25  }
0x286: {  	v26 =	vld [tilespmem:s25+$0x10];
	v27 =	vadd.f32 v28, v27;
	v28 =	vadd.f32 v30, v29  }
0x287: {  	v29 =	vld [tilespmem:s25+$0x20]  }
0x288: {  	s1 =	sadd.s32 $0x80, s25;
	v23 =	vadd.f32 v25, v23;
	v25 =	vld [tilespmem:s25+$0x30];
	v27 =	vadd.f32 v28, v27  }
0x289: {  	v49 =	vld [tilespmem:s1+$0xFFFFFFE0];
	v47 =	vmul.f32 v45, v15  }
0x28a: {  	v51 =	vld [tilespmem:s1+$0xFFFFFFF0];
	v48 =	vmul.f32 v46, v16;
	v28 =	vmul.f32 v31, v14;
	v23 =	vadd.f32 v27, v23  }
0x28b: {  	v30 =	vld [tilespmem:s1+$0xFFFFFFC0];
	v31 =	vmul.f32 v32, v21;
	v24 =	vmul.f32 v24, v17  }
0x28c: {  	v52 =	vld [tilespmem:s1+$0x10];
	v26 =	vmul.f32 v26, v18;
	v50 =	vperm.xlane v23, v5  }
0x28d: {  	v32 =	vadd.f32 v48, v47;
	v27 =	vld [tilespmem:s1+$0xFFFFFFD0];
	v29 =	vmul.f32 v29, v19;
	v25 =	vmul.f32 v25, v20  }
0x28e: {  	v28 =	vadd.f32 v31, v28;
	v31 =	vld [tilespmem:s1+$0x0];
	v23 =	vadd.f32 v23, v50  }
0x28f: {  	v53 =	vld [tilespmem:s1+$0x30];
	v24 =	vadd.f32 v26, v24;
	v25 =	vadd.f32 v25, v29  }
0x290: {  	s3 =	sadd.s32 $0x80, s1;
	v26 =	vld [tilespmem:s1+$0x20];
	v29 =	vmul.f32 v30, v14;
	v30 =	vperm.xlane v23, v1  }
0x291: {  	v57 =	vld [tilespmem:s3+$0xFFFFFFD0];
	v54 =	vmul.f32 v51, v16;
	v28 =	vadd.f32 v32, v28;
	v24 =	vadd.f32 v25, v24  }
0x292: {  	v33 =	vmul.f32 v52, v18;
	v27 =	vmul.f32 v27, v21;
	v30 =	vadd.f32 v23, v30  }
0x293: {  	v31 =	vmul.f32 v31, v17;
	v25 =	vmul.f32 v49, v15;
	v56 =	vadd.f32 v24, v28  }
0x294: {  	v55 =	vld [tilespmem:s3+$0xFFFFFFC0];
	v61 =	vadd.f32 v27, v29;
	v27 =	vmul.f32 v53, v20;
	v58 =	vperm.xlane v30, v2  }
0x295: {  	v31 =	vadd.f32 v33, v31;
	v59 =	vmul.f32 v26, v19;
	v26 =	vld [tilespmem:s3+$0xFFFFFFE0];
	v60 =	vperm.xlane v56, v5  }
0x296: {  	s26 =	simm.s32 $0x0;
	v33 =	vmul.f32 v57, v21;
	v23 =	vimm.f32 $0.0e+00;
	v28 =	vld [tilespmem:s3+$0xFFFFFFF0];
	v62 =	vadd.f32 v30, v58  }
0x297: {  	v29 =	vld [tilespmem:s3+$0x0];
	v24 =	vmov s26;
	v25 =	vadd.f32 v54, v25;
	v32 =	vadd.f32 v56, v60  }
0x298: {  	s28 =	simm.s32 $0x1;
	vm5 =	veq.s32 v24, v0;
	v39 =	vadd.f32 v27, v59;
	v30 =	vld [tilespmem:s3+$0x10];
	v63 =	vperm.xlane v62, v3  }
0x299: {  	s15 =	simm.s32 $0x4;
	s4 =	simm.s32 $0x1;
	s2 =	simm.s32 $0x2;
	v34 =	vld [tilespmem:s3+$0x20];
	v27 =	vmul.f32 v55, v14;
	v36 =	vadd.f32 v25, v61;
	v37 =	vperm.xlane v32, v1  }
0x29a: {  	v35 =	vld [tilespmem:s3+$0x30];
	s25 =	simm.s32 $0x3;
	s1 =	simm.s32 $0x3;
	s26 =	simm.s32 $0x2;
	v25 =	vimm.f32 $0.0e+00;
	v38 =	vadd.f32 v39, v31;
	v31 =	vadd.f32 v62, v63  }
.LBB2_26:
0x29b: {  	p0 =	sne.s32 s15, $0xF;
	v39 =	vmul.f32 v26, v15;
	v40 =	vmul.f32 v28, v16;
	s3 =	sadd.s32 $0x80, s3;
	v32 =	vadd.f32 v32, v37  }
0x29c: {  	v37 =	vld [tilespmem:s3+$0xFFFFFFC0];
	v41 =	vmul.f32 v29, v17;
	v36 =	vadd.f32 v38, v36;
	v25 =	vsel vm5, v31, v25  }
0x29d: {  	v31 =	vld [tilespmem:s3+$0xFFFFFFD0];
	v38 =	vmul.f32 v30, v18;
	v29 =	vperm.xlane v32, v2  }
0x29e: {  	v42 =	vmov s4;
	s4 =	smov.u32 s2;
	s2 =	smov.u32 s1;
	s1 =	smov.u32 s15;
	v26 =	vld [tilespmem:s3+$0xFFFFFFE0];
	v34 =	vmul.f32 v34, v19;
	v30 =	vperm.xlane v36, v5  }
.Ltmp11:
0x29f: {  	v33 =	vadd.f32 v33, v27;
	v28 =	vld [tilespmem:s3+$0xFFFFFFF0];
	v35 =	vmul.f32 v35, v20;
	v43 =	vadd.f32 v32, v29;
	(pc) =	sbr.rel @p0 .LBB2_26-.Ltmp11, $4  }
0x2a0: {  	vm5 =	veq.s32 v42, v0;
	v39 =	vadd.f32 v40, v39;
	v29 =	vld [tilespmem:s3+$0x0];
	v32 =	vadd.f32 v36, v30  }
0x2a1: {  	v38 =	vadd.f32 v38, v41;
	v30 =	vld [tilespmem:s3+$0x10];
	v40 =	vadd.f32 v35, v34;
	v41 =	vperm.xlane v43, v3  }
0x2a2: {  	v36 =	vadd.f32 v39, v33;
	v27 =	vmul.f32 v37, v14;
	v34 =	vld [tilespmem:s3+$0x20];
	v37 =	vperm.xlane v32, v1  }
0x2a3: {  	s15 =	sadd.s32 $0x1, s15;
	v33 =	vmul.f32 v31, v21;
	v35 =	vld [tilespmem:s3+$0x30];
	v38 =	vadd.f32 v40, v38;
	v31 =	vadd.f32 v43, v41  }
0x2a4: {  	v46 =	vld [tilespmem:s20+$0xFFFFFF90]  }
0x2a5: {  	v26 =	vmul.f32 v26, v15;
	v47 =	vld [tilespmem:s20+$0xFFFFFFA0];
	v36 =	vadd.f32 v38, v36  }
0x2a6: {  	v28 =	vmul.f32 v28, v16;
	v48 =	vld [tilespmem:s20+$0xFFFFFFB0];
	v29 =	vmul.f32 v29, v17  }
0x2a7: {  	v32 =	vadd.f32 v32, v37;
	v50 =	vld [tilespmem:s20+$0xFFFFFFC0];
	v30 =	vmul.f32 v30, v18;
	v45 =	vperm.xlane v36, v5  }
0x2a8: {  	v51 =	vld [tilespmem:s20+$0xFFFFFFE0];
	v27 =	vadd.f32 v33, v27;
	v34 =	vmul.f32 v34, v19;
	v35 =	vmul.f32 v35, v20  }
0x2a9: {  	v52 =	vld [tilespmem:s20+$0x0];
	s3 =	sadd.s32 $0x80, s20;
	v26 =	vadd.f32 v28, v26;
	v28 =	vadd.f32 v36, v45  }
0x2aa: {  	v57 =	vld [tilespmem:s3+$0xFFFFFFA0];
	v29 =	vadd.f32 v30, v29;
	v30 =	vadd.f32 v35, v34  }
0x2ab: {  	v39 =	vmov s4;
	v58 =	vld [tilespmem:s3+$0xFFFFFFB0];
	v26 =	vadd.f32 v26, v27;
	v27 =	vperm.xlane v28, v1  }
0x2ac: {  	v25 =	vsel vm5, v31, v25;
	v49 =	vperm.xlane v32, v2;
	v29 =	vadd.f32 v30, v29;
	v30 =	vld [tilespmem:s20+$0xFFFFFFD0]  }
0x2ad: {  	v31 =	vmul.f32 v46, v14;
	v53 =	vmul.f32 v47, v21;
	v27 =	vadd.f32 v28, v27;
	v28 =	vld [tilespmem:s20+$0xFFFFFFF0]  }
0x2ae: {  	v32 =	vadd.f32 v32, v49;
	v55 =	vmul.f32 v48, v15;
	v56 =	vmul.f32 v50, v16  }
0x2af: {  	v61 =	vld [tilespmem:s3+$0xFFFFFFD0];
	v38 =	vmul.f32 v52, v20;
	v35 =	vmul.f32 v51, v18;
	v26 =	vadd.f32 v29, v26  }
0x2b0: {  	vm5 =	veq.s32 v39, v0;
	v63 =	vld [tilespmem:s3+$0xFFFFFFF0];
	s19 =	sadd.s32 $0x80, s3;
	v45 =	vmul.f32 v57, v21;
	v29 =	vperm.xlane v32, v3  }
0x2b1: {  	v47 =	vld [tilespmem:s19+$0xFFFFFF90];
	v46 =	vmul.f32 v58, v15;
	v31 =	vadd.f32 v53, v31;
	v41 =	vperm.xlane v26, v5  }
0x2b2: {  	v44 =	vld [tilespmem:s3+$0x0];
	v29 =	vadd.f32 v32, v29;
	v30 =	vmul.f32 v30, v17;
	v28 =	vmul.f32 v28, v19  }
0x2b3: {  	v40 =	vperm.xlane v27, v2;
	v32 =	vadd.f32 v56, v55;
	v26 =	vadd.f32 v26, v41  }
0x2b4: {  	v54 =	vld [tilespmem:s3+$0xFFFFFF90];
	v34 =	vmul.f32 v61, v17;
	v30 =	vadd.f32 v35, v30;
	v28 =	vadd.f32 v38, v28  }
0x2b5: {  	v59 =	vld [tilespmem:s3+$0xFFFFFFC0];
	v33 =	vmul.f32 v63, v19;
	v27 =	vadd.f32 v27, v40;
	v60 =	vperm.xlane v26, v1  }
0x2b6: {  	v62 =	vld [tilespmem:s3+$0xFFFFFFE0];
	v39 =	vmul.f32 v47, v14;
	v31 =	vadd.f32 v32, v31;
	v28 =	vadd.f32 v28, v30  }
0x2b7: {  	v48 =	vld [tilespmem:s19+$0xFFFFFFA0];
	v25 =	vsel vm5, v29, v25;
	v32 =	vmul.f32 v44, v20;
	v26 =	vadd.f32 v26, v60  }
0x2b8: {  	v29 =	vmov s2;
	v43 =	vperm.xlane v27, v3;
	v28 =	vadd.f32 v28, v31  }
0x2b9: {  	v51 =	vld [tilespmem:s19+$0xFFFFFFC0];
	vm5 =	veq.s32 v29, v0;
	v32 =	vadd.f32 v32, v33;
	v29 =	vperm.xlane v26, v2  }
0x2ba: {  	v27 =	vadd.f32 v27, v43;
	v30 =	vmul.f32 v54, v14;
	v50 =	vperm.xlane v28, v5  }
0x2bb: {  	v53 =	vld [tilespmem:s19+$0xFFFFFFD0];
	v31 =	vmul.f32 v59, v16;
	v26 =	vadd.f32 v26, v29;
	v29 =	vmul.f32 v62, v18  }
0x2bc: {  	v49 =	vld [tilespmem:s19+$0xFFFFFFB0];
	v57 =	vmul.f32 v48, v21;
	v30 =	vadd.f32 v45, v30;
	v28 =	vadd.f32 v28, v50  }
0x2bd: {  	v25 =	vsel vm5, v27, v25;
	v27 =	vld [tilespmem:s19+$0xFFFFFFE0];
	v31 =	vadd.f32 v31, v46;
	v29 =	vadd.f32 v29, v34  }
0x2be: {  	v36 =	vmul.f32 v51, v16;
	v55 =	vld [tilespmem:s19+$0xFFFFFFF0];
	v56 =	vperm.xlane v28, v1  }
0x2bf: {  	v52 =	vperm.xlane v26, v3;
	v30 =	vadd.f32 v31, v30;
	v31 =	vld [tilespmem:s19+$0x0];
	v29 =	vadd.f32 v32, v29  }
0x2c0: {  	v40 =	vmul.f32 v53, v17;
	v54 =	vmov s1;
	s1 =	sadd.s32 $0x80, s19;
	v37 =	vadd.f32 v28, v56  }
0x2c1: {  	v35 =	vmul.f32 v49, v15;
	v58 =	vld [tilespmem:s1+$0xFFFFFF90];
	v26 =	vadd.f32 v26, v52;
	v30 =	vadd.f32 v29, v30  }
0x2c2: {  	vm5 =	veq.s32 v54, v0;
	v59 =	vld [tilespmem:s1+$0xFFFFFFA0];
	v60 =	vmul.f32 v27, v18;
	v27 =	vperm.xlane v37, v2  }
0x2c3: {  	v35 =	vadd.f32 v36, v35;
	v25 =	vsel vm5, v26, v25;
	v26 =	vld [tilespmem:s1+$0xFFFFFFB0];
	v42 =	vperm.xlane v30, v5  }
0x2c4: {  	v34 =	vmul.f32 v55, v19;
	v28 =	vld [tilespmem:s1+$0xFFFFFFC0];
	v43 =	vmul.f32 v31, v20;
	v61 =	vadd.f32 v37, v27  }
0x2c5: {  	v32 =	vadd.f32 v57, v39;
	v29 =	vld [tilespmem:s1+$0xFFFFFFD0];
	vm5 =	veq.s32 v24, v0;
	v27 =	vadd.f32 v30, v42  }
0x2c6: {  	v31 =	vld [tilespmem:s1+$0xFFFFFFE0];
	v62 =	vadd.f32 v43, v34;
	v30 =	vadd.f32 v60, v40;
	v63 =	vperm.xlane v61, v3  }
0x2c7: {  	v33 =	vld [tilespmem:s1+$0xFFFFFFF0];
	v24 =	vmul.f32 v58, v14;
	v36 =	vadd.f32 v35, v32;
	v35 =	vperm.xlane v27, v1  }
0x2c8: {  	s2 =	simm.s32 $0x4;
	v32 =	vmul.f32 v59, v21;
	v34 =	vld [tilespmem:s1+$0x0];
	v37 =	vadd.f32 v62, v30;
	v30 =	vadd.f32 v61, v63  }
.LBB2_28:
0x2c9: {  	p0 =	sne.s32 s2, $0xF;
	v38 =	vmul.f32 v26, v15;
	v39 =	vmul.f32 v28, v16;
	s1 =	sadd.s32 $0x80, s1;
	v27 =	vadd.f32 v27, v35  }
0x2ca: {  	v35 =	vld [tilespmem:s1+$0xFFFFFF90];
	v40 =	vmul.f32 v29, v17;
	v36 =	vadd.f32 v37, v36;
	v23 =	vsel vm5, v30, v23  }
0x2cb: {  	v30 =	vld [tilespmem:s1+$0xFFFFFFA0];
	v37 =	vmul.f32 v31, v18;
	v29 =	vperm.xlane v27, v2  }
0x2cc: {  	v41 =	vmov s28;
	s28 =	smov.u32 s26;
	s26 =	smov.u32 s25;
	s25 =	smov.u32 s2;
	v26 =	vld [tilespmem:s1+$0xFFFFFFB0];
	v33 =	vmul.f32 v33, v19;
	v31 =	vperm.xlane v36, v5  }
.Ltmp12:
0x2cd: {  	v32 =	vadd.f32 v32, v24;
	v28 =	vld [tilespmem:s1+$0xFFFFFFC0];
	v34 =	vmul.f32 v34, v20;
	v42 =	vadd.f32 v27, v29;
	(pc) =	sbr.rel @p0 .LBB2_28-.Ltmp12, $4  }
0x2ce: {  	vm5 =	veq.s32 v41, v0;
	v38 =	vadd.f32 v39, v38;
	v29 =	vld [tilespmem:s1+$0xFFFFFFD0];
	v27 =	vadd.f32 v36, v31  }
0x2cf: {  	v37 =	vadd.f32 v37, v40;
	v31 =	vld [tilespmem:s1+$0xFFFFFFE0];
	v39 =	vadd.f32 v34, v33;
	v40 =	vperm.xlane v42, v3  }
0x2d0: {  	v36 =	vadd.f32 v38, v32;
	v24 =	vmul.f32 v35, v14;
	v33 =	vld [tilespmem:s1+$0xFFFFFFF0];
	v35 =	vperm.xlane v27, v1  }
0x2d1: {  	s2 =	sadd.s32 $0x1, s2;
	v32 =	vmul.f32 v30, v21;
	v34 =	vld [tilespmem:s1+$0x0];
	v37 =	vadd.f32 v39, v37;
	v30 =	vadd.f32 v42, v40  }
0x2d2: {  	_ =	sdelay $0x1  }
0x2d3: {  	v14 =	vmul.f32 v26, v15;
	v15 =	vmul.f32 v28, v16  }
0x2d4: {  	v16 =	vmul.f32 v29, v17;
	v17 =	vmul.f32 v31, v18  }
0x2d5: {  	v18 =	vmul.f32 v33, v19;
	v19 =	vmul.f32 v34, v20  }
0x2d6: {  	v14 =	vadd.f32 v15, v14;
	v20 =	vadd.f32 v32, v24  }
0x2d7: {  	v15 =	vadd.f32 v17, v16;
	v16 =	vadd.f32 v19, v18;
	_ =	sdelay $0x1  }
0x2d8: {  	v14 =	vadd.f32 v14, v20;
	v15 =	vadd.f32 v16, v15  }
0x2d9: {  	v16 =	vadd.f32 v37, v36  }
0x2da: {  	v14 =	vadd.f32 v15, v14  }
0x2db: {  	v15 =	vperm.xlane v16, v5  }
0x2dc: {  	v17 =	vperm.xlane v14, v5  }
0x2dd: {  	v15 =	vadd.f32 v16, v15  }
0x2de: {  	v14 =	vadd.f32 v14, v17  }
0x2df: {  	v16 =	vadd.f32 v27, v35;
	v17 =	vperm.xlane v15, v1  }
0x2e0: {  	v18 =	vperm.xlane v14, v1  }
0x2e1: {  	v19 =	vperm.xlane v16, v2;
	v15 =	vadd.f32 v15, v17  }
0x2e2: {  	v14 =	vadd.f32 v14, v18  }
0x2e3: {  	v16 =	vadd.f32 v16, v19;
	v17 =	vperm.xlane v15, v2  }
0x2e4: {  	v18 =	vperm.xlane v14, v2  }
0x2e5: {  	v19 =	vperm.xlane v16, v3;
	v15 =	vadd.f32 v15, v17  }
0x2e6: {  	v14 =	vadd.f32 v14, v18  }
0x2e7: {  	v17 =	vmov s28;
	v16 =	vadd.f32 v16, v19;
	v18 =	vperm.xlane v15, v3  }
0x2e8: {  	v19 =	vsel vm5, v30, v23;
	vm5 =	veq.s32 v17, v0;
	v17 =	vperm.xlane v14, v3  }
0x2e9: {  	v16 =	vsel vm5, v16, v19;
	v19 =	vmov s26;
	v15 =	vadd.f32 v15, v18  }
0x2ea: {  	vm5 =	veq.s32 v19, v0;
	v18 =	vmov s25;
	v14 =	vadd.f32 v14, v17  }
0x2eb: {  	v15 =	vsel vm5, v15, v16;
	vm5 =	veq.s32 v18, v0  }
0x2ec: {  	v14 =	vsel vm5, v14, v15  }
0x2ed: {  	v15 =	vmul.f32 v25, v22;
	v16 =	vmul.f32 v14, v22;
	_ =	sdelay $0x1  }
0x2ee: {  	v14 =	vmax.f32 v15, v16  }
0x2ef: {  	v17 =	vperm.xlane v14, v5;
	_ =	sdelay $0x1  }
0x2f0: {  	v14 =	vmax.f32 v14, v17  }
0x2f1: {  	v17 =	vperm.xlane v14, v6;
	_ =	sdelay $0x1  }
0x2f2: {  	v14 =	vmax.f32 v14, v17  }
0x2f3: {  	v17 =	vperm.xlane v14, v7;
	_ =	sdelay $0x1  }
0x2f4: {  	v14 =	vmax.f32 v14, v17  }
0x2f5: {  	v17 =	vperm.xlane v14, v8;
	_ =	sdelay $0x1  }
0x2f6: {  	v14 =	vmax.f32 v14, v17  }
0x2f7: {  	v15 =	vsub.f32 v15, v14  }
0x2f8: {  	v16 =	vsub.f32 v16, v14  }
0x2f9: {  	v15 =	vmul.f32 $8.838834610e-02, v15  }
0x2fa: {  	v16 =	vmul.f32 $8.838834610e-02, v16  }
0x2fb: {  	v15 =	vmul.f32 $1.442695020e+00, v15  }
0x2fc: {  	v16 =	vmul.f32 $1.442695020e+00, v16  }
0x2fd: {  	(erf) = vpow2.f32 v15  }
0x2fe: {  	(erf) = vpow2.f32 v16;
	_ =	sdelay $0x7  }
0x2ff: {  	v17 =	vpop (erf)  }
0x300: {  	v15 =	vpop (erf)  }
0x301: {  	v16 =	vadd.f32 v15, v17;
	_ =	sdelay $0x1  }
0x302: {  	v18 =	vperm.xlane v16, v5;
	_ =	sdelay $0x1  }
0x303: {  	v16 =	vadd.f32 v16, v18;
	_ =	sdelay $0x1  }
0x304: {  	v18 =	vperm.xlane v16, v6;
	_ =	sdelay $0x1  }
0x305: {  	v16 =	vadd.f32 v16, v18;
	_ =	sdelay $0x1  }
0x306: {  	v18 =	vperm.xlane v16, v7;
	_ =	sdelay $0x1  }
0x307: {  	v16 =	vadd.f32 v16, v18;
	_ =	sdelay $0x1  }
0x308: {  	v18 =	vperm.xlane v16, v8;
	_ =	sdelay $0x1  }
0x309: {  	v16 =	vadd.f32 v16, v18;
	_ =	sdelay $0x1  }
0x30a: {  	(erf) = vrcp.f32 v16;
	_ =	sdelay $0x6  }
0x30b: {  	v23 =	vld [tilespmem:s7+$0xFFFFFFE0]  }
0x30c: {  	v19 =	vld [tilespmem:s7+$0xFFFFFFC0]  }
0x30d: {  	v18 =	vld [tilespmem:s7+$0x30];
	v16 =	vpop (erf)  }
0x30e: {  	s1 =	simm.s32 $0x0;
	v22 =	vld [tilespmem:s7+$0xFFFFFFD0];
	v17 =	vmul.f32 v16, v17  }
0x30f: {  	v21 =	vmov s1  }
0x310: {  	v30 =	vld [tilespmem:s7+$0xFFFFFFF0];
	v21 =	vperm.xlane v17, v21  }
0x311: {  	v28 =	vld [tilespmem:s7+$0x0];
	v26 =	vimm.f32 $0.0e+00;
	v24 =	vimm.f32 $0.0e+00;
	v20 =	vimm.f32 $0.0e+00  }
0x312: {  	v27 =	vld [tilespmem:s7+$0x10];
	v25 =	vimm.f32 $0.0e+00;
	v18 =	vmul.f32 v18, v21;
	v19 =	vmul.f32 v19, v21  }
0x313: {  	v29 =	vld [tilespmem:s7+$0x20];
	s1 =	sadd.s32 $0x80, s7;
	v32 =	vmul.f32 v22, v21;
	v33 =	vmul.f32 v23, v21;
	v22 =	vimm.f32 $0.0e+00  }
0x314: {  	s2 =	simm.s32 $0x1;
	s3 =	simm.s32 $0x2;
	v31 =	vld [tilespmem:s1+$0x30];
	v23 =	vimm.f32 $0.0e+00;
	v18 =	vadd.f32 v18, v20;
	v19 =	vadd.f32 v19, v20  }
.LBB2_30:
0x315: {  	p0 =	seq.s32 s3, $0xF;
	v34 =	vld [tilespmem:s1+$0xFFFFFFC0];
	v20 =	vadd.f32 v32, v20;
	v30 =	vmul.f32 v30, v21  }
0x316: {  	v32 =	vmov s2;
	s2 =	smov.u32 s3;
	v35 =	vld [tilespmem:s1+$0xFFFFFFD0];
	v26 =	vadd.f32 v33, v26;
	v28 =	vmul.f32 v28, v21  }
0x317: {  	v32 =	vperm.xlane v17, v32;
	v33 =	vld [tilespmem:s1+$0xFFFFFFE0];
	v24 =	vadd.f32 v30, v24;
	v27 =	vmul.f32 v27, v21  }
.Ltmp13:
0x318: {  	v30 =	vld [tilespmem:s1+$0xFFFFFFF0];
	v25 =	vadd.f32 v28, v25;
	v29 =	vmul.f32 v29, v21;
	(pc) =	sbr.rel @!p0 .LBB2_30-.Ltmp13, $4  }
0x319: {  	v21 =	vmov v32;
	v28 =	vld [tilespmem:s1+$0x0];
	v31 =	vmul.f32 v31, v32;
	v22 =	vadd.f32 v27, v22  }
0x31a: {  	v34 =	vmul.f32 v34, v21;
	v27 =	vld [tilespmem:s1+$0x10];
	v23 =	vadd.f32 v29, v23  }
0x31b: {  	v32 =	vmul.f32 v35, v21;
	v29 =	vld [tilespmem:s1+$0x20];
	v18 =	vadd.f32 v31, v18;
	s1 =	sadd.s32 $0x80, s1  }
0x31c: {  	s3 =	sadd.s32 $0x1, s3;
	v31 =	vld [tilespmem:s1+$0x30];
	v19 =	vadd.f32 v34, v19;
	v33 =	vmul.f32 v33, v21  }
0x31d: {  	v34 =	vld [tilespmem:s1+$0xFFFFFFC0]  }
0x31e: {  	v35 =	vld [tilespmem:s1+$0xFFFFFFD0]  }
0x31f: {  	v36 =	vld [tilespmem:s1+$0xFFFFFFE0]  }
0x320: {  	v37 =	vld [tilespmem:s1+$0xFFFFFFF0];
	v30 =	vmul.f32 v30, v21;
	v61 =	vmov s2;
	v16 =	vmul.f32 v16, v15  }
0x321: {  	v20 =	vadd.f32 v32, v20;
	v38 =	vld [tilespmem:s1+$0x0];
	v28 =	vmul.f32 v28, v21;
	v17 =	vperm.xlane v17, v61  }
0x322: {  	v62 =	vld [tilespmem:s1+$0x10];
	v30 =	vadd.f32 v30, v24;
	v24 =	vmul.f32 v27, v21;
	v21 =	vmul.f32 v29, v21  }
0x323: {  	v26 =	vadd.f32 v33, v26;
	v27 =	vld [tilespmem:s1+$0x20];
	v25 =	vadd.f32 v28, v25;
	v28 =	vmul.f32 v31, v17  }
0x324: {  	v31 =	vadd.f32 v24, v22;
	v29 =	vmul.f32 v34, v17;
	v23 =	vadd.f32 v21, v23  }
0x325: {  	v21 =	vmul.f32 v35, v17;
	v28 =	vadd.f32 v28, v18;
	v18 =	vmul.f32 v36, v17  }
0x326: {  	v24 =	vadd.f32 v29, v19;
	v19 =	vmul.f32 v37, v17;
	v29 =	vmul.f32 v38, v17  }
0x327: {  	v15 =	vld [tilespmem:s8+$0x0];
	v20 =	vadd.f32 v21, v20;
	v21 =	vadd.f32 v18, v26;
	v18 =	vmul.f32 v62, v17  }
0x328: {  	v17 =	vmul.f32 v27, v17;
	v22 =	vadd.f32 v19, v30;
	v19 =	vadd.f32 v29, v25;
	v25 =	vld [tilespmem:s8+$0xFFFFFF90]  }
0x329: {  	s28 =	simm.s32 $0x0;
	v30 =	vld [tilespmem:s8+$0xFFFFFFA0]  }
0x32a: {  	v18 =	vadd.f32 v18, v31;
	v17 =	vadd.f32 v17, v23;
	v23 =	vmov s28;
	v31 =	vld [tilespmem:s8+$0xFFFFFFB0]  }
0x32b: {  	v29 =	vld [tilespmem:s8+$0xFFFFFFC0];
	v23 =	vperm.xlane v16, v23  }
0x32c: {  	v26 =	vld [tilespmem:s8+$0xFFFFFFD0]  }
0x32d: {  	v27 =	vld [tilespmem:s8+$0xFFFFFFE0];
	v15 =	vmul.f32 v15, v23;
	v63 =	vmul.f32 v25, v23  }
0x32e: {  	s1 =	sadd.s32 $0x80, s8;
	v30 =	vmul.f32 v30, v23;
	v25 =	vld [tilespmem:s8+$0xFFFFFFF0]  }
0x32f: {  	s2 =	simm.s32 $0x1;
	s3 =	simm.s32 $0x2;
	v15 =	vadd.f32 v15, v28;
	v28 =	vld [tilespmem:s1+$0x0];
	v31 =	vmul.f32 v31, v23;
	v24 =	vadd.f32 v63, v24  }
.LBB2_32:
0x330: {  	p0 =	sne.s32 s3, $0xF;
	v32 =	vld [tilespmem:s1+$0xFFFFFF90];
	v20 =	vadd.f32 v30, v20;
	v29 =	vmul.f32 v29, v23  }
0x331: {  	v30 =	vmov s2;
	s2 =	smov.u32 s3;
	v33 =	vld [tilespmem:s1+$0xFFFFFFA0];
	v21 =	vadd.f32 v31, v21;
	v26 =	vmul.f32 v26, v23  }
0x332: {  	v30 =	vperm.xlane v16, v30;
	v31 =	vld [tilespmem:s1+$0xFFFFFFB0];
	v22 =	vadd.f32 v29, v22;
	v27 =	vmul.f32 v27, v23  }
.Ltmp14:
0x333: {  	v29 =	vld [tilespmem:s1+$0xFFFFFFC0];
	v19 =	vadd.f32 v26, v19;
	v25 =	vmul.f32 v25, v23;
	(pc) =	sbr.rel @p0 .LBB2_32-.Ltmp14, $4  }
0x334: {  	v23 =	vmov v30;
	v26 =	vld [tilespmem:s1+$0xFFFFFFD0];
	v28 =	vmul.f32 v28, v30;
	v18 =	vadd.f32 v27, v18  }
0x335: {  	v32 =	vmul.f32 v32, v23;
	v27 =	vld [tilespmem:s1+$0xFFFFFFE0];
	v17 =	vadd.f32 v25, v17  }
0x336: {  	v30 =	vmul.f32 v33, v23;
	v25 =	vld [tilespmem:s1+$0xFFFFFFF0];
	v15 =	vadd.f32 v28, v15;
	s1 =	sadd.s32 $0x80, s1  }
0x337: {  	s3 =	sadd.s32 $0x1, s3;
	v28 =	vld [tilespmem:s1+$0x0];
	v24 =	vadd.f32 v32, v24;
	v31 =	vmul.f32 v31, v23  }
0x338: {  	v32 =	vld [tilespmem:s1+$0xFFFFFF90]  }
0x339: {  	v33 =	vld [tilespmem:s1+$0xFFFFFFA0]  }
0x33a: {  	v34 =	vmov s2;
	v35 =	vld [tilespmem:s1+$0xFFFFFFB0]  }
0x33b: {  	v52 =	vld [tilespmem:s1+$0xFFFFFFC0];
	v16 =	vperm.xlane v16, v34  }
0x33c: {  	v29 =	vmul.f32 v29, v23;
	v20 =	vadd.f32 v30, v20;
	v53 =	vld [tilespmem:s1+$0xFFFFFFD0];
	v13 =	vadd.f32 v14, v13  }
0x33d: {  	v55 =	vld [tilespmem:s1+$0xFFFFFFE0];
	v21 =	vadd.f32 v31, v21;
	v26 =	vmul.f32 v26, v23;
	v54 =	vmul.f32 v32, v16  }
0x33e: {  	v58 =	vld [tilespmem:s1+$0xFFFFFFF0];
	v22 =	vadd.f32 v29, v22;
	v27 =	vmul.f32 v27, v23;
	v57 =	vmul.f32 v33, v16  }
0x33f: {  	v19 =	vadd.f32 v26, v19;
	v59 =	vmul.f32 v35, v16;
	v24 =	vadd.f32 v54, v24  }
0x340: {  	v56 =	vmul.f32 v25, v23;
	v60 =	vmul.f32 v52, v16;
	v20 =	vadd.f32 v57, v20  }
0x341: {  	v28 =	vmul.f32 v28, v16;
	v61 =	vmul.f32 v53, v16;
	v21 =	vadd.f32 v59, v21;
	[tilespmem:s10+$0x17080] =	vst v24  }
0x342: {  	s0 =	sadd.s32 $0x1, s0;
	v18 =	vadd.f32 v27, v18;
	v62 =	vmul.f32 v55, v16;
	v22 =	vadd.f32 v60, v22;
	[tilespmem:s24+$0x17080] =	vst v20  }
0x343: {  	s28 =	sand.u32 $0xF, s9;
	p0 =	sne.s32 s0, $0x4;
	v17 =	vadd.f32 v56, v17;
	v16 =	vmul.f32 v58, v16;
	v14 =	vadd.f32 v61, v19;
	[tilespmem:s13+$0x17080] =	vst v21  }
.Ltmp15:
0x344: {  	v63 =	vmov s28;
	v18 =	vadd.f32 v62, v18;
	[tilespmem:s5+$0x17080] =	vst v22;
	(pc) =	sbr.rel @p0 .LBB2_21-.Ltmp15, $4  }
0x345: {  	v13 =	vmul.f32 $5.000000000e-01, v13;
	vm5 =	veq.s32 v63, v0;
	v16 =	vadd.f32 v16, v17;
	[tilespmem:s16+$0x17080] =	vst v14  }
0x346: {  	vm6 =	vmand vm1, vm5;
	vm7 =	vmand vm3, vm5;
	v14 =	vadd.f32 v28, v15;
	[tilespmem:s6+$0x17080] =	vst v18  }
0x347: {  	s21 =	sadd.s32 $0x200, s21;
	s22 =	sadd.s32 $0x200, s22;
	s30 =	sadd.s32 $0x1000, s30;
	v12 =	vsel vm6, v13, v12;
	vm6 =	vmand vm2, vm5;
	vm5 =	vmand vm4, vm5;
	[tilespmem:s12+$0x17080] =	vst v16  }
0x348: {  	s20 =	sadd.s32 $0x1000, s20;
	s7 =	sadd.s32 $0x1000, s7;
	s8 =	sadd.s32 $0x1000, s8;
	v10 =	vsel vm7, v13, v10;
	v11 =	vsel vm6, v13, v11;
	v9 =	vsel vm5, v13, v9;
	[tilespmem:s11+$0x17080] =	vst v14  }
0x349: {  	s17 =	sadd.s32 $0x1, s17  }
0x34a: {  	p0 =	sne.s32 s17, $0x8  }
.Ltmp16:
0x34b: {  	_ = 	snop;
	(pc) =	sbr.rel @p0 .LBB2_6-.Ltmp16, $1  }
0x34c: {  	_ =	sdelay $0x3  }
0x34d: {  	[tilespmem:$0x19080] =	vst v12  }
0x34e: {  	[tilespmem:$0x19090] =	vst v11  }
0x34f: {  	[tilespmem:$0x190A0] =	vst v10  }
0x350: {  	[tilespmem:$0x190B0] =	vst v9;
	s9 =	simm.s32 $0x0;
	s0 =	rddreg [dreg:$0xd];
	s1 =	simm.s32 $0x15080  }
0x351: {  	[hbm4b:s0+s9] =	stream.linear.scatter [tilespmem:s1], [sflag:$0x3], $0x2000, $0x38;
	[tilespmem:$0x19100] =	vst v63  }
0x352: {  	s1 =	simm.s32 $0x3  }
0x353: {  	_ =	swait.ge [sflag:s1], $0x2000  }
0x354: {  	[sflag:s1] =	ssyncset.done $0x0  }
0x355: {  	s2 =	simm.s32 $0x17080;
	s24 =	rddreg [dreg:$0x9];
	[sflag:s1] =	ssyncadd.s32 $0xFFFFE000  }
0x356: {  	[hbm4b:s24+s9] =	stream.linear.scatter [tilespmem:s2], [sflag:$0x3], $0x2000, $0x38;
	[tilespmem:$0x19100] =	vst v63  }
0x357: {  	_ =	swait.ge [sflag:s1], $0x2000  }
0x358: {  	[sflag:s1] =	ssyncset.done $0x0  }
0x359: {  	s26 =	simm.s32 $0x19080;
	s25 =	rddreg [dreg:$0xa];
	[sflag:s1] =	ssyncadd.s32 $0xFFFFE000  }
0x35a: {  	[hbm4b:s25+s9] =	stream.linear.scatter [tilespmem:s26], [sflag:$0x3], $0x40, $0x38;
	[tilespmem:$0x19100] =	vst v63  }
0x35b: {  	_ =	swait.ge [sflag:s1], $0x40  }
0x35c: {  	s28 =	rddreg [dreg:$0xf]  }
0x35d: {  	s30 =	rddreg [dreg:$0xe];
	s2 =	sadd.s32 $0x1, s28  }
0x35e: {  	p0 =	sne.s32 s2, s30  }
.Ltmp17:
0x35f: {  	_ = 	snop;
	(pc) =	sbr.rel @p0 .LBB2_1-.Ltmp17, $3  }
0x360: {  	_ =	sdelay $0x1  }
0x361: {  	[sflag:s1] =	ssyncset.done $0x0  }
0x362: {  	s4 =	simm.s32 $0x2080;
	[sflag:s1] =	ssyncadd.s32 $0xFFFFFFC0  }
0x363: {  	_ =	sfence.sel $0x180000  }
0x364: {  	[bflag:$0x0] =	sbarrier.arrive $0xFFFF  }
0x365: {  	_ =	strace $0x90000047  }
0x366: {  	s0 =	stileid.u32;
	[bflag:$0x2] =	sbarrier.arrive $0xFFFF  }
0x367: {  	p0 =	sne.s32 s0, $0x0;
	s0 =	rddreg [dreg:$0x8]  }
0x368: {  	s0 =	sadd.s32 @!p0 $0x100000, s0  }
0x369: {  	[sflag:s0] =	ssyncadd.tile.s32 @!p0 $0x1;
	_ =	shalt  }
.Lfunc_end2:
_tile_overlayer_lowered:
.L_overlay_start_2:
0x36a: {  	(tag) =	ssettag $0x2  }
0x36b: {  	s0 =	rddreg [dreg:$0x0];
	s2 =	stileid.u32  }
0x36c: {  	s1 =	rddreg [dreg:$0x1];
	p0 =	sne.s32 s2, $0x0  }
0x36d: {  	s3 =	rddreg [dreg:$0x2];
	[bflag:$0x3] =	sbarrier.arrive $0xFFFF;
	s2 =	simm.s32 @!p0 $0x1C03  }
0x36e: {  	[timem:s3], [sflag:s2] =	dma.local @!p0 [hbm:s0], s1  }
0x36f: {  	s0 =	simm.s32 @!p0 $0x3  }
0x370: {  	_ =	swait.ge @!p0 [sflag:s0], s1  }
0x371: {  	s1 =	ssub.s32 @!p0 $0x0, s1;
	[sflag:s0] =	ssyncset.done @!p0 $0x0  }
0x372: {  	[sflag:s0] =	ssyncadd.s32 @!p0 s1  }
0x373: {  	[bflag:$0x3] =	sbarrier.arrive $0xFFFF  }
0x374: {  	_ =	shalt  }

</sc_bundles>
